<compile_context>
chip_gen: v7x
topology: tpu7x:2x2x1
jax: 0.10.2.dev20260603
libtpu: 0.0.44.dev20260713+nightly
codegen_flags: <defaults>
</compile_context>

<pallas_src>
import functools

import jax
import jax.numpy as jnp
from jax import lax
from jax.experimental import pallas as pl
from jax.experimental.pallas import tpu as pltpu
from jax.experimental.pallas import tpu_sc as plsc

N = 10000
E = 320000
D = 128
NC = 2
NS = 16
LANE = 128
CD = 160
C = 165
EP = NS * C * LANE
NP = 10240
ROWS_PER_TILE = NP // NS
DH = D // NC
NB = 5


_MESH = plsc.VectorSubcoreMesh(core_axis_name="c", subcore_axis_name="s")


@functools.partial(
    pl.kernel,
    out_type=jax.ShapeDtypeStruct((NC * NP,), jnp.float32),
    mesh=_MESH,
    scratch_types=[
        pltpu.VMEM((CD // 2, LANE), jnp.int32),
        pltpu.VMEM((LANE,), jnp.float32),
        pltpu.VMEM((ROWS_PER_TILE,), jnp.float32),
        pltpu.VMEM_SHARED((NP,), jnp.float32),
    ],
)
def _deg(dst_hbm, out_hbm, idx_v, ones_v, zb_v, acc_s):
    cid = lax.axis_index("c")
    sid = lax.axis_index("s")
    wid = sid * NC + cid
    pltpu.sync_copy(dst_hbm.at[wid], idx_v)
    for i in range(LANE // 16):
        ones_v[pl.ds(i * 16, 16)] = jnp.ones((16,), jnp.float32)
    for i in range(ROWS_PER_TILE // 16):
        zb_v[pl.ds(i * 16, 16)] = jnp.zeros((16,), jnp.float32)
    base = sid * ROWS_PER_TILE
    pltpu.sync_copy(zb_v, acc_s.at[pl.ds(base, ROWS_PER_TILE)])
    plsc.subcore_barrier()

    def body(k, carry):
        pltpu.sync_copy(ones_v, acc_s.at[idx_v.at[k]], add=True)
        return carry

    lax.fori_loop(0, CD // 2, body, 0)
    plsc.subcore_barrier()
    pltpu.sync_copy(acc_s.at[pl.ds(base, ROWS_PER_TILE)],
                    out_hbm.at[pl.ds(cid * NP + base, ROWS_PER_TILE)])


@functools.partial(
    pl.kernel,
    out_type=jax.ShapeDtypeStruct((NC, NP, DH), jnp.float32),
    mesh=_MESH,
    scratch_types=[
        pltpu.VMEM((C, LANE), jnp.int32),
        pltpu.VMEM((C, LANE), jnp.int32),
        pltpu.VMEM((NB, LANE, DH), jnp.float32),
        pltpu.VMEM_SHARED((NP, DH), jnp.float32),
        [pltpu.SemaphoreType.DMA] * NB,
        [pltpu.SemaphoreType.DMA] * NB,
    ],
    compiler_params=pltpu.CompilerParams(use_tc_tiling_on_sc=False),
)
def _gather_scatter(y_hbm, zer_hbm, src_hbm, dst_hbm, out_hbm,
                    src_v, dst_v, buf_v, acc_s, gsems, ssems):
    cid = lax.axis_index("c")
    sid = lax.axis_index("s")
    pltpu.sync_copy(src_hbm.at[sid], src_v)
    pltpu.sync_copy(dst_hbm.at[sid], dst_v)

    @pl.when(cid == 1)
    def _():
        def obody(r, carry):
            row = src_v.at[r]
            for j in range(LANE // 16):
                sl = pl.ds(j * 16, 16)
                row[sl] = row[sl] + 1
            return carry

        lax.fori_loop(0, C, obody, 0)

    @pl.when(sid == 0)
    def _():
        pltpu.sync_copy(zer_hbm, acc_s)

    plsc.subcore_barrier()

    for b in range(NB):
        pltpu.async_copy(y_hbm.at[src_v.at[b]], buf_v.at[b], gsems[b])

    def body(j, carry):
        for b in range(NB):
            k = j * NB + b
            pltpu.make_async_copy(y_hbm.at[src_v.at[k]], buf_v.at[b],
                                  gsems[b]).wait()
            pltpu.async_copy(buf_v.at[b], acc_s.at[dst_v.at[k]], ssems[b],
                             add=True)
        for b in range(NB):
            k = j * NB + b
            kn = k + NB

            @pl.when(kn < C)
            def _():
                pltpu.make_async_copy(buf_v.at[b], acc_s.at[dst_v.at[k]],
                                      ssems[b]).wait()
                pltpu.async_copy(y_hbm.at[src_v.at[kn]], buf_v.at[b], gsems[b])

        return carry

    lax.fori_loop(0, C // NB, body, 0)
    for b in range(NB):
        k = C - NB + b
        pltpu.make_async_copy(buf_v.at[b], acc_s.at[dst_v.at[k]],
                              ssems[b]).wait()
    plsc.subcore_barrier()

    @pl.when(sid == 0)
    def _():
        pltpu.sync_copy(acc_s, out_hbm.at[cid])


BLK = 1024


def _mm_body(x_ref, w_ref, o_ref):
    o_ref[:N] = jnp.dot(x_ref[...], w_ref[...],
                        preferred_element_type=jnp.float32)
    o_ref[N:] = jnp.zeros((NP - N, D), jnp.float32)


def _tc1_body(xw_ref, dh_ref, y_ref):
    dinv = lax.rsqrt(1.0 + dh_ref[0, :] + dh_ref[1, :])
    y = xw_ref[...] * dinv[:, None]
    row = lax.broadcasted_iota(jnp.int32, (NP, 1), 0)
    y_ref[...] = jnp.where(row < N, y, 0.0)


def _tc2_body(s_ref, dh_ref, b_ref, w_ref, o_ref):
    dinv = lax.rsqrt(1.0 + dh_ref[0, :] + dh_ref[1, :])
    t = jnp.concatenate([s_ref[0], s_ref[1]], axis=1)
    h = jax.nn.relu(t * dinv[:, None] + b_ref[...][None, :])
    y2 = jnp.dot(h, w_ref[...], preferred_element_type=jnp.float32)
    o_ref[...] = y2 * dinv[:, None]


def _tc3_body(s_ref, dh_ref, b_ref, o_ref):
    dinv = lax.rsqrt(1.0 + dh_ref[0, :] + dh_ref[1, :])
    t = jnp.concatenate([s_ref[0], s_ref[1]], axis=1)
    o_ref[...] = jax.nn.relu(t * dinv[:, None] + b_ref[...][None, :])[:N]


_mm = pl.pallas_call(
    _mm_body, out_shape=jax.ShapeDtypeStruct((NP, D), jnp.float32))
_tc1 = pl.pallas_call(
    _tc1_body, out_shape=jax.ShapeDtypeStruct((NP, D), jnp.float32))
_tc2 = pl.pallas_call(
    _tc2_body, out_shape=jax.ShapeDtypeStruct((NP, D), jnp.float32))
_tc3 = pl.pallas_call(
    _tc3_body, out_shape=jax.ShapeDtypeStruct((N, D), jnp.float32))


def kernel(x, edge_index, W1, b1, W2, b2):
    ei = edge_index.astype(jnp.int32)
    src, dst = ei[0], ei[1]
    loop = jnp.arange(N, dtype=jnp.int32)
    pad_d = (jnp.arange(NS * CD * LANE - E, dtype=jnp.int32) % (NP - N)) + N
    pad_s = (jnp.arange(NS * C * LANE - E - N, dtype=jnp.int32)
             % (NP - N)) + N
    dst_w = jnp.concatenate([dst, pad_d]).reshape(NC * NS, CD // 2, LANE)
    src_t = (jnp.concatenate([src, loop, pad_s]) * 2).reshape(NS, C, LANE)
    dst_t = jnp.concatenate([dst, loop, pad_s]).reshape(NS, C, LANE)
    zer = jnp.zeros((NP, DH), jnp.float32)

    dh = _deg(dst_w).reshape(NC, NP)
    xw = _mm(x.astype(jnp.float32), W1)
    y1 = _tc1(xw, dh)
    s1 = _gather_scatter(y1.reshape(NC * NP, DH), zer, src_t, dst_t)
    y2 = _tc2(s1, dh, b1, W2)
    s2 = _gather_scatter(y2.reshape(NC * NP, DH), zer, src_t, dst_t)
    return _tc3(s2, dh, b2)

# --- scband reference (transcript-rebuilt; emitter-appended) ---
"""Pipeline reference for scband-gnnmodel-19739669692529 (READ-ONLY COPY).

The authoritative reference and input builder live on the scoring server;
editing this copy changes nothing except your own understanding.
"""

import jax, jax.numpy as jnp
import numpy as np

N_NODES = 10000
N_EDGES = 320000
D = 128


def _gcn_conv(x, edge_index, W, b):
    N = x.shape[0]
    src = edge_index[0]
    dst = edge_index[1]
    loop = jnp.arange(N, dtype=edge_index.dtype)
    src = jnp.concatenate([src, loop])
    dst = jnp.concatenate([dst, loop])
    deg = jnp.zeros((N,), dtype=x.dtype).at[dst].add(1.0)
    dinv = jnp.where(deg > 0, 1.0 / jnp.sqrt(deg), 0.0)
    norm = dinv[src] * dinv[dst]
    xw = x @ W
    msg = xw[src] * norm[:, None]
    out = jnp.zeros((N, W.shape[1]), dtype=x.dtype).at[dst].add(msg)
    return out + b


def setup_inputs(seed: int = 0) -> dict:
    key = jax.random.key(seed)
    k1, k2, k3, k4, k5, k6 = jax.random.split(key, 6)
    x = jax.random.normal(k1, (N_NODES, D), dtype=jnp.float32)
    edge_index = jax.random.randint(k2, (2, N_EDGES), 0, N_NODES, dtype=jnp.int64)
    scale = 1.0 / np.sqrt(D)
    W1 = jax.random.uniform(k3, (D, D), dtype=jnp.float32, minval=-scale, maxval=scale)
    b1 = jax.random.uniform(k4, (D,), dtype=jnp.float32, minval=-scale, maxval=scale)
    W2 = jax.random.uniform(k5, (D, D), dtype=jnp.float32, minval=-scale, maxval=scale)
    b2 = jax.random.uniform(k6, (D,), dtype=jnp.float32, minval=-scale, maxval=scale)
    return {"x": x, "edge_index": edge_index, "W1": W1, "b1": b1, "W2": W2, "b2": b2}


def reference(x, edge_index, W1, b1, W2, b2):
    # Layer 1: GCNConv + ReLU (dropout is identity in eval mode)
    h = jax.nn.relu(_gcn_conv(x, edge_index, W1, b1))
    # Layer 2: GCNConv + ReLU
    h = jax.nn.relu(_gcn_conv(h, edge_index, W2, b2))
    return h

if __name__ == "__main__":
    import jax
    _d = setup_inputs()
    print(jax.jit(kernel)(*tuple(_d.values())))

</pallas_src>

<mosaic_0001>
#map = affine_map<(d0, d1) -> (0, 0)>
#map1 = affine_map<(d0, d1) -> (0, 0, 0)>
module attributes {stable_mosaic.version = 14 : i64} {
  func.func @_gather_scatter(%arg0: i32, %arg1: i32, %arg2: memref<20480x64xf32, #tpu.memory_space<hbm>>, %arg3: memref<10240x64xf32, #tpu.memory_space<hbm>>, %arg4: memref<16x165x128xi32, #tpu.memory_space<hbm>>, %arg5: memref<16x165x128xi32, #tpu.memory_space<hbm>>, %arg6: memref<2x10240x64xf32, #tpu.memory_space<hbm>>, %arg7: memref<165x128xi32, #tpu.memory_space<vmem>>, %arg8: memref<165x128xi32, #tpu.memory_space<vmem>>, %arg9: memref<5x128x64xf32, #tpu.memory_space<vmem>>, %arg10: memref<10240x64xf32, #tpu.memory_space<vmem_shared>>, %arg11: memref<!tpu.dma_semaphore, #tpu.memory_space<semaphore_mem>>, %arg12: memref<!tpu.dma_semaphore, #tpu.memory_space<semaphore_mem>>, %arg13: memref<!tpu.dma_semaphore, #tpu.memory_space<semaphore_mem>>, %arg14: memref<!tpu.dma_semaphore, #tpu.memory_space<semaphore_mem>>, %arg15: memref<!tpu.dma_semaphore, #tpu.memory_space<semaphore_mem>>, %arg16: memref<!tpu.dma_semaphore, #tpu.memory_space<semaphore_mem>>, %arg17: memref<!tpu.dma_semaphore, #tpu.memory_space<semaphore_mem>>, %arg18: memref<!tpu.dma_semaphore, #tpu.memory_space<semaphore_mem>>, %arg19: memref<!tpu.dma_semaphore, #tpu.memory_space<semaphore_mem>>, %arg20: memref<!tpu.dma_semaphore, #tpu.memory_space<semaphore_mem>>) attributes {dimension_semantics = [#tpu.dimension_semantics<core_parallel>, #tpu.dimension_semantics<subcore_parallel>], iteration_bounds = array<i64: 2, 16>, scalar_prefetch = 0 : i64, scratch_operands = 14 : i64, tpu.core_type = #tpu.core_type<sc_vector_subcore>, window_params = [{transform_indices = #map}, {transform_indices = #map}, {transform_indices = #map1}, {transform_indices = #map1}, {transform_indices = #map1}]} {
    "tpu.region"() ({
      %run_scoped3A = tpu.sem_alloc : memref<!tpu.dma_semaphore, #tpu.memory_space<semaphore_mem>>
      %dma_start3A_136 = arith.constant 0 : i32
      %dma_start3A_137 = arith.constant 0 : i32
      %dma_start3A_138 = tpu.memref_slice %arg4[%arg1, %dma_start3A_136, %dma_start3A_137] : memref<16x165x128xi32, #tpu.memory_space<hbm>> -> memref<1x165x128xi32, #tpu.memory_space<hbm>>
      %dma_start3A_139 = tpu.memref_squeeze %dma_start3A_138 : memref<1x165x128xi32, #tpu.memory_space<hbm>> -> memref<165x128xi32, #tpu.memory_space<hbm>>
      %dma_start3A_140 = arith.constant 0 : i32
      %dma_start3A_141 = arith.constant 0 : i32
      %dma_start3A_142 = tpu.memref_slice %arg4[%arg1, %dma_start3A_140, %dma_start3A_141] : memref<16x165x128xi32, #tpu.memory_space<hbm>> -> memref<1x165x128xi32, #tpu.memory_space<hbm>>
      %dma_start3A_143 = tpu.memref_squeeze %dma_start3A_142 : memref<1x165x128xi32, #tpu.memory_space<hbm>> -> memref<165x128xi32, #tpu.memory_space<hbm>>
      tpu.enqueue_dma source(%dma_start3A_143 : memref<165x128xi32, #tpu.memory_space<hbm>>) target(%arg7 : memref<165x128xi32, #tpu.memory_space<vmem>>) target_semaphore(%run_scoped3A : memref<!tpu.dma_semaphore, #tpu.memory_space<semaphore_mem>>)
      %dma_wait3A_144 = arith.constant 0 : i32
      %dma_wait3A_145 = arith.constant 0 : i32
      %dma_wait3A_146 = tpu.memref_slice %arg4[%arg1, %dma_wait3A_144, %dma_wait3A_145] : memref<16x165x128xi32, #tpu.memory_space<hbm>> -> memref<1x165x128xi32, #tpu.memory_space<hbm>>
      %dma_wait3A_147 = tpu.memref_squeeze %dma_wait3A_146 : memref<1x165x128xi32, #tpu.memory_space<hbm>> -> memref<165x128xi32, #tpu.memory_space<hbm>>
      %dma_wait3A_148 = arith.constant 0 : i32
      %dma_wait3A_149 = arith.constant 0 : i32
      %dma_wait3A_150 = tpu.memref_slice %arg4[%arg1, %dma_wait3A_148, %dma_wait3A_149] : memref<16x165x128xi32, #tpu.memory_space<hbm>> -> memref<1x165x128xi32, #tpu.memory_space<hbm>>
      %dma_wait3A_151 = tpu.memref_squeeze %dma_wait3A_150 : memref<1x165x128xi32, #tpu.memory_space<hbm>> -> memref<165x128xi32, #tpu.memory_space<hbm>>
      tpu.wait_dma2 semaphore(%run_scoped3A : memref<!tpu.dma_semaphore, #tpu.memory_space<semaphore_mem>>) src(%dma_wait3A_151 : memref<165x128xi32, #tpu.memory_space<hbm>>) dst(%arg7 : memref<165x128xi32, #tpu.memory_space<vmem>>)
      tpu.yield
    }) : () -> ()
    "tpu.region"() ({
      %run_scoped3A = tpu.sem_alloc : memref<!tpu.dma_semaphore, #tpu.memory_space<semaphore_mem>>
      %dma_start3A_136 = arith.constant 0 : i32
      %dma_start3A_137 = arith.constant 0 : i32
      %dma_start3A_138 = tpu.memref_slice %arg5[%arg1, %dma_start3A_136, %dma_start3A_137] : memref<16x165x128xi32, #tpu.memory_space<hbm>> -> memref<1x165x128xi32, #tpu.memory_space<hbm>>
      %dma_start3A_139 = tpu.memref_squeeze %dma_start3A_138 : memref<1x165x128xi32, #tpu.memory_space<hbm>> -> memref<165x128xi32, #tpu.memory_space<hbm>>
      %dma_start3A_140 = arith.constant 0 : i32
      %dma_start3A_141 = arith.constant 0 : i32
      %dma_start3A_142 = tpu.memref_slice %arg5[%arg1, %dma_start3A_140, %dma_start3A_141] : memref<16x165x128xi32, #tpu.memory_space<hbm>> -> memref<1x165x128xi32, #tpu.memory_space<hbm>>
      %dma_start3A_143 = tpu.memref_squeeze %dma_start3A_142 : memref<1x165x128xi32, #tpu.memory_space<hbm>> -> memref<165x128xi32, #tpu.memory_space<hbm>>
      tpu.enqueue_dma source(%dma_start3A_143 : memref<165x128xi32, #tpu.memory_space<hbm>>) target(%arg8 : memref<165x128xi32, #tpu.memory_space<vmem>>) target_semaphore(%run_scoped3A : memref<!tpu.dma_semaphore, #tpu.memory_space<semaphore_mem>>)
      %dma_wait3A_144 = arith.constant 0 : i32
      %dma_wait3A_145 = arith.constant 0 : i32
      %dma_wait3A_146 = tpu.memref_slice %arg5[%arg1, %dma_wait3A_144, %dma_wait3A_145] : memref<16x165x128xi32, #tpu.memory_space<hbm>> -> memref<1x165x128xi32, #tpu.memory_space<hbm>>
      %dma_wait3A_147 = tpu.memref_squeeze %dma_wait3A_146 : memref<1x165x128xi32, #tpu.memory_space<hbm>> -> memref<165x128xi32, #tpu.memory_space<hbm>>
      %dma_wait3A_148 = arith.constant 0 : i32
      %dma_wait3A_149 = arith.constant 0 : i32
      %dma_wait3A_150 = tpu.memref_slice %arg5[%arg1, %dma_wait3A_148, %dma_wait3A_149] : memref<16x165x128xi32, #tpu.memory_space<hbm>> -> memref<1x165x128xi32, #tpu.memory_space<hbm>>
      %dma_wait3A_151 = tpu.memref_squeeze %dma_wait3A_150 : memref<1x165x128xi32, #tpu.memory_space<hbm>> -> memref<165x128xi32, #tpu.memory_space<hbm>>
      tpu.wait_dma2 semaphore(%run_scoped3A : memref<!tpu.dma_semaphore, #tpu.memory_space<semaphore_mem>>) src(%dma_wait3A_151 : memref<165x128xi32, #tpu.memory_space<hbm>>) dst(%arg8 : memref<165x128xi32, #tpu.memory_space<vmem>>)
      tpu.yield
    }) : () -> ()
    %eq3A = arith.constant 1 : i32
    %eq3A_0 = arith.cmpi eq, %arg0, %eq3A : i32
    %convert_element_type3A = arith.extui %eq3A_0 : i1 to i32
    %cond3A = arith.constant 0 : i32
    %cond3A_1 = arith.cmpi ne, %convert_element_type3A, %cond3A : i32
    scf.if %cond3A_1 {
      %scan3A_136 = arith.constant 0 : i32
      %scan3A_137 = arith.constant 0 : i32
      %scan3A_138 = arith.constant 165 : i32
      %scan3A_139 = arith.addi %scan3A_137, %scan3A_138 : i32
      %scan3A_140 = arith.constant 1 : i32
      scf.for %scan3A_142 = %scan3A_137 to %scan3A_139 step %scan3A_140  : i32 {
        %get3A = arith.constant 0 : i32
        %get3A_143 = tpu.memref_slice %arg7[%scan3A_142, %get3A] : memref<165x128xi32, #tpu.memory_space<vmem>> -> memref<1x128xi32, #tpu.memory_space<vmem>>
        %get3A_144 = tpu.memref_squeeze %get3A_143 : memref<1x128xi32, #tpu.memory_space<vmem>> -> memref<128xi32, #tpu.memory_space<vmem>>
        %get3A_145 = arith.constant 0 : index
        %get3A_146 = tpu.vector_load %get3A_144[%get3A_145] {strides = array<i32>} : memref<128xi32, #tpu.memory_space<vmem>>, vector<16xi32>,
        %get3A_147 = vector.shape_cast %get3A_146 : vector<16xi32> to vector<16xi32>
        %add3A = arith.constant 1 : i32
        %add3A_148 = vector.broadcast %add3A : i32 to vector<16xi32>
        %add3A_149 = arith.addi %get3A_147, %add3A_148 : vector<16xi32>
        %swap3A = arith.constant 0 : i32
        %swap3A_150 = tpu.memref_slice %arg7[%scan3A_142, %swap3A] : memref<165x128xi32, #tpu.memory_space<vmem>> -> memref<1x128xi32, #tpu.memory_space<vmem>>
        %swap3A_151 = tpu.memref_squeeze %swap3A_150 : memref<1x128xi32, #tpu.memory_space<vmem>> -> memref<128xi32, #tpu.memory_space<vmem>>
        %swap3A_152 = arith.constant 0 : index
        %swap3A_153 = tpu.vector_load %swap3A_151[%swap3A_152] {strides = array<i32>} : memref<128xi32, #tpu.memory_space<vmem>>, vector<16xi32>,
        %swap3A_154 = vector.shape_cast %swap3A_153 : vector<16xi32> to vector<16xi32>
        %swap3A_155 = vector.shape_cast %add3A_149 : vector<16xi32> to vector<16xi32>
        tpu.vector_store %swap3A_151[%swap3A_152], %swap3A_155 {strides = array<i32>} : memref<128xi32, #tpu.memory_space<vmem>>, vector<16xi32>,
        %get3A_156 = arith.constant 0 : i32
        %get3A_157 = tpu.memref_slice %arg7[%scan3A_142, %get3A_156] : memref<165x128xi32, #tpu.memory_space<vmem>> -> memref<1x128xi32, #tpu.memory_space<vmem>>
        %get3A_158 = tpu.memref_squeeze %get3A_157 : memref<1x128xi32, #tpu.memory_space<vmem>> -> memref<128xi32, #tpu.memory_space<vmem>>
        %get3A_159 = arith.constant 16 : index
        %get3A_160 = tpu.vector_load %get3A_158[%get3A_159] {strides = array<i32>} : memref<128xi32, #tpu.memory_space<vmem>>, vector<16xi32>,
        %get3A_161 = vector.shape_cast %get3A_160 : vector<16xi32> to vector<16xi32>
        %add3A_162 = arith.constant 1 : i32
        %add3A_163 = vector.broadcast %add3A_162 : i32 to vector<16xi32>
        %add3A_164 = arith.addi %get3A_161, %add3A_163 : vector<16xi32>
        %swap3A_165 = arith.constant 0 : i32
        %swap3A_166 = tpu.memref_slice %arg7[%scan3A_142, %swap3A_165] : memref<165x128xi32, #tpu.memory_space<vmem>> -> memref<1x128xi32, #tpu.memory_space<vmem>>
        %swap3A_167 = tpu.memref_squeeze %swap3A_166 : memref<1x128xi32, #tpu.memory_space<vmem>> -> memref<128xi32, #tpu.memory_space<vmem>>
        %swap3A_168 = arith.constant 16 : index
        %swap3A_169 = tpu.vector_load %swap3A_167[%swap3A_168] {strides = array<i32>} : memref<128xi32, #tpu.memory_space<vmem>>, vector<16xi32>,
        %swap3A_170 = vector.shape_cast %swap3A_169 : vector<16xi32> to vector<16xi32>
        %swap3A_171 = vector.shape_cast %add3A_164 : vector<16xi32> to vector<16xi32>
        tpu.vector_store %swap3A_167[%swap3A_168], %swap3A_171 {strides = array<i32>} : memref<128xi32, #tpu.memory_space<vmem>>, vector<16xi32>,
        %get3A_172 = arith.constant 0 : i32
        %get3A_173 = tpu.memref_slice %arg7[%scan3A_142, %get3A_172] : memref<165x128xi32, #tpu.memory_space<vmem>> -> memref<1x128xi32, #tpu.memory_space<vmem>>
        %get3A_174 = tpu.memref_squeeze %get3A_173 : memref<1x128xi32, #tpu.memory_space<vmem>> -> memref<128xi32, #tpu.memory_space<vmem>>
        %get3A_175 = arith.constant 32 : index
        %get3A_176 = tpu.vector_load %get3A_174[%get3A_175] {strides = array<i32>} : memref<128xi32, #tpu.memory_space<vmem>>, vector<16xi32>,
        %get3A_177 = vector.shape_cast %get3A_176 : vector<16xi32> to vector<16xi32>
        %add3A_178 = arith.constant 1 : i32
        %add3A_179 = vector.broadcast %add3A_178 : i32 to vector<16xi32>
        %add3A_180 = arith.addi %get3A_177, %add3A_179 : vector<16xi32>
        %swap3A_181 = arith.constant 0 : i32
        %swap3A_182 = tpu.memref_slice %arg7[%scan3A_142, %swap3A_181] : memref<165x128xi32, #tpu.memory_space<vmem>> -> memref<1x128xi32, #tpu.memory_space<vmem>>
        %swap3A_183 = tpu.memref_squeeze %swap3A_182 : memref<1x128xi32, #tpu.memory_space<vmem>> -> memref<128xi32, #tpu.memory_space<vmem>>
        %swap3A_184 = arith.constant 32 : index
        %swap3A_185 = tpu.vector_load %swap3A_183[%swap3A_184] {strides = array<i32>} : memref<128xi32, #tpu.memory_space<vmem>>, vector<16xi32>,
        %swap3A_186 = vector.shape_cast %swap3A_185 : vector<16xi32> to vector<16xi32>
        %swap3A_187 = vector.shape_cast %add3A_180 : vector<16xi32> to vector<16xi32>
        tpu.vector_store %swap3A_183[%swap3A_184], %swap3A_187 {strides = array<i32>} : memref<128xi32, #tpu.memory_space<vmem>>, vector<16xi32>,
        %get3A_188 = arith.constant 0 : i32
        %get3A_189 = tpu.memref_slice %arg7[%scan3A_142, %get3A_188] : memref<165x128xi32, #tpu.memory_space<vmem>> -> memref<1x128xi32, #tpu.memory_space<vmem>>
        %get3A_190 = tpu.memref_squeeze %get3A_189 : memref<1x128xi32, #tpu.memory_space<vmem>> -> memref<128xi32, #tpu.memory_space<vmem>>
        %get3A_191 = arith.constant 48 : index
        %get3A_192 = tpu.vector_load %get3A_190[%get3A_191] {strides = array<i32>} : memref<128xi32, #tpu.memory_space<vmem>>, vector<16xi32>,
        %get3A_193 = vector.shape_cast %get3A_192 : vector<16xi32> to vector<16xi32>
        %add3A_194 = arith.constant 1 : i32
        %add3A_195 = vector.broadcast %add3A_194 : i32 to vector<16xi32>
        %add3A_196 = arith.addi %get3A_193, %add3A_195 : vector<16xi32>
        %swap3A_197 = arith.constant 0 : i32
        %swap3A_198 = tpu.memref_slice %arg7[%scan3A_142, %swap3A_197] : memref<165x128xi32, #tpu.memory_space<vmem>> -> memref<1x128xi32, #tpu.memory_space<vmem>>
        %swap3A_199 = tpu.memref_squeeze %swap3A_198 : memref<1x128xi32, #tpu.memory_space<vmem>> -> memref<128xi32, #tpu.memory_space<vmem>>
        %swap3A_200 = arith.constant 48 : index
        %swap3A_201 = tpu.vector_load %swap3A_199[%swap3A_200] {strides = array<i32>} : memref<128xi32, #tpu.memory_space<vmem>>, vector<16xi32>,
        %swap3A_202 = vector.shape_cast %swap3A_201 : vector<16xi32> to vector<16xi32>
        %swap3A_203 = vector.shape_cast %add3A_196 : vector<16xi32> to vector<16xi32>
        tpu.vector_store %swap3A_199[%swap3A_200], %swap3A_203 {strides = array<i32>} : memref<128xi32, #tpu.memory_space<vmem>>, vector<16xi32>,
        %get3A_204 = arith.constant 0 : i32
        %get3A_205 = tpu.memref_slice %arg7[%scan3A_142, %get3A_204] : memref<165x128xi32, #tpu.memory_space<vmem>> -> memref<1x128xi32, #tpu.memory_space<vmem>>
        %get3A_206 = tpu.memref_squeeze %get3A_205 : memref<1x128xi32, #tpu.memory_space<vmem>> -> memref<128xi32, #tpu.memory_space<vmem>>
        %get3A_207 = arith.constant 64 : index
        %get3A_208 = tpu.vector_load %get3A_206[%get3A_207] {strides = array<i32>} : memref<128xi32, #tpu.memory_space<vmem>>, vector<16xi32>,
        %get3A_209 = vector.shape_cast %get3A_208 : vector<16xi32> to vector<16xi32>
        %add3A_210 = arith.constant 1 : i32
        %add3A_211 = vector.broadcast %add3A_210 : i32 to vector<16xi32>
        %add3A_212 = arith.addi %get3A_209, %add3A_211 : vector<16xi32>
        %swap3A_213 = arith.constant 0 : i32
        %swap3A_214 = tpu.memref_slice %arg7[%scan3A_142, %swap3A_213] : memref<165x128xi32, #tpu.memory_space<vmem>> -> memref<1x128xi32, #tpu.memory_space<vmem>>
        %swap3A_215 = tpu.memref_squeeze %swap3A_214 : memref<1x128xi32, #tpu.memory_space<vmem>> -> memref<128xi32, #tpu.memory_space<vmem>>
        %swap3A_216 = arith.constant 64 : index
        %swap3A_217 = tpu.vector_load %swap3A_215[%swap3A_216] {strides = array<i32>} : memref<128xi32, #tpu.memory_space<vmem>>, vector<16xi32>,
        %swap3A_218 = vector.shape_cast %swap3A_217 : vector<16xi32> to vector<16xi32>
        %swap3A_219 = vector.shape_cast %add3A_212 : vector<16xi32> to vector<16xi32>
        tpu.vector_store %swap3A_215[%swap3A_216], %swap3A_219 {strides = array<i32>} : memref<128xi32, #tpu.memory_space<vmem>>, vector<16xi32>,
        %get3A_220 = arith.constant 0 : i32
        %get3A_221 = tpu.memref_slice %arg7[%scan3A_142, %get3A_220] : memref<165x128xi32, #tpu.memory_space<vmem>> -> memref<1x128xi32, #tpu.memory_space<vmem>>
        %get3A_222 = tpu.memref_squeeze %get3A_221 : memref<1x128xi32, #tpu.memory_space<vmem>> -> memref<128xi32, #tpu.memory_space<vmem>>
        %get3A_223 = arith.constant 80 : index
        %get3A_224 = tpu.vector_load %get3A_222[%get3A_223] {strides = array<i32>} : memref<128xi32, #tpu.memory_space<vmem>>, vector<16xi32>,
        %get3A_225 = vector.shape_cast %get3A_224 : vector<16xi32> to vector<16xi32>
        %add3A_226 = arith.constant 1 : i32
        %add3A_227 = vector.broadcast %add3A_226 : i32 to vector<16xi32>
        %add3A_228 = arith.addi %get3A_225, %add3A_227 : vector<16xi32>
        %swap3A_229 = arith.constant 0 : i32
        %swap3A_230 = tpu.memref_slice %arg7[%scan3A_142, %swap3A_229] : memref<165x128xi32, #tpu.memory_space<vmem>> -> memref<1x128xi32, #tpu.memory_space<vmem>>
        %swap3A_231 = tpu.memref_squeeze %swap3A_230 : memref<1x128xi32, #tpu.memory_space<vmem>> -> memref<128xi32, #tpu.memory_space<vmem>>
        %swap3A_232 = arith.constant 80 : index
        %swap3A_233 = tpu.vector_load %swap3A_231[%swap3A_232] {strides = array<i32>} : memref<128xi32, #tpu.memory_space<vmem>>, vector<16xi32>,
        %swap3A_234 = vector.shape_cast %swap3A_233 : vector<16xi32> to vector<16xi32>
        %swap3A_235 = vector.shape_cast %add3A_228 : vector<16xi32> to vector<16xi32>
        tpu.vector_store %swap3A_231[%swap3A_232], %swap3A_235 {strides = array<i32>} : memref<128xi32, #tpu.memory_space<vmem>>, vector<16xi32>,
        %get3A_236 = arith.constant 0 : i32
        %get3A_237 = tpu.memref_slice %arg7[%scan3A_142, %get3A_236] : memref<165x128xi32, #tpu.memory_space<vmem>> -> memref<1x128xi32, #tpu.memory_space<vmem>>
        %get3A_238 = tpu.memref_squeeze %get3A_237 : memref<1x128xi32, #tpu.memory_space<vmem>> -> memref<128xi32, #tpu.memory_space<vmem>>
        %get3A_239 = arith.constant 96 : index
        %get3A_240 = tpu.vector_load %get3A_238[%get3A_239] {strides = array<i32>} : memref<128xi32, #tpu.memory_space<vmem>>, vector<16xi32>,
        %get3A_241 = vector.shape_cast %get3A_240 : vector<16xi32> to vector<16xi32>
        %add3A_242 = arith.constant 1 : i32
        %add3A_243 = vector.broadcast %add3A_242 : i32 to vector<16xi32>
        %add3A_244 = arith.addi %get3A_241, %add3A_243 : vector<16xi32>
        %swap3A_245 = arith.constant 0 : i32
        %swap3A_246 = tpu.memref_slice %arg7[%scan3A_142, %swap3A_245] : memref<165x128xi32, #tpu.memory_space<vmem>> -> memref<1x128xi32, #tpu.memory_space<vmem>>
        %swap3A_247 = tpu.memref_squeeze %swap3A_246 : memref<1x128xi32, #tpu.memory_space<vmem>> -> memref<128xi32, #tpu.memory_space<vmem>>
        %swap3A_248 = arith.constant 96 : index
        %swap3A_249 = tpu.vector_load %swap3A_247[%swap3A_248] {strides = array<i32>} : memref<128xi32, #tpu.memory_space<vmem>>, vector<16xi32>,
        %swap3A_250 = vector.shape_cast %swap3A_249 : vector<16xi32> to vector<16xi32>
        %swap3A_251 = vector.shape_cast %add3A_244 : vector<16xi32> to vector<16xi32>
        tpu.vector_store %swap3A_247[%swap3A_248], %swap3A_251 {strides = array<i32>} : memref<128xi32, #tpu.memory_space<vmem>>, vector<16xi32>,
        %get3A_252 = arith.constant 0 : i32
        %get3A_253 = tpu.memref_slice %arg7[%scan3A_142, %get3A_252] : memref<165x128xi32, #tpu.memory_space<vmem>> -> memref<1x128xi32, #tpu.memory_space<vmem>>
        %get3A_254 = tpu.memref_squeeze %get3A_253 : memref<1x128xi32, #tpu.memory_space<vmem>> -> memref<128xi32, #tpu.memory_space<vmem>>
        %get3A_255 = arith.constant 112 : index
        %get3A_256 = tpu.vector_load %get3A_254[%get3A_255] {strides = array<i32>} : memref<128xi32, #tpu.memory_space<vmem>>, vector<16xi32>,
        %get3A_257 = vector.shape_cast %get3A_256 : vector<16xi32> to vector<16xi32>
        %add3A_258 = arith.constant 1 : i32
        %add3A_259 = vector.broadcast %add3A_258 : i32 to vector<16xi32>
        %add3A_260 = arith.addi %get3A_257, %add3A_259 : vector<16xi32>
        %swap3A_261 = arith.constant 0 : i32
        %swap3A_262 = tpu.memref_slice %arg7[%scan3A_142, %swap3A_261] : memref<165x128xi32, #tpu.memory_space<vmem>> -> memref<1x128xi32, #tpu.memory_space<vmem>>
        %swap3A_263 = tpu.memref_squeeze %swap3A_262 : memref<1x128xi32, #tpu.memory_space<vmem>> -> memref<128xi32, #tpu.memory_space<vmem>>
        %swap3A_264 = arith.constant 112 : index
        %swap3A_265 = tpu.vector_load %swap3A_263[%swap3A_264] {strides = array<i32>} : memref<128xi32, #tpu.memory_space<vmem>>, vector<16xi32>,
        %swap3A_266 = vector.shape_cast %swap3A_265 : vector<16xi32> to vector<16xi32>
        %swap3A_267 = vector.shape_cast %add3A_260 : vector<16xi32> to vector<16xi32>
        tpu.vector_store %swap3A_263[%swap3A_264], %swap3A_267 {strides = array<i32>} : memref<128xi32, #tpu.memory_space<vmem>>, vector<16xi32>,
      }
      %scan3A_141 = arith.constant 165 : i32
    } else {
    }
    %eq3A_2 = arith.constant 0 : i32
    %eq3A_3 = arith.cmpi eq, %arg1, %eq3A_2 : i32
    %convert_element_type3A_4 = arith.extui %eq3A_3 : i1 to i32
    %cond3A_5 = arith.constant 0 : i32
    %cond3A_6 = arith.cmpi ne, %convert_element_type3A_4, %cond3A_5 : i32
    scf.if %cond3A_6 {
      "tpu.region"() ({
        %run_scoped3A = tpu.sem_alloc : memref<!tpu.dma_semaphore, #tpu.memory_space<semaphore_mem>>
        tpu.enqueue_dma source(%arg3 : memref<10240x64xf32, #tpu.memory_space<hbm>>) target(%arg10 : memref<10240x64xf32, #tpu.memory_space<vmem_shared>>) target_semaphore(%run_scoped3A : memref<!tpu.dma_semaphore, #tpu.memory_space<semaphore_mem>>)
        tpu.wait_dma2 semaphore(%run_scoped3A : memref<!tpu.dma_semaphore, #tpu.memory_space<semaphore_mem>>) src(%arg3 : memref<10240x64xf32, #tpu.memory_space<hbm>>) dst(%arg10 : memref<10240x64xf32, #tpu.memory_space<vmem_shared>>)
        tpu.yield
      }) : () -> ()
    } else {
    }
    %barrier3A = arith.constant 0 : index
    tpu.barrier barrier_id(%barrier3A)
    %dma_start3A = arith.constant 0 : i32
    %dma_start3A_7 = arith.constant 0 : i32
    %dma_start3A_8 = arith.constant 0 : i32
    %dma_start3A_9 = arith.constant 0 : i32
    %dma_start3A_10 = tpu.memref_slice %arg9[%dma_start3A_7, %dma_start3A_8, %dma_start3A_9] : memref<5x128x64xf32, #tpu.memory_space<vmem>> -> memref<1x128x64xf32, #tpu.memory_space<vmem>>
    %dma_start3A_11 = tpu.memref_squeeze %dma_start3A_10 : memref<1x128x64xf32, #tpu.memory_space<vmem>> -> memref<128x64xf32, #tpu.memory_space<vmem>>
    %dma_start3A_12 = arith.constant 0 : i32
    %dma_start3A_13 = tpu.memref_slice %arg7[%dma_start3A, %dma_start3A_12] : memref<165x128xi32, #tpu.memory_space<vmem>> -> memref<1x128xi32, #tpu.memory_space<vmem>>
    %dma_start3A_14 = tpu.memref_squeeze %dma_start3A_13 : memref<1x128xi32, #tpu.memory_space<vmem>> -> memref<128xi32, #tpu.memory_space<vmem>>
    %dma_start3A_15 = arith.constant 0 : i32
    %dma_start3A_16 = arith.constant 0 : i32
    %dma_start3A_17 = tpu.memref_slice %arg2[%dma_start3A_15, %dma_start3A_16] : memref<20480x64xf32, #tpu.memory_space<hbm>> -> memref<20480x64xf32, #tpu.memory_space<hbm>>
    tpu.enqueue_indirect_dma source(%dma_start3A_17 : memref<20480x64xf32, #tpu.memory_space<hbm>>) target(%dma_start3A_11 : memref<128x64xf32, #tpu.memory_space<vmem>>) offsets(%dma_start3A_14 : memref<128xi32, #tpu.memory_space<vmem>>) semaphore(%arg11 : memref<!tpu.dma_semaphore, #tpu.memory_space<semaphore_mem>>)
    %dma_start3A_18 = arith.constant 1 : i32
    %dma_start3A_19 = arith.constant 1 : i32
    %dma_start3A_20 = arith.constant 0 : i32
    %dma_start3A_21 = arith.constant 0 : i32
    %dma_start3A_22 = tpu.memref_slice %arg9[%dma_start3A_19, %dma_start3A_20, %dma_start3A_21] : memref<5x128x64xf32, #tpu.memory_space<vmem>> -> memref<1x128x64xf32, #tpu.memory_space<vmem>>
    %dma_start3A_23 = tpu.memref_squeeze %dma_start3A_22 : memref<1x128x64xf32, #tpu.memory_space<vmem>> -> memref<128x64xf32, #tpu.memory_space<vmem>>
    %dma_start3A_24 = arith.constant 0 : i32
    %dma_start3A_25 = tpu.memref_slice %arg7[%dma_start3A_18, %dma_start3A_24] : memref<165x128xi32, #tpu.memory_space<vmem>> -> memref<1x128xi32, #tpu.memory_space<vmem>>
    %dma_start3A_26 = tpu.memref_squeeze %dma_start3A_25 : memref<1x128xi32, #tpu.memory_space<vmem>> -> memref<128xi32, #tpu.memory_space<vmem>>
    %dma_start3A_27 = arith.constant 0 : i32
    %dma_start3A_28 = arith.constant 0 : i32
    %dma_start3A_29 = tpu.memref_slice %arg2[%dma_start3A_27, %dma_start3A_28] : memref<20480x64xf32, #tpu.memory_space<hbm>> -> memref<20480x64xf32, #tpu.memory_space<hbm>>
    tpu.enqueue_indirect_dma source(%dma_start3A_29 : memref<20480x64xf32, #tpu.memory_space<hbm>>) target(%dma_start3A_23 : memref<128x64xf32, #tpu.memory_space<vmem>>) offsets(%dma_start3A_26 : memref<128xi32, #tpu.memory_space<vmem>>) semaphore(%arg12 : memref<!tpu.dma_semaphore, #tpu.memory_space<semaphore_mem>>)
    %dma_start3A_30 = arith.constant 2 : i32
    %dma_start3A_31 = arith.constant 2 : i32
    %dma_start3A_32 = arith.constant 0 : i32
    %dma_start3A_33 = arith.constant 0 : i32
    %dma_start3A_34 = tpu.memref_slice %arg9[%dma_start3A_31, %dma_start3A_32, %dma_start3A_33] : memref<5x128x64xf32, #tpu.memory_space<vmem>> -> memref<1x128x64xf32, #tpu.memory_space<vmem>>
    %dma_start3A_35 = tpu.memref_squeeze %dma_start3A_34 : memref<1x128x64xf32, #tpu.memory_space<vmem>> -> memref<128x64xf32, #tpu.memory_space<vmem>>
    %dma_start3A_36 = arith.constant 0 : i32
    %dma_start3A_37 = tpu.memref_slice %arg7[%dma_start3A_30, %dma_start3A_36] : memref<165x128xi32, #tpu.memory_space<vmem>> -> memref<1x128xi32, #tpu.memory_space<vmem>>
    %dma_start3A_38 = tpu.memref_squeeze %dma_start3A_37 : memref<1x128xi32, #tpu.memory_space<vmem>> -> memref<128xi32, #tpu.memory_space<vmem>>
    %dma_start3A_39 = arith.constant 0 : i32
    %dma_start3A_40 = arith.constant 0 : i32
    %dma_start3A_41 = tpu.memref_slice %arg2[%dma_start3A_39, %dma_start3A_40] : memref<20480x64xf32, #tpu.memory_space<hbm>> -> memref<20480x64xf32, #tpu.memory_space<hbm>>
    tpu.enqueue_indirect_dma source(%dma_start3A_41 : memref<20480x64xf32, #tpu.memory_space<hbm>>) target(%dma_start3A_35 : memref<128x64xf32, #tpu.memory_space<vmem>>) offsets(%dma_start3A_38 : memref<128xi32, #tpu.memory_space<vmem>>) semaphore(%arg13 : memref<!tpu.dma_semaphore, #tpu.memory_space<semaphore_mem>>)
    %dma_start3A_42 = arith.constant 3 : i32
    %dma_start3A_43 = arith.constant 3 : i32
    %dma_start3A_44 = arith.constant 0 : i32
    %dma_start3A_45 = arith.constant 0 : i32
    %dma_start3A_46 = tpu.memref_slice %arg9[%dma_start3A_43, %dma_start3A_44, %dma_start3A_45] : memref<5x128x64xf32, #tpu.memory_space<vmem>> -> memref<1x128x64xf32, #tpu.memory_space<vmem>>
    %dma_start3A_47 = tpu.memref_squeeze %dma_start3A_46 : memref<1x128x64xf32, #tpu.memory_space<vmem>> -> memref<128x64xf32, #tpu.memory_space<vmem>>
    %dma_start3A_48 = arith.constant 0 : i32
    %dma_start3A_49 = tpu.memref_slice %arg7[%dma_start3A_42, %dma_start3A_48] : memref<165x128xi32, #tpu.memory_space<vmem>> -> memref<1x128xi32, #tpu.memory_space<vmem>>
    %dma_start3A_50 = tpu.memref_squeeze %dma_start3A_49 : memref<1x128xi32, #tpu.memory_space<vmem>> -> memref<128xi32, #tpu.memory_space<vmem>>
    %dma_start3A_51 = arith.constant 0 : i32
    %dma_start3A_52 = arith.constant 0 : i32
    %dma_start3A_53 = tpu.memref_slice %arg2[%dma_start3A_51, %dma_start3A_52] : memref<20480x64xf32, #tpu.memory_space<hbm>> -> memref<20480x64xf32, #tpu.memory_space<hbm>>
    tpu.enqueue_indirect_dma source(%dma_start3A_53 : memref<20480x64xf32, #tpu.memory_space<hbm>>) target(%dma_start3A_47 : memref<128x64xf32, #tpu.memory_space<vmem>>) offsets(%dma_start3A_50 : memref<128xi32, #tpu.memory_space<vmem>>) semaphore(%arg14 : memref<!tpu.dma_semaphore, #tpu.memory_space<semaphore_mem>>)
    %dma_start3A_54 = arith.constant 4 : i32
    %dma_start3A_55 = arith.constant 4 : i32
    %dma_start3A_56 = arith.constant 0 : i32
    %dma_start3A_57 = arith.constant 0 : i32
    %dma_start3A_58 = tpu.memref_slice %arg9[%dma_start3A_55, %dma_start3A_56, %dma_start3A_57] : memref<5x128x64xf32, #tpu.memory_space<vmem>> -> memref<1x128x64xf32, #tpu.memory_space<vmem>>
    %dma_start3A_59 = tpu.memref_squeeze %dma_start3A_58 : memref<1x128x64xf32, #tpu.memory_space<vmem>> -> memref<128x64xf32, #tpu.memory_space<vmem>>
    %dma_start3A_60 = arith.constant 0 : i32
    %dma_start3A_61 = tpu.memref_slice %arg7[%dma_start3A_54, %dma_start3A_60] : memref<165x128xi32, #tpu.memory_space<vmem>> -> memref<1x128xi32, #tpu.memory_space<vmem>>
    %dma_start3A_62 = tpu.memref_squeeze %dma_start3A_61 : memref<1x128xi32, #tpu.memory_space<vmem>> -> memref<128xi32, #tpu.memory_space<vmem>>
    %dma_start3A_63 = arith.constant 0 : i32
    %dma_start3A_64 = arith.constant 0 : i32
    %dma_start3A_65 = tpu.memref_slice %arg2[%dma_start3A_63, %dma_start3A_64] : memref<20480x64xf32, #tpu.memory_space<hbm>> -> memref<20480x64xf32, #tpu.memory_space<hbm>>
    tpu.enqueue_indirect_dma source(%dma_start3A_65 : memref<20480x64xf32, #tpu.memory_space<hbm>>) target(%dma_start3A_59 : memref<128x64xf32, #tpu.memory_space<vmem>>) offsets(%dma_start3A_62 : memref<128xi32, #tpu.memory_space<vmem>>) semaphore(%arg15 : memref<!tpu.dma_semaphore, #tpu.memory_space<semaphore_mem>>)
    %scan3A = arith.constant 0 : i32
    %scan3A_66 = arith.constant 0 : i32
    %scan3A_67 = arith.constant 33 : i32
    %scan3A_68 = arith.addi %scan3A_66, %scan3A_67 : i32
    %scan3A_69 = arith.constant 1 : i32
    scf.for %scan3A_136 = %scan3A_66 to %scan3A_68 step %scan3A_69  : i32 {
      %mul3A = arith.constant 5 : i32
      %mul3A_137 = arith.muli %scan3A_136, %mul3A : i32
      %add3A = arith.constant 0 : i32
      %add3A_138 = arith.addi %mul3A_137, %add3A : i32
      %dma_wait3A_139 = arith.constant 0 : i32
      %dma_wait3A_140 = arith.constant 0 : i32
      %dma_wait3A_141 = arith.constant 0 : i32
      %dma_wait3A_142 = tpu.memref_slice %arg9[%dma_wait3A_139, %dma_wait3A_140, %dma_wait3A_141] : memref<5x128x64xf32, #tpu.memory_space<vmem>> -> memref<1x128x64xf32, #tpu.memory_space<vmem>>
      %dma_wait3A_143 = tpu.memref_squeeze %dma_wait3A_142 : memref<1x128x64xf32, #tpu.memory_space<vmem>> -> memref<128x64xf32, #tpu.memory_space<vmem>>
      %dma_wait3A_144 = arith.constant 0 : i32
      %dma_wait3A_145 = tpu.memref_slice %arg7[%add3A_138, %dma_wait3A_144] : memref<165x128xi32, #tpu.memory_space<vmem>> -> memref<1x128xi32, #tpu.memory_space<vmem>>
      %dma_wait3A_146 = tpu.memref_squeeze %dma_wait3A_145 : memref<1x128xi32, #tpu.memory_space<vmem>> -> memref<128xi32, #tpu.memory_space<vmem>>
      %dma_wait3A_147 = arith.constant 0 : i32
      %dma_wait3A_148 = arith.constant 0 : i32
      %dma_wait3A_149 = tpu.memref_slice %arg2[%dma_wait3A_147, %dma_wait3A_148] : memref<20480x64xf32, #tpu.memory_space<hbm>> -> memref<20480x64xf32, #tpu.memory_space<hbm>>
      tpu.wait_indirect_dma semaphore(%arg11 : memref<!tpu.dma_semaphore, #tpu.memory_space<semaphore_mem>>) src(%dma_wait3A_149 : memref<20480x64xf32, #tpu.memory_space<hbm>>) dst(%dma_wait3A_143 : memref<128x64xf32, #tpu.memory_space<vmem>>)
      %dma_start3A_150 = arith.constant 0 : i32
      %dma_start3A_151 = arith.constant 0 : i32
      %dma_start3A_152 = arith.constant 0 : i32
      %dma_start3A_153 = tpu.memref_slice %arg9[%dma_start3A_150, %dma_start3A_151, %dma_start3A_152] : memref<5x128x64xf32, #tpu.memory_space<vmem>> -> memref<1x128x64xf32, #tpu.memory_space<vmem>>
      %dma_start3A_154 = tpu.memref_squeeze %dma_start3A_153 : memref<1x128x64xf32, #tpu.memory_space<vmem>> -> memref<128x64xf32, #tpu.memory_space<vmem>>
      %dma_start3A_155 = arith.constant 0 : i32
      %dma_start3A_156 = tpu.memref_slice %arg8[%add3A_138, %dma_start3A_155] : memref<165x128xi32, #tpu.memory_space<vmem>> -> memref<1x128xi32, #tpu.memory_space<vmem>>
      %dma_start3A_157 = tpu.memref_squeeze %dma_start3A_156 : memref<1x128xi32, #tpu.memory_space<vmem>> -> memref<128xi32, #tpu.memory_space<vmem>>
      %dma_start3A_158 = arith.constant 0 : i32
      %dma_start3A_159 = arith.constant 0 : i32
      %dma_start3A_160 = tpu.memref_slice %arg10[%dma_start3A_158, %dma_start3A_159] : memref<10240x64xf32, #tpu.memory_space<vmem_shared>> -> memref<10240x64xf32, #tpu.memory_space<vmem_shared>>
      tpu.enqueue_indirect_dma source(%dma_start3A_154 : memref<128x64xf32, #tpu.memory_space<vmem>>) target(%dma_start3A_160 : memref<10240x64xf32, #tpu.memory_space<vmem_shared>>) offsets(%dma_start3A_157 : memref<128xi32, #tpu.memory_space<vmem>>) semaphore(%arg16 : memref<!tpu.dma_semaphore, #tpu.memory_space<semaphore_mem>>) {add = true}
      %mul3A_161 = arith.constant 5 : i32
      %mul3A_162 = arith.muli %scan3A_136, %mul3A_161 : i32
      %add3A_163 = arith.constant 1 : i32
      %add3A_164 = arith.addi %mul3A_162, %add3A_163 : i32
      %dma_wait3A_165 = arith.constant 1 : i32
      %dma_wait3A_166 = arith.constant 0 : i32
      %dma_wait3A_167 = arith.constant 0 : i32
      %dma_wait3A_168 = tpu.memref_slice %arg9[%dma_wait3A_165, %dma_wait3A_166, %dma_wait3A_167] : memref<5x128x64xf32, #tpu.memory_space<vmem>> -> memref<1x128x64xf32, #tpu.memory_space<vmem>>
      %dma_wait3A_169 = tpu.memref_squeeze %dma_wait3A_168 : memref<1x128x64xf32, #tpu.memory_space<vmem>> -> memref<128x64xf32, #tpu.memory_space<vmem>>
      %dma_wait3A_170 = arith.constant 0 : i32
      %dma_wait3A_171 = tpu.memref_slice %arg7[%add3A_164, %dma_wait3A_170] : memref<165x128xi32, #tpu.memory_space<vmem>> -> memref<1x128xi32, #tpu.memory_space<vmem>>
      %dma_wait3A_172 = tpu.memref_squeeze %dma_wait3A_171 : memref<1x128xi32, #tpu.memory_space<vmem>> -> memref<128xi32, #tpu.memory_space<vmem>>
      %dma_wait3A_173 = arith.constant 0 : i32
      %dma_wait3A_174 = arith.constant 0 : i32
      %dma_wait3A_175 = tpu.memref_slice %arg2[%dma_wait3A_173, %dma_wait3A_174] : memref<20480x64xf32, #tpu.memory_space<hbm>> -> memref<20480x64xf32, #tpu.memory_space<hbm>>
      tpu.wait_indirect_dma semaphore(%arg12 : memref<!tpu.dma_semaphore, #tpu.memory_space<semaphore_mem>>) src(%dma_wait3A_175 : memref<20480x64xf32, #tpu.memory_space<hbm>>) dst(%dma_wait3A_169 : memref<128x64xf32, #tpu.memory_space<vmem>>)
      %dma_start3A_176 = arith.constant 1 : i32
      %dma_start3A_177 = arith.constant 0 : i32
      %dma_start3A_178 = arith.constant 0 : i32
      %dma_start3A_179 = tpu.memref_slice %arg9[%dma_start3A_176, %dma_start3A_177, %dma_start3A_178] : memref<5x128x64xf32, #tpu.memory_space<vmem>> -> memref<1x128x64xf32, #tpu.memory_space<vmem>>
      %dma_start3A_180 = tpu.memref_squeeze %dma_start3A_179 : memref<1x128x64xf32, #tpu.memory_space<vmem>> -> memref<128x64xf32, #tpu.memory_space<vmem>>
      %dma_start3A_181 = arith.constant 0 : i32
      %dma_start3A_182 = tpu.memref_slice %arg8[%add3A_164, %dma_start3A_181] : memref<165x128xi32, #tpu.memory_space<vmem>> -> memref<1x128xi32, #tpu.memory_space<vmem>>
      %dma_start3A_183 = tpu.memref_squeeze %dma_start3A_182 : memref<1x128xi32, #tpu.memory_space<vmem>> -> memref<128xi32, #tpu.memory_space<vmem>>
      %dma_start3A_184 = arith.constant 0 : i32
      %dma_start3A_185 = arith.constant 0 : i32
      %dma_start3A_186 = tpu.memref_slice %arg10[%dma_start3A_184, %dma_start3A_185] : memref<10240x64xf32, #tpu.memory_space<vmem_shared>> -> memref<10240x64xf32, #tpu.memory_space<vmem_shared>>
      tpu.enqueue_indirect_dma source(%dma_start3A_180 : memref<128x64xf32, #tpu.memory_space<vmem>>) target(%dma_start3A_186 : memref<10240x64xf32, #tpu.memory_space<vmem_shared>>) offsets(%dma_start3A_183 : memref<128xi32, #tpu.memory_space<vmem>>) semaphore(%arg17 : memref<!tpu.dma_semaphore, #tpu.memory_space<semaphore_mem>>) {add = true}
      %mul3A_187 = arith.constant 5 : i32
      %mul3A_188 = arith.muli %scan3A_136, %mul3A_187 : i32
      %add3A_189 = arith.constant 2 : i32
      %add3A_190 = arith.addi %mul3A_188, %add3A_189 : i32
      %dma_wait3A_191 = arith.constant 2 : i32
      %dma_wait3A_192 = arith.constant 0 : i32
      %dma_wait3A_193 = arith.constant 0 : i32
      %dma_wait3A_194 = tpu.memref_slice %arg9[%dma_wait3A_191, %dma_wait3A_192, %dma_wait3A_193] : memref<5x128x64xf32, #tpu.memory_space<vmem>> -> memref<1x128x64xf32, #tpu.memory_space<vmem>>
      %dma_wait3A_195 = tpu.memref_squeeze %dma_wait3A_194 : memref<1x128x64xf32, #tpu.memory_space<vmem>> -> memref<128x64xf32, #tpu.memory_space<vmem>>
      %dma_wait3A_196 = arith.constant 0 : i32
      %dma_wait3A_197 = tpu.memref_slice %arg7[%add3A_190, %dma_wait3A_196] : memref<165x128xi32, #tpu.memory_space<vmem>> -> memref<1x128xi32, #tpu.memory_space<vmem>>
      %dma_wait3A_198 = tpu.memref_squeeze %dma_wait3A_197 : memref<1x128xi32, #tpu.memory_space<vmem>> -> memref<128xi32, #tpu.memory_space<vmem>>
      %dma_wait3A_199 = arith.constant 0 : i32
      %dma_wait3A_200 = arith.constant 0 : i32
      %dma_wait3A_201 = tpu.memref_slice %arg2[%dma_wait3A_199, %dma_wait3A_200] : memref<20480x64xf32, #tpu.memory_space<hbm>> -> memref<20480x64xf32, #tpu.memory_space<hbm>>
      tpu.wait_indirect_dma semaphore(%arg13 : memref<!tpu.dma_semaphore, #tpu.memory_space<semaphore_mem>>) src(%dma_wait3A_201 : memref<20480x64xf32, #tpu.memory_space<hbm>>) dst(%dma_wait3A_195 : memref<128x64xf32, #tpu.memory_space<vmem>>)
      %dma_start3A_202 = arith.constant 2 : i32
      %dma_start3A_203 = arith.constant 0 : i32
      %dma_start3A_204 = arith.constant 0 : i32
      %dma_start3A_205 = tpu.memref_slice %arg9[%dma_start3A_202, %dma_start3A_203, %dma_start3A_204] : memref<5x128x64xf32, #tpu.memory_space<vmem>> -> memref<1x128x64xf32, #tpu.memory_space<vmem>>
      %dma_start3A_206 = tpu.memref_squeeze %dma_start3A_205 : memref<1x128x64xf32, #tpu.memory_space<vmem>> -> memref<128x64xf32, #tpu.memory_space<vmem>>
      %dma_start3A_207 = arith.constant 0 : i32
      %dma_start3A_208 = tpu.memref_slice %arg8[%add3A_190, %dma_start3A_207] : memref<165x128xi32, #tpu.memory_space<vmem>> -> memref<1x128xi32, #tpu.memory_space<vmem>>
      %dma_start3A_209 = tpu.memref_squeeze %dma_start3A_208 : memref<1x128xi32, #tpu.memory_space<vmem>> -> memref<128xi32, #tpu.memory_space<vmem>>
      %dma_start3A_210 = arith.constant 0 : i32
      %dma_start3A_211 = arith.constant 0 : i32
      %dma_start3A_212 = tpu.memref_slice %arg10[%dma_start3A_210, %dma_start3A_211] : memref<10240x64xf32, #tpu.memory_space<vmem_shared>> -> memref<10240x64xf32, #tpu.memory_space<vmem_shared>>
      tpu.enqueue_indirect_dma source(%dma_start3A_206 : memref<128x64xf32, #tpu.memory_space<vmem>>) target(%dma_start3A_212 : memref<10240x64xf32, #tpu.memory_space<vmem_shared>>) offsets(%dma_start3A_209 : memref<128xi32, #tpu.memory_space<vmem>>) semaphore(%arg18 : memref<!tpu.dma_semaphore, #tpu.memory_space<semaphore_mem>>) {add = true}
      %mul3A_213 = arith.constant 5 : i32
      %mul3A_214 = arith.muli %scan3A_136, %mul3A_213 : i32
      %add3A_215 = arith.constant 3 : i32
      %add3A_216 = arith.addi %mul3A_214, %add3A_215 : i32
      %dma_wait3A_217 = arith.constant 3 : i32
      %dma_wait3A_218 = arith.constant 0 : i32
      %dma_wait3A_219 = arith.constant 0 : i32
      %dma_wait3A_220 = tpu.memref_slice %arg9[%dma_wait3A_217, %dma_wait3A_218, %dma_wait3A_219] : memref<5x128x64xf32, #tpu.memory_space<vmem>> -> memref<1x128x64xf32, #tpu.memory_space<vmem>>
      %dma_wait3A_221 = tpu.memref_squeeze %dma_wait3A_220 : memref<1x128x64xf32, #tpu.memory_space<vmem>> -> memref<128x64xf32, #tpu.memory_space<vmem>>
      %dma_wait3A_222 = arith.constant 0 : i32
      %dma_wait3A_223 = tpu.memref_slice %arg7[%add3A_216, %dma_wait3A_222] : memref<165x128xi32, #tpu.memory_space<vmem>> -> memref<1x128xi32, #tpu.memory_space<vmem>>
      %dma_wait3A_224 = tpu.memref_squeeze %dma_wait3A_223 : memref<1x128xi32, #tpu.memory_space<vmem>> -> memref<128xi32, #tpu.memory_space<vmem>>
      %dma_wait3A_225 = arith.constant 0 : i32
      %dma_wait3A_226 = arith.constant 0 : i32
      %dma_wait3A_227 = tpu.memref_slice %arg2[%dma_wait3A_225, %dma_wait3A_226] : memref<20480x64xf32, #tpu.memory_space<hbm>> -> memref<20480x64xf32, #tpu.memory_space<hbm>>
      tpu.wait_indirect_dma semaphore(%arg14 : memref<!tpu.dma_semaphore, #tpu.memory_space<semaphore_mem>>) src(%dma_wait3A_227 : memref<20480x64xf32, #tpu.memory_space<hbm>>) dst(%dma_wait3A_221 : memref<128x64xf32, #tpu.memory_space<vmem>>)
      %dma_start3A_228 = arith.constant 3 : i32
      %dma_start3A_229 = arith.constant 0 : i32
      %dma_start3A_230 = arith.constant 0 : i32
      %dma_start3A_231 = tpu.memref_slice %arg9[%dma_start3A_228, %dma_start3A_229, %dma_start3A_230] : memref<5x128x64xf32, #tpu.memory_space<vmem>> -> memref<1x128x64xf32, #tpu.memory_space<vmem>>
      %dma_start3A_232 = tpu.memref_squeeze %dma_start3A_231 : memref<1x128x64xf32, #tpu.memory_space<vmem>> -> memref<128x64xf32, #tpu.memory_space<vmem>>
      %dma_start3A_233 = arith.constant 0 : i32
      %dma_start3A_234 = tpu.memref_slice %arg8[%add3A_216, %dma_start3A_233] : memref<165x128xi32, #tpu.memory_space<vmem>> -> memref<1x128xi32, #tpu.memory_space<vmem>>
      %dma_start3A_235 = tpu.memref_squeeze %dma_start3A_234 : memref<1x128xi32, #tpu.memory_space<vmem>> -> memref<128xi32, #tpu.memory_space<vmem>>
      %dma_start3A_236 = arith.constant 0 : i32
      %dma_start3A_237 = arith.constant 0 : i32
      %dma_start3A_238 = tpu.memref_slice %arg10[%dma_start3A_236, %dma_start3A_237] : memref<10240x64xf32, #tpu.memory_space<vmem_shared>> -> memref<10240x64xf32, #tpu.memory_space<vmem_shared>>
      tpu.enqueue_indirect_dma source(%dma_start3A_232 : memref<128x64xf32, #tpu.memory_space<vmem>>) target(%dma_start3A_238 : memref<10240x64xf32, #tpu.memory_space<vmem_shared>>) offsets(%dma_start3A_235 : memref<128xi32, #tpu.memory_space<vmem>>) semaphore(%arg19 : memref<!tpu.dma_semaphore, #tpu.memory_space<semaphore_mem>>) {add = true}
      %mul3A_239 = arith.constant 5 : i32
      %mul3A_240 = arith.muli %scan3A_136, %mul3A_239 : i32
      %add3A_241 = arith.constant 4 : i32
      %add3A_242 = arith.addi %mul3A_240, %add3A_241 : i32
      %dma_wait3A_243 = arith.constant 4 : i32
      %dma_wait3A_244 = arith.constant 0 : i32
      %dma_wait3A_245 = arith.constant 0 : i32
      %dma_wait3A_246 = tpu.memref_slice %arg9[%dma_wait3A_243, %dma_wait3A_244, %dma_wait3A_245] : memref<5x128x64xf32, #tpu.memory_space<vmem>> -> memref<1x128x64xf32, #tpu.memory_space<vmem>>
      %dma_wait3A_247 = tpu.memref_squeeze %dma_wait3A_246 : memref<1x128x64xf32, #tpu.memory_space<vmem>> -> memref<128x64xf32, #tpu.memory_space<vmem>>
      %dma_wait3A_248 = arith.constant 0 : i32
      %dma_wait3A_249 = tpu.memref_slice %arg7[%add3A_242, %dma_wait3A_248] : memref<165x128xi32, #tpu.memory_space<vmem>> -> memref<1x128xi32, #tpu.memory_space<vmem>>
      %dma_wait3A_250 = tpu.memref_squeeze %dma_wait3A_249 : memref<1x128xi32, #tpu.memory_space<vmem>> -> memref<128xi32, #tpu.memory_space<vmem>>
      %dma_wait3A_251 = arith.constant 0 : i32
      %dma_wait3A_252 = arith.constant 0 : i32
      %dma_wait3A_253 = tpu.memref_slice %arg2[%dma_wait3A_251, %dma_wait3A_252] : memref<20480x64xf32, #tpu.memory_space<hbm>> -> memref<20480x64xf32, #tpu.memory_space<hbm>>
      tpu.wait_indirect_dma semaphore(%arg15 : memref<!tpu.dma_semaphore, #tpu.memory_space<semaphore_mem>>) src(%dma_wait3A_253 : memref<20480x64xf32, #tpu.memory_space<hbm>>) dst(%dma_wait3A_247 : memref<128x64xf32, #tpu.memory_space<vmem>>)
      %dma_start3A_254 = arith.constant 4 : i32
      %dma_start3A_255 = arith.constant 0 : i32
      %dma_start3A_256 = arith.constant 0 : i32
      %dma_start3A_257 = tpu.memref_slice %arg9[%dma_start3A_254, %dma_start3A_255, %dma_start3A_256] : memref<5x128x64xf32, #tpu.memory_space<vmem>> -> memref<1x128x64xf32, #tpu.memory_space<vmem>>
      %dma_start3A_258 = tpu.memref_squeeze %dma_start3A_257 : memref<1x128x64xf32, #tpu.memory_space<vmem>> -> memref<128x64xf32, #tpu.memory_space<vmem>>
      %dma_start3A_259 = arith.constant 0 : i32
      %dma_start3A_260 = tpu.memref_slice %arg8[%add3A_242, %dma_start3A_259] : memref<165x128xi32, #tpu.memory_space<vmem>> -> memref<1x128xi32, #tpu.memory_space<vmem>>
      %dma_start3A_261 = tpu.memref_squeeze %dma_start3A_260 : memref<1x128xi32, #tpu.memory_space<vmem>> -> memref<128xi32, #tpu.memory_space<vmem>>
      %dma_start3A_262 = arith.constant 0 : i32
      %dma_start3A_263 = arith.constant 0 : i32
      %dma_start3A_264 = tpu.memref_slice %arg10[%dma_start3A_262, %dma_start3A_263] : memref<10240x64xf32, #tpu.memory_space<vmem_shared>> -> memref<10240x64xf32, #tpu.memory_space<vmem_shared>>
      tpu.enqueue_indirect_dma source(%dma_start3A_258 : memref<128x64xf32, #tpu.memory_space<vmem>>) target(%dma_start3A_264 : memref<10240x64xf32, #tpu.memory_space<vmem_shared>>) offsets(%dma_start3A_261 : memref<128xi32, #tpu.memory_space<vmem>>) semaphore(%arg20 : memref<!tpu.dma_semaphore, #tpu.memory_space<semaphore_mem>>) {add = true}
      %mul3A_265 = arith.constant 5 : i32
      %mul3A_266 = arith.muli %scan3A_136, %mul3A_265 : i32
      %add3A_267 = arith.constant 0 : i32
      %add3A_268 = arith.addi %mul3A_266, %add3A_267 : i32
      %add3A_269 = arith.constant 5 : i32
      %add3A_270 = arith.addi %add3A_268, %add3A_269 : i32
      %lt3A = arith.constant 165 : i32
      %lt3A_271 = arith.cmpi slt, %add3A_270, %lt3A : i32
      %convert_element_type3A_272 = arith.extui %lt3A_271 : i1 to i32
      %cond3A_273 = arith.constant 0 : i32
      %cond3A_274 = arith.cmpi ne, %convert_element_type3A_272, %cond3A_273 : i32
      scf.if %cond3A_274 {
        %dma_wait3A_319 = arith.constant 0 : i32
        %dma_wait3A_320 = arith.constant 0 : i32
        %dma_wait3A_321 = arith.constant 0 : i32
        %dma_wait3A_322 = tpu.memref_slice %arg9[%dma_wait3A_319, %dma_wait3A_320, %dma_wait3A_321] : memref<5x128x64xf32, #tpu.memory_space<vmem>> -> memref<1x128x64xf32, #tpu.memory_space<vmem>>
        %dma_wait3A_323 = tpu.memref_squeeze %dma_wait3A_322 : memref<1x128x64xf32, #tpu.memory_space<vmem>> -> memref<128x64xf32, #tpu.memory_space<vmem>>
        %dma_wait3A_324 = arith.constant 0 : i32
        %dma_wait3A_325 = tpu.memref_slice %arg8[%add3A_268, %dma_wait3A_324] : memref<165x128xi32, #tpu.memory_space<vmem>> -> memref<1x128xi32, #tpu.memory_space<vmem>>
        %dma_wait3A_326 = tpu.memref_squeeze %dma_wait3A_325 : memref<1x128xi32, #tpu.memory_space<vmem>> -> memref<128xi32, #tpu.memory_space<vmem>>
        %dma_wait3A_327 = arith.constant 0 : i32
        %dma_wait3A_328 = arith.constant 0 : i32
        %dma_wait3A_329 = tpu.memref_slice %arg10[%dma_wait3A_327, %dma_wait3A_328] : memref<10240x64xf32, #tpu.memory_space<vmem_shared>> -> memref<10240x64xf32, #tpu.memory_space<vmem_shared>>
        tpu.wait_indirect_dma semaphore(%arg16 : memref<!tpu.dma_semaphore, #tpu.memory_space<semaphore_mem>>) src(%dma_wait3A_323 : memref<128x64xf32, #tpu.memory_space<vmem>>) dst(%dma_wait3A_329 : memref<10240x64xf32, #tpu.memory_space<vmem_shared>>)
        %dma_start3A_330 = arith.constant 0 : i32
        %dma_start3A_331 = arith.constant 0 : i32
        %dma_start3A_332 = arith.constant 0 : i32
        %dma_start3A_333 = tpu.memref_slice %arg9[%dma_start3A_330, %dma_start3A_331, %dma_start3A_332] : memref<5x128x64xf32, #tpu.memory_space<vmem>> -> memref<1x128x64xf32, #tpu.memory_space<vmem>>
        %dma_start3A_334 = tpu.memref_squeeze %dma_start3A_333 : memref<1x128x64xf32, #tpu.memory_space<vmem>> -> memref<128x64xf32, #tpu.memory_space<vmem>>
        %dma_start3A_335 = arith.constant 0 : i32
        %dma_start3A_336 = tpu.memref_slice %arg7[%add3A_270, %dma_start3A_335] : memref<165x128xi32, #tpu.memory_space<vmem>> -> memref<1x128xi32, #tpu.memory_space<vmem>>
        %dma_start3A_337 = tpu.memref_squeeze %dma_start3A_336 : memref<1x128xi32, #tpu.memory_space<vmem>> -> memref<128xi32, #tpu.memory_space<vmem>>
        %dma_start3A_338 = arith.constant 0 : i32
        %dma_start3A_339 = arith.constant 0 : i32
        %dma_start3A_340 = tpu.memref_slice %arg2[%dma_start3A_338, %dma_start3A_339] : memref<20480x64xf32, #tpu.memory_space<hbm>> -> memref<20480x64xf32, #tpu.memory_space<hbm>>
        tpu.enqueue_indirect_dma source(%dma_start3A_340 : memref<20480x64xf32, #tpu.memory_space<hbm>>) target(%dma_start3A_334 : memref<128x64xf32, #tpu.memory_space<vmem>>) offsets(%dma_start3A_337 : memref<128xi32, #tpu.memory_space<vmem>>) semaphore(%arg11 : memref<!tpu.dma_semaphore, #tpu.memory_space<semaphore_mem>>)
      } else {
      }
      %mul3A_275 = arith.constant 5 : i32
      %mul3A_276 = arith.muli %scan3A_136, %mul3A_275 : i32
      %add3A_277 = arith.constant 1 : i32
      %add3A_278 = arith.addi %mul3A_276, %add3A_277 : i32
      %add3A_279 = arith.constant 5 : i32
      %add3A_280 = arith.addi %add3A_278, %add3A_279 : i32
      %lt3A_281 = arith.constant 165 : i32
      %lt3A_282 = arith.cmpi slt, %add3A_280, %lt3A_281 : i32
      %convert_element_type3A_283 = arith.extui %lt3A_282 : i1 to i32
      %cond3A_284 = arith.constant 0 : i32
      %cond3A_285 = arith.cmpi ne, %convert_element_type3A_283, %cond3A_284 : i32
      scf.if %cond3A_285 {
        %dma_wait3A_319 = arith.constant 1 : i32
        %dma_wait3A_320 = arith.constant 0 : i32
        %dma_wait3A_321 = arith.constant 0 : i32
        %dma_wait3A_322 = tpu.memref_slice %arg9[%dma_wait3A_319, %dma_wait3A_320, %dma_wait3A_321] : memref<5x128x64xf32, #tpu.memory_space<vmem>> -> memref<1x128x64xf32, #tpu.memory_space<vmem>>
        %dma_wait3A_323 = tpu.memref_squeeze %dma_wait3A_322 : memref<1x128x64xf32, #tpu.memory_space<vmem>> -> memref<128x64xf32, #tpu.memory_space<vmem>>
        %dma_wait3A_324 = arith.constant 0 : i32
        %dma_wait3A_325 = tpu.memref_slice %arg8[%add3A_278, %dma_wait3A_324] : memref<165x128xi32, #tpu.memory_space<vmem>> -> memref<1x128xi32, #tpu.memory_space<vmem>>
        %dma_wait3A_326 = tpu.memref_squeeze %dma_wait3A_325 : memref<1x128xi32, #tpu.memory_space<vmem>> -> memref<128xi32, #tpu.memory_space<vmem>>
        %dma_wait3A_327 = arith.constant 0 : i32
        %dma_wait3A_328 = arith.constant 0 : i32
        %dma_wait3A_329 = tpu.memref_slice %arg10[%dma_wait3A_327, %dma_wait3A_328] : memref<10240x64xf32, #tpu.memory_space<vmem_shared>> -> memref<10240x64xf32, #tpu.memory_space<vmem_shared>>
        tpu.wait_indirect_dma semaphore(%arg17 : memref<!tpu.dma_semaphore, #tpu.memory_space<semaphore_mem>>) src(%dma_wait3A_323 : memref<128x64xf32, #tpu.memory_space<vmem>>) dst(%dma_wait3A_329 : memref<10240x64xf32, #tpu.memory_space<vmem_shared>>)
        %dma_start3A_330 = arith.constant 1 : i32
        %dma_start3A_331 = arith.constant 0 : i32
        %dma_start3A_332 = arith.constant 0 : i32
        %dma_start3A_333 = tpu.memref_slice %arg9[%dma_start3A_330, %dma_start3A_331, %dma_start3A_332] : memref<5x128x64xf32, #tpu.memory_space<vmem>> -> memref<1x128x64xf32, #tpu.memory_space<vmem>>
        %dma_start3A_334 = tpu.memref_squeeze %dma_start3A_333 : memref<1x128x64xf32, #tpu.memory_space<vmem>> -> memref<128x64xf32, #tpu.memory_space<vmem>>
        %dma_start3A_335 = arith.constant 0 : i32
        %dma_start3A_336 = tpu.memref_slice %arg7[%add3A_280, %dma_start3A_335] : memref<165x128xi32, #tpu.memory_space<vmem>> -> memref<1x128xi32, #tpu.memory_space<vmem>>
        %dma_start3A_337 = tpu.memref_squeeze %dma_start3A_336 : memref<1x128xi32, #tpu.memory_space<vmem>> -> memref<128xi32, #tpu.memory_space<vmem>>
        %dma_start3A_338 = arith.constant 0 : i32
        %dma_start3A_339 = arith.constant 0 : i32
        %dma_start3A_340 = tpu.memref_slice %arg2[%dma_start3A_338, %dma_start3A_339] : memref<20480x64xf32, #tpu.memory_space<hbm>> -> memref<20480x64xf32, #tpu.memory_space<hbm>>
        tpu.enqueue_indirect_dma source(%dma_start3A_340 : memref<20480x64xf32, #tpu.memory_space<hbm>>) target(%dma_start3A_334 : memref<128x64xf32, #tpu.memory_space<vmem>>) offsets(%dma_start3A_337 : memref<128xi32, #tpu.memory_space<vmem>>) semaphore(%arg12 : memref<!tpu.dma_semaphore, #tpu.memory_space<semaphore_mem>>)
      } else {
      }
      %mul3A_286 = arith.constant 5 : i32
      %mul3A_287 = arith.muli %scan3A_136, %mul3A_286 : i32
      %add3A_288 = arith.constant 2 : i32
      %add3A_289 = arith.addi %mul3A_287, %add3A_288 : i32
      %add3A_290 = arith.constant 5 : i32
      %add3A_291 = arith.addi %add3A_289, %add3A_290 : i32
      %lt3A_292 = arith.constant 165 : i32
      %lt3A_293 = arith.cmpi slt, %add3A_291, %lt3A_292 : i32
      %convert_element_type3A_294 = arith.extui %lt3A_293 : i1 to i32
      %cond3A_295 = arith.constant 0 : i32
      %cond3A_296 = arith.cmpi ne, %convert_element_type3A_294, %cond3A_295 : i32
      scf.if %cond3A_296 {
        %dma_wait3A_319 = arith.constant 2 : i32
        %dma_wait3A_320 = arith.constant 0 : i32
        %dma_wait3A_321 = arith.constant 0 : i32
        %dma_wait3A_322 = tpu.memref_slice %arg9[%dma_wait3A_319, %dma_wait3A_320, %dma_wait3A_321] : memref<5x128x64xf32, #tpu.memory_space<vmem>> -> memref<1x128x64xf32, #tpu.memory_space<vmem>>
        %dma_wait3A_323 = tpu.memref_squeeze %dma_wait3A_322 : memref<1x128x64xf32, #tpu.memory_space<vmem>> -> memref<128x64xf32, #tpu.memory_space<vmem>>
        %dma_wait3A_324 = arith.constant 0 : i32
        %dma_wait3A_325 = tpu.memref_slice %arg8[%add3A_289, %dma_wait3A_324] : memref<165x128xi32, #tpu.memory_space<vmem>> -> memref<1x128xi32, #tpu.memory_space<vmem>>
        %dma_wait3A_326 = tpu.memref_squeeze %dma_wait3A_325 : memref<1x128xi32, #tpu.memory_space<vmem>> -> memref<128xi32, #tpu.memory_space<vmem>>
        %dma_wait3A_327 = arith.constant 0 : i32
        %dma_wait3A_328 = arith.constant 0 : i32
        %dma_wait3A_329 = tpu.memref_slice %arg10[%dma_wait3A_327, %dma_wait3A_328] : memref<10240x64xf32, #tpu.memory_space<vmem_shared>> -> memref<10240x64xf32, #tpu.memory_space<vmem_shared>>
        tpu.wait_indirect_dma semaphore(%arg18 : memref<!tpu.dma_semaphore, #tpu.memory_space<semaphore_mem>>) src(%dma_wait3A_323 : memref<128x64xf32, #tpu.memory_space<vmem>>) dst(%dma_wait3A_329 : memref<10240x64xf32, #tpu.memory_space<vmem_shared>>)
        %dma_start3A_330 = arith.constant 2 : i32
        %dma_start3A_331 = arith.constant 0 : i32
        %dma_start3A_332 = arith.constant 0 : i32
        %dma_start3A_333 = tpu.memref_slice %arg9[%dma_start3A_330, %dma_start3A_331, %dma_start3A_332] : memref<5x128x64xf32, #tpu.memory_space<vmem>> -> memref<1x128x64xf32, #tpu.memory_space<vmem>>
        %dma_start3A_334 = tpu.memref_squeeze %dma_start3A_333 : memref<1x128x64xf32, #tpu.memory_space<vmem>> -> memref<128x64xf32, #tpu.memory_space<vmem>>
        %dma_start3A_335 = arith.constant 0 : i32
        %dma_start3A_336 = tpu.memref_slice %arg7[%add3A_291, %dma_start3A_335] : memref<165x128xi32, #tpu.memory_space<vmem>> -> memref<1x128xi32, #tpu.memory_space<vmem>>
        %dma_start3A_337 = tpu.memref_squeeze %dma_start3A_336 : memref<1x128xi32, #tpu.memory_space<vmem>> -> memref<128xi32, #tpu.memory_space<vmem>>
        %dma_start3A_338 = arith.constant 0 : i32
        %dma_start3A_339 = arith.constant 0 : i32
        %dma_start3A_340 = tpu.memref_slice %arg2[%dma_start3A_338, %dma_start3A_339] : memref<20480x64xf32, #tpu.memory_space<hbm>> -> memref<20480x64xf32, #tpu.memory_space<hbm>>
        tpu.enqueue_indirect_dma source(%dma_start3A_340 : memref<20480x64xf32, #tpu.memory_space<hbm>>) target(%dma_start3A_334 : memref<128x64xf32, #tpu.memory_space<vmem>>) offsets(%dma_start3A_337 : memref<128xi32, #tpu.memory_space<vmem>>) semaphore(%arg13 : memref<!tpu.dma_semaphore, #tpu.memory_space<semaphore_mem>>)
      } else {
      }
      %mul3A_297 = arith.constant 5 : i32
      %mul3A_298 = arith.muli %scan3A_136, %mul3A_297 : i32
      %add3A_299 = arith.constant 3 : i32
      %add3A_300 = arith.addi %mul3A_298, %add3A_299 : i32
      %add3A_301 = arith.constant 5 : i32
      %add3A_302 = arith.addi %add3A_300, %add3A_301 : i32
      %lt3A_303 = arith.constant 165 : i32
      %lt3A_304 = arith.cmpi slt, %add3A_302, %lt3A_303 : i32
      %convert_element_type3A_305 = arith.extui %lt3A_304 : i1 to i32
      %cond3A_306 = arith.constant 0 : i32
      %cond3A_307 = arith.cmpi ne, %convert_element_type3A_305, %cond3A_306 : i32
      scf.if %cond3A_307 {
        %dma_wait3A_319 = arith.constant 3 : i32
        %dma_wait3A_320 = arith.constant 0 : i32
        %dma_wait3A_321 = arith.constant 0 : i32
        %dma_wait3A_322 = tpu.memref_slice %arg9[%dma_wait3A_319, %dma_wait3A_320, %dma_wait3A_321] : memref<5x128x64xf32, #tpu.memory_space<vmem>> -> memref<1x128x64xf32, #tpu.memory_space<vmem>>
        %dma_wait3A_323 = tpu.memref_squeeze %dma_wait3A_322 : memref<1x128x64xf32, #tpu.memory_space<vmem>> -> memref<128x64xf32, #tpu.memory_space<vmem>>
        %dma_wait3A_324 = arith.constant 0 : i32
        %dma_wait3A_325 = tpu.memref_slice %arg8[%add3A_300, %dma_wait3A_324] : memref<165x128xi32, #tpu.memory_space<vmem>> -> memref<1x128xi32, #tpu.memory_space<vmem>>
        %dma_wait3A_326 = tpu.memref_squeeze %dma_wait3A_325 : memref<1x128xi32, #tpu.memory_space<vmem>> -> memref<128xi32, #tpu.memory_space<vmem>>
        %dma_wait3A_327 = arith.constant 0 : i32
        %dma_wait3A_328 = arith.constant 0 : i32
        %dma_wait3A_329 = tpu.memref_slice %arg10[%dma_wait3A_327, %dma_wait3A_328] : memref<10240x64xf32, #tpu.memory_space<vmem_shared>> -> memref<10240x64xf32, #tpu.memory_space<vmem_shared>>
        tpu.wait_indirect_dma semaphore(%arg19 : memref<!tpu.dma_semaphore, #tpu.memory_space<semaphore_mem>>) src(%dma_wait3A_323 : memref<128x64xf32, #tpu.memory_space<vmem>>) dst(%dma_wait3A_329 : memref<10240x64xf32, #tpu.memory_space<vmem_shared>>)
        %dma_start3A_330 = arith.constant 3 : i32
        %dma_start3A_331 = arith.constant 0 : i32
        %dma_start3A_332 = arith.constant 0 : i32
        %dma_start3A_333 = tpu.memref_slice %arg9[%dma_start3A_330, %dma_start3A_331, %dma_start3A_332] : memref<5x128x64xf32, #tpu.memory_space<vmem>> -> memref<1x128x64xf32, #tpu.memory_space<vmem>>
        %dma_start3A_334 = tpu.memref_squeeze %dma_start3A_333 : memref<1x128x64xf32, #tpu.memory_space<vmem>> -> memref<128x64xf32, #tpu.memory_space<vmem>>
        %dma_start3A_335 = arith.constant 0 : i32
        %dma_start3A_336 = tpu.memref_slice %arg7[%add3A_302, %dma_start3A_335] : memref<165x128xi32, #tpu.memory_space<vmem>> -> memref<1x128xi32, #tpu.memory_space<vmem>>
        %dma_start3A_337 = tpu.memref_squeeze %dma_start3A_336 : memref<1x128xi32, #tpu.memory_space<vmem>> -> memref<128xi32, #tpu.memory_space<vmem>>
        %dma_start3A_338 = arith.constant 0 : i32
        %dma_start3A_339 = arith.constant 0 : i32
        %dma_start3A_340 = tpu.memref_slice %arg2[%dma_start3A_338, %dma_start3A_339] : memref<20480x64xf32, #tpu.memory_space<hbm>> -> memref<20480x64xf32, #tpu.memory_space<hbm>>
        tpu.enqueue_indirect_dma source(%dma_start3A_340 : memref<20480x64xf32, #tpu.memory_space<hbm>>) target(%dma_start3A_334 : memref<128x64xf32, #tpu.memory_space<vmem>>) offsets(%dma_start3A_337 : memref<128xi32, #tpu.memory_space<vmem>>) semaphore(%arg14 : memref<!tpu.dma_semaphore, #tpu.memory_space<semaphore_mem>>)
      } else {
      }
      %mul3A_308 = arith.constant 5 : i32
      %mul3A_309 = arith.muli %scan3A_136, %mul3A_308 : i32
      %add3A_310 = arith.constant 4 : i32
      %add3A_311 = arith.addi %mul3A_309, %add3A_310 : i32
      %add3A_312 = arith.constant 5 : i32
      %add3A_313 = arith.addi %add3A_311, %add3A_312 : i32
      %lt3A_314 = arith.constant 165 : i32
      %lt3A_315 = arith.cmpi slt, %add3A_313, %lt3A_314 : i32
      %convert_element_type3A_316 = arith.extui %lt3A_315 : i1 to i32
      %cond3A_317 = arith.constant 0 : i32
      %cond3A_318 = arith.cmpi ne, %convert_element_type3A_316, %cond3A_317 : i32
      scf.if %cond3A_318 {
        %dma_wait3A_319 = arith.constant 4 : i32
        %dma_wait3A_320 = arith.constant 0 : i32
        %dma_wait3A_321 = arith.constant 0 : i32
        %dma_wait3A_322 = tpu.memref_slice %arg9[%dma_wait3A_319, %dma_wait3A_320, %dma_wait3A_321] : memref<5x128x64xf32, #tpu.memory_space<vmem>> -> memref<1x128x64xf32, #tpu.memory_space<vmem>>
        %dma_wait3A_323 = tpu.memref_squeeze %dma_wait3A_322 : memref<1x128x64xf32, #tpu.memory_space<vmem>> -> memref<128x64xf32, #tpu.memory_space<vmem>>
        %dma_wait3A_324 = arith.constant 0 : i32
        %dma_wait3A_325 = tpu.memref_slice %arg8[%add3A_311, %dma_wait3A_324] : memref<165x128xi32, #tpu.memory_space<vmem>> -> memref<1x128xi32, #tpu.memory_space<vmem>>
        %dma_wait3A_326 = tpu.memref_squeeze %dma_wait3A_325 : memref<1x128xi32, #tpu.memory_space<vmem>> -> memref<128xi32, #tpu.memory_space<vmem>>
        %dma_wait3A_327 = arith.constant 0 : i32
        %dma_wait3A_328 = arith.constant 0 : i32
        %dma_wait3A_329 = tpu.memref_slice %arg10[%dma_wait3A_327, %dma_wait3A_328] : memref<10240x64xf32, #tpu.memory_space<vmem_shared>> -> memref<10240x64xf32, #tpu.memory_space<vmem_shared>>
        tpu.wait_indirect_dma semaphore(%arg20 : memref<!tpu.dma_semaphore, #tpu.memory_space<semaphore_mem>>) src(%dma_wait3A_323 : memref<128x64xf32, #tpu.memory_space<vmem>>) dst(%dma_wait3A_329 : memref<10240x64xf32, #tpu.memory_space<vmem_shared>>)
        %dma_start3A_330 = arith.constant 4 : i32
        %dma_start3A_331 = arith.constant 0 : i32
        %dma_start3A_332 = arith.constant 0 : i32
        %dma_start3A_333 = tpu.memref_slice %arg9[%dma_start3A_330, %dma_start3A_331, %dma_start3A_332] : memref<5x128x64xf32, #tpu.memory_space<vmem>> -> memref<1x128x64xf32, #tpu.memory_space<vmem>>
        %dma_start3A_334 = tpu.memref_squeeze %dma_start3A_333 : memref<1x128x64xf32, #tpu.memory_space<vmem>> -> memref<128x64xf32, #tpu.memory_space<vmem>>
        %dma_start3A_335 = arith.constant 0 : i32
        %dma_start3A_336 = tpu.memref_slice %arg7[%add3A_313, %dma_start3A_335] : memref<165x128xi32, #tpu.memory_space<vmem>> -> memref<1x128xi32, #tpu.memory_space<vmem>>
        %dma_start3A_337 = tpu.memref_squeeze %dma_start3A_336 : memref<1x128xi32, #tpu.memory_space<vmem>> -> memref<128xi32, #tpu.memory_space<vmem>>
        %dma_start3A_338 = arith.constant 0 : i32
        %dma_start3A_339 = arith.constant 0 : i32
        %dma_start3A_340 = tpu.memref_slice %arg2[%dma_start3A_338, %dma_start3A_339] : memref<20480x64xf32, #tpu.memory_space<hbm>> -> memref<20480x64xf32, #tpu.memory_space<hbm>>
        tpu.enqueue_indirect_dma source(%dma_start3A_340 : memref<20480x64xf32, #tpu.memory_space<hbm>>) target(%dma_start3A_334 : memref<128x64xf32, #tpu.memory_space<vmem>>) offsets(%dma_start3A_337 : memref<128xi32, #tpu.memory_space<vmem>>) semaphore(%arg15 : memref<!tpu.dma_semaphore, #tpu.memory_space<semaphore_mem>>)
      } else {
      }
    }
    %scan3A_70 = arith.constant 33 : i32
    %dma_wait3A = arith.constant 0 : i32
    %dma_wait3A_71 = arith.constant 160 : i32
    %dma_wait3A_72 = arith.constant 0 : i32
    %dma_wait3A_73 = arith.constant 0 : i32
    %dma_wait3A_74 = tpu.memref_slice %arg9[%dma_wait3A, %dma_wait3A_72, %dma_wait3A_73] : memref<5x128x64xf32, #tpu.memory_space<vmem>> -> memref<1x128x64xf32, #tpu.memory_space<vmem>>
    %dma_wait3A_75 = tpu.memref_squeeze %dma_wait3A_74 : memref<1x128x64xf32, #tpu.memory_space<vmem>> -> memref<128x64xf32, #tpu.memory_space<vmem>>
    %dma_wait3A_76 = arith.constant 0 : i32
    %dma_wait3A_77 = tpu.memref_slice %arg8[%dma_wait3A_71, %dma_wait3A_76] : memref<165x128xi32, #tpu.memory_space<vmem>> -> memref<1x128xi32, #tpu.memory_space<vmem>>
    %dma_wait3A_78 = tpu.memref_squeeze %dma_wait3A_77 : memref<1x128xi32, #tpu.memory_space<vmem>> -> memref<128xi32, #tpu.memory_space<vmem>>
    %dma_wait3A_79 = arith.constant 0 : i32
    %dma_wait3A_80 = arith.constant 0 : i32
    %dma_wait3A_81 = tpu.memref_slice %arg10[%dma_wait3A_79, %dma_wait3A_80] : memref<10240x64xf32, #tpu.memory_space<vmem_shared>> -> memref<10240x64xf32, #tpu.memory_space<vmem_shared>>
    tpu.wait_indirect_dma semaphore(%arg16 : memref<!tpu.dma_semaphore, #tpu.memory_space<semaphore_mem>>) src(%dma_wait3A_75 : memref<128x64xf32, #tpu.memory_space<vmem>>) dst(%dma_wait3A_81 : memref<10240x64xf32, #tpu.memory_space<vmem_shared>>)
    %dma_wait3A_82 = arith.constant 1 : i32
    %dma_wait3A_83 = arith.constant 161 : i32
    %dma_wait3A_84 = arith.constant 0 : i32
    %dma_wait3A_85 = arith.constant 0 : i32
    %dma_wait3A_86 = tpu.memref_slice %arg9[%dma_wait3A_82, %dma_wait3A_84, %dma_wait3A_85] : memref<5x128x64xf32, #tpu.memory_space<vmem>> -> memref<1x128x64xf32, #tpu.memory_space<vmem>>
    %dma_wait3A_87 = tpu.memref_squeeze %dma_wait3A_86 : memref<1x128x64xf32, #tpu.memory_space<vmem>> -> memref<128x64xf32, #tpu.memory_space<vmem>>
    %dma_wait3A_88 = arith.constant 0 : i32
    %dma_wait3A_89 = tpu.memref_slice %arg8[%dma_wait3A_83, %dma_wait3A_88] : memref<165x128xi32, #tpu.memory_space<vmem>> -> memref<1x128xi32, #tpu.memory_space<vmem>>
    %dma_wait3A_90 = tpu.memref_squeeze %dma_wait3A_89 : memref<1x128xi32, #tpu.memory_space<vmem>> -> memref<128xi32, #tpu.memory_space<vmem>>
    %dma_wait3A_91 = arith.constant 0 : i32
    %dma_wait3A_92 = arith.constant 0 : i32
    %dma_wait3A_93 = tpu.memref_slice %arg10[%dma_wait3A_91, %dma_wait3A_92] : memref<10240x64xf32, #tpu.memory_space<vmem_shared>> -> memref<10240x64xf32, #tpu.memory_space<vmem_shared>>
    tpu.wait_indirect_dma semaphore(%arg17 : memref<!tpu.dma_semaphore, #tpu.memory_space<semaphore_mem>>) src(%dma_wait3A_87 : memref<128x64xf32, #tpu.memory_space<vmem>>) dst(%dma_wait3A_93 : memref<10240x64xf32, #tpu.memory_space<vmem_shared>>)
    %dma_wait3A_94 = arith.constant 2 : i32
    %dma_wait3A_95 = arith.constant 162 : i32
    %dma_wait3A_96 = arith.constant 0 : i32
    %dma_wait3A_97 = arith.constant 0 : i32
    %dma_wait3A_98 = tpu.memref_slice %arg9[%dma_wait3A_94, %dma_wait3A_96, %dma_wait3A_97] : memref<5x128x64xf32, #tpu.memory_space<vmem>> -> memref<1x128x64xf32, #tpu.memory_space<vmem>>
    %dma_wait3A_99 = tpu.memref_squeeze %dma_wait3A_98 : memref<1x128x64xf32, #tpu.memory_space<vmem>> -> memref<128x64xf32, #tpu.memory_space<vmem>>
    %dma_wait3A_100 = arith.constant 0 : i32
    %dma_wait3A_101 = tpu.memref_slice %arg8[%dma_wait3A_95, %dma_wait3A_100] : memref<165x128xi32, #tpu.memory_space<vmem>> -> memref<1x128xi32, #tpu.memory_space<vmem>>
    %dma_wait3A_102 = tpu.memref_squeeze %dma_wait3A_101 : memref<1x128xi32, #tpu.memory_space<vmem>> -> memref<128xi32, #tpu.memory_space<vmem>>
    %dma_wait3A_103 = arith.constant 0 : i32
    %dma_wait3A_104 = arith.constant 0 : i32
    %dma_wait3A_105 = tpu.memref_slice %arg10[%dma_wait3A_103, %dma_wait3A_104] : memref<10240x64xf32, #tpu.memory_space<vmem_shared>> -> memref<10240x64xf32, #tpu.memory_space<vmem_shared>>
    tpu.wait_indirect_dma semaphore(%arg18 : memref<!tpu.dma_semaphore, #tpu.memory_space<semaphore_mem>>) src(%dma_wait3A_99 : memref<128x64xf32, #tpu.memory_space<vmem>>) dst(%dma_wait3A_105 : memref<10240x64xf32, #tpu.memory_space<vmem_shared>>)
    %dma_wait3A_106 = arith.constant 3 : i32
    %dma_wait3A_107 = arith.constant 163 : i32
    %dma_wait3A_108 = arith.constant 0 : i32
    %dma_wait3A_109 = arith.constant 0 : i32
    %dma_wait3A_110 = tpu.memref_slice %arg9[%dma_wait3A_106, %dma_wait3A_108, %dma_wait3A_109] : memref<5x128x64xf32, #tpu.memory_space<vmem>> -> memref<1x128x64xf32, #tpu.memory_space<vmem>>
    %dma_wait3A_111 = tpu.memref_squeeze %dma_wait3A_110 : memref<1x128x64xf32, #tpu.memory_space<vmem>> -> memref<128x64xf32, #tpu.memory_space<vmem>>
    %dma_wait3A_112 = arith.constant 0 : i32
    %dma_wait3A_113 = tpu.memref_slice %arg8[%dma_wait3A_107, %dma_wait3A_112] : memref<165x128xi32, #tpu.memory_space<vmem>> -> memref<1x128xi32, #tpu.memory_space<vmem>>
    %dma_wait3A_114 = tpu.memref_squeeze %dma_wait3A_113 : memref<1x128xi32, #tpu.memory_space<vmem>> -> memref<128xi32, #tpu.memory_space<vmem>>
    %dma_wait3A_115 = arith.constant 0 : i32
    %dma_wait3A_116 = arith.constant 0 : i32
    %dma_wait3A_117 = tpu.memref_slice %arg10[%dma_wait3A_115, %dma_wait3A_116] : memref<10240x64xf32, #tpu.memory_space<vmem_shared>> -> memref<10240x64xf32, #tpu.memory_space<vmem_shared>>
    tpu.wait_indirect_dma semaphore(%arg19 : memref<!tpu.dma_semaphore, #tpu.memory_space<semaphore_mem>>) src(%dma_wait3A_111 : memref<128x64xf32, #tpu.memory_space<vmem>>) dst(%dma_wait3A_117 : memref<10240x64xf32, #tpu.memory_space<vmem_shared>>)
    %dma_wait3A_118 = arith.constant 4 : i32
    %dma_wait3A_119 = arith.constant 164 : i32
    %dma_wait3A_120 = arith.constant 0 : i32
    %dma_wait3A_121 = arith.constant 0 : i32
    %dma_wait3A_122 = tpu.memref_slice %arg9[%dma_wait3A_118, %dma_wait3A_120, %dma_wait3A_121] : memref<5x128x64xf32, #tpu.memory_space<vmem>> -> memref<1x128x64xf32, #tpu.memory_space<vmem>>
    %dma_wait3A_123 = tpu.memref_squeeze %dma_wait3A_122 : memref<1x128x64xf32, #tpu.memory_space<vmem>> -> memref<128x64xf32, #tpu.memory_space<vmem>>
    %dma_wait3A_124 = arith.constant 0 : i32
    %dma_wait3A_125 = tpu.memref_slice %arg8[%dma_wait3A_119, %dma_wait3A_124] : memref<165x128xi32, #tpu.memory_space<vmem>> -> memref<1x128xi32, #tpu.memory_space<vmem>>
    %dma_wait3A_126 = tpu.memref_squeeze %dma_wait3A_125 : memref<1x128xi32, #tpu.memory_space<vmem>> -> memref<128xi32, #tpu.memory_space<vmem>>
    %dma_wait3A_127 = arith.constant 0 : i32
    %dma_wait3A_128 = arith.constant 0 : i32
    %dma_wait3A_129 = tpu.memref_slice %arg10[%dma_wait3A_127, %dma_wait3A_128] : memref<10240x64xf32, #tpu.memory_space<vmem_shared>> -> memref<10240x64xf32, #tpu.memory_space<vmem_shared>>
    tpu.wait_indirect_dma semaphore(%arg20 : memref<!tpu.dma_semaphore, #tpu.memory_space<semaphore_mem>>) src(%dma_wait3A_123 : memref<128x64xf32, #tpu.memory_space<vmem>>) dst(%dma_wait3A_129 : memref<10240x64xf32, #tpu.memory_space<vmem_shared>>)
    %barrier3A_130 = arith.constant 0 : index
    tpu.barrier barrier_id(%barrier3A_130)
    %eq3A_131 = arith.constant 0 : i32
    %eq3A_132 = arith.cmpi eq, %arg1, %eq3A_131 : i32
    %convert_element_type3A_133 = arith.extui %eq3A_132 : i1 to i32
    %cond3A_134 = arith.constant 0 : i32
    %cond3A_135 = arith.cmpi ne, %convert_element_type3A_133, %cond3A_134 : i32
    scf.if %cond3A_135 {
      "tpu.region"() ({
        %run_scoped3A = tpu.sem_alloc : memref<!tpu.dma_semaphore, #tpu.memory_space<semaphore_mem>>
        %dma_start3A_136 = arith.constant 0 : i32
        %dma_start3A_137 = arith.constant 0 : i32
        %dma_start3A_138 = tpu.memref_slice %arg6[%arg0, %dma_start3A_136, %dma_start3A_137] : memref<2x10240x64xf32, #tpu.memory_space<hbm>> -> memref<1x10240x64xf32, #tpu.memory_space<hbm>>
        %dma_start3A_139 = tpu.memref_squeeze %dma_start3A_138 : memref<1x10240x64xf32, #tpu.memory_space<hbm>> -> memref<10240x64xf32, #tpu.memory_space<hbm>>
        tpu.enqueue_dma source(%arg10 : memref<10240x64xf32, #tpu.memory_space<vmem_shared>>) target(%dma_start3A_139 : memref<10240x64xf32, #tpu.memory_space<hbm>>) target_semaphore(%run_scoped3A : memref<!tpu.dma_semaphore, #tpu.memory_space<semaphore_mem>>)
        %dma_wait3A_140 = arith.constant 0 : i32
        %dma_wait3A_141 = arith.constant 0 : i32
        %dma_wait3A_142 = tpu.memref_slice %arg6[%arg0, %dma_wait3A_140, %dma_wait3A_141] : memref<2x10240x64xf32, #tpu.memory_space<hbm>> -> memref<1x10240x64xf32, #tpu.memory_space<hbm>>
        %dma_wait3A_143 = tpu.memref_squeeze %dma_wait3A_142 : memref<1x10240x64xf32, #tpu.memory_space<hbm>> -> memref<10240x64xf32, #tpu.memory_space<hbm>>
        tpu.wait_dma2 semaphore(%run_scoped3A : memref<!tpu.dma_semaphore, #tpu.memory_space<semaphore_mem>>) src(%arg10 : memref<10240x64xf32, #tpu.memory_space<vmem_shared>>) dst(%dma_wait3A_143 : memref<10240x64xf32, #tpu.memory_space<hbm>>)
        tpu.yield
      }) : () -> ()
    } else {
    }
    return
  }
}

#map = affine_map<(d0, d1) -> (0, 0, 0)>
#map1 = affine_map<(d0, d1) -> (0)>
module attributes {stable_mosaic.version = 14 : i64} {
  func.func @_deg(%arg0: i32, %arg1: i32, %arg2: memref<32x80x128xi32, #tpu.memory_space<hbm>>, %arg3: memref<20480xf32, #tpu.memory_space<hbm>>, %arg4: memref<80x128xi32, #tpu.memory_space<vmem>>, %arg5: memref<128xf32, #tpu.memory_space<vmem>>, %arg6: memref<640xf32, #tpu.memory_space<vmem>>, %arg7: memref<10240xf32, #tpu.memory_space<vmem_shared>>) attributes {dimension_semantics = [#tpu.dimension_semantics<core_parallel>, #tpu.dimension_semantics<subcore_parallel>], iteration_bounds = array<i64: 2, 16>, scalar_prefetch = 0 : i64, scratch_operands = 4 : i64, tpu.core_type = #tpu.core_type<sc_vector_subcore>, window_params = [{transform_indices = #map}, {transform_indices = #map1}]} {
    %mul3A = arith.constant 2 : i32
    %mul3A_0 = arith.muli %arg1, %mul3A : i32
    %add3A = arith.addi %mul3A_0, %arg0 : i32
    "tpu.region"() ({
      %run_scoped3A = tpu.sem_alloc : memref<!tpu.dma_semaphore, #tpu.memory_space<semaphore_mem>>
      %dma_start3A = arith.constant 0 : i32
      %dma_start3A_298 = arith.constant 0 : i32
      %dma_start3A_299 = tpu.memref_slice %arg2[%add3A, %dma_start3A, %dma_start3A_298] : memref<32x80x128xi32, #tpu.memory_space<hbm>> -> memref<1x80x128xi32, #tpu.memory_space<hbm>>
      %dma_start3A_300 = tpu.memref_squeeze %dma_start3A_299 : memref<1x80x128xi32, #tpu.memory_space<hbm>> -> memref<80x128xi32, #tpu.memory_space<hbm>>
      %dma_start3A_301 = arith.constant 0 : i32
      %dma_start3A_302 = arith.constant 0 : i32
      %dma_start3A_303 = tpu.memref_slice %arg2[%add3A, %dma_start3A_301, %dma_start3A_302] : memref<32x80x128xi32, #tpu.memory_space<hbm>> -> memref<1x80x128xi32, #tpu.memory_space<hbm>>
      %dma_start3A_304 = tpu.memref_squeeze %dma_start3A_303 : memref<1x80x128xi32, #tpu.memory_space<hbm>> -> memref<80x128xi32, #tpu.memory_space<hbm>>
      tpu.enqueue_dma source(%dma_start3A_304 : memref<80x128xi32, #tpu.memory_space<hbm>>) target(%arg4 : memref<80x128xi32, #tpu.memory_space<vmem>>) target_semaphore(%run_scoped3A : memref<!tpu.dma_semaphore, #tpu.memory_space<semaphore_mem>>)
      %dma_wait3A = arith.constant 0 : i32
      %dma_wait3A_305 = arith.constant 0 : i32
      %dma_wait3A_306 = tpu.memref_slice %arg2[%add3A, %dma_wait3A, %dma_wait3A_305] : memref<32x80x128xi32, #tpu.memory_space<hbm>> -> memref<1x80x128xi32, #tpu.memory_space<hbm>>
      %dma_wait3A_307 = tpu.memref_squeeze %dma_wait3A_306 : memref<1x80x128xi32, #tpu.memory_space<hbm>> -> memref<80x128xi32, #tpu.memory_space<hbm>>
      %dma_wait3A_308 = arith.constant 0 : i32
      %dma_wait3A_309 = arith.constant 0 : i32
      %dma_wait3A_310 = tpu.memref_slice %arg2[%add3A, %dma_wait3A_308, %dma_wait3A_309] : memref<32x80x128xi32, #tpu.memory_space<hbm>> -> memref<1x80x128xi32, #tpu.memory_space<hbm>>
      %dma_wait3A_311 = tpu.memref_squeeze %dma_wait3A_310 : memref<1x80x128xi32, #tpu.memory_space<hbm>> -> memref<80x128xi32, #tpu.memory_space<hbm>>
      tpu.wait_dma2 semaphore(%run_scoped3A : memref<!tpu.dma_semaphore, #tpu.memory_space<semaphore_mem>>) src(%dma_wait3A_311 : memref<80x128xi32, #tpu.memory_space<hbm>>) dst(%arg4 : memref<80x128xi32, #tpu.memory_space<vmem>>)
      tpu.yield
    }) : () -> ()
    %broadcast_in_dim3A = arith.constant 1.000000e+00 : f32
    %broadcast_in_dim3A_1 = vector.broadcast %broadcast_in_dim3A : f32 to vector<16xf32>
    %swap3A = arith.constant 0 : index
    %swap3A_2 = tpu.vector_load %arg5[%swap3A] {strides = array<i32>} : memref<128xf32, #tpu.memory_space<vmem>>, vector<16xf32>,
    %swap3A_3 = vector.shape_cast %swap3A_2 : vector<16xf32> to vector<16xf32>
    %swap3A_4 = vector.shape_cast %broadcast_in_dim3A_1 : vector<16xf32> to vector<16xf32>
    tpu.vector_store %arg5[%swap3A], %swap3A_4 {strides = array<i32>} : memref<128xf32, #tpu.memory_space<vmem>>, vector<16xf32>,
    %broadcast_in_dim3A_5 = arith.constant 1.000000e+00 : f32
    %broadcast_in_dim3A_6 = vector.broadcast %broadcast_in_dim3A_5 : f32 to vector<16xf32>
    %swap3A_7 = arith.constant 16 : index
    %swap3A_8 = tpu.vector_load %arg5[%swap3A_7] {strides = array<i32>} : memref<128xf32, #tpu.memory_space<vmem>>, vector<16xf32>,
    %swap3A_9 = vector.shape_cast %swap3A_8 : vector<16xf32> to vector<16xf32>
    %swap3A_10 = vector.shape_cast %broadcast_in_dim3A_6 : vector<16xf32> to vector<16xf32>
    tpu.vector_store %arg5[%swap3A_7], %swap3A_10 {strides = array<i32>} : memref<128xf32, #tpu.memory_space<vmem>>, vector<16xf32>,
    %broadcast_in_dim3A_11 = arith.constant 1.000000e+00 : f32
    %broadcast_in_dim3A_12 = vector.broadcast %broadcast_in_dim3A_11 : f32 to vector<16xf32>
    %swap3A_13 = arith.constant 32 : index
    %swap3A_14 = tpu.vector_load %arg5[%swap3A_13] {strides = array<i32>} : memref<128xf32, #tpu.memory_space<vmem>>, vector<16xf32>,
    %swap3A_15 = vector.shape_cast %swap3A_14 : vector<16xf32> to vector<16xf32>
    %swap3A_16 = vector.shape_cast %broadcast_in_dim3A_12 : vector<16xf32> to vector<16xf32>
    tpu.vector_store %arg5[%swap3A_13], %swap3A_16 {strides = array<i32>} : memref<128xf32, #tpu.memory_space<vmem>>, vector<16xf32>,
    %broadcast_in_dim3A_17 = arith.constant 1.000000e+00 : f32
    %broadcast_in_dim3A_18 = vector.broadcast %broadcast_in_dim3A_17 : f32 to vector<16xf32>
    %swap3A_19 = arith.constant 48 : index
    %swap3A_20 = tpu.vector_load %arg5[%swap3A_19] {strides = array<i32>} : memref<128xf32, #tpu.memory_space<vmem>>, vector<16xf32>,
    %swap3A_21 = vector.shape_cast %swap3A_20 : vector<16xf32> to vector<16xf32>
    %swap3A_22 = vector.shape_cast %broadcast_in_dim3A_18 : vector<16xf32> to vector<16xf32>
    tpu.vector_store %arg5[%swap3A_19], %swap3A_22 {strides = array<i32>} : memref<128xf32, #tpu.memory_space<vmem>>, vector<16xf32>,
    %broadcast_in_dim3A_23 = arith.constant 1.000000e+00 : f32
    %broadcast_in_dim3A_24 = vector.broadcast %broadcast_in_dim3A_23 : f32 to vector<16xf32>
    %swap3A_25 = arith.constant 64 : index
    %swap3A_26 = tpu.vector_load %arg5[%swap3A_25] {strides = array<i32>} : memref<128xf32, #tpu.memory_space<vmem>>, vector<16xf32>,
    %swap3A_27 = vector.shape_cast %swap3A_26 : vector<16xf32> to vector<16xf32>
    %swap3A_28 = vector.shape_cast %broadcast_in_dim3A_24 : vector<16xf32> to vector<16xf32>
    tpu.vector_store %arg5[%swap3A_25], %swap3A_28 {strides = array<i32>} : memref<128xf32, #tpu.memory_space<vmem>>, vector<16xf32>,
    %broadcast_in_dim3A_29 = arith.constant 1.000000e+00 : f32
    %broadcast_in_dim3A_30 = vector.broadcast %broadcast_in_dim3A_29 : f32 to vector<16xf32>
    %swap3A_31 = arith.constant 80 : index
    %swap3A_32 = tpu.vector_load %arg5[%swap3A_31] {strides = array<i32>} : memref<128xf32, #tpu.memory_space<vmem>>, vector<16xf32>,
    %swap3A_33 = vector.shape_cast %swap3A_32 : vector<16xf32> to vector<16xf32>
    %swap3A_34 = vector.shape_cast %broadcast_in_dim3A_30 : vector<16xf32> to vector<16xf32>
    tpu.vector_store %arg5[%swap3A_31], %swap3A_34 {strides = array<i32>} : memref<128xf32, #tpu.memory_space<vmem>>, vector<16xf32>,
    %broadcast_in_dim3A_35 = arith.constant 1.000000e+00 : f32
    %broadcast_in_dim3A_36 = vector.broadcast %broadcast_in_dim3A_35 : f32 to vector<16xf32>
    %swap3A_37 = arith.constant 96 : index
    %swap3A_38 = tpu.vector_load %arg5[%swap3A_37] {strides = array<i32>} : memref<128xf32, #tpu.memory_space<vmem>>, vector<16xf32>,
    %swap3A_39 = vector.shape_cast %swap3A_38 : vector<16xf32> to vector<16xf32>
    %swap3A_40 = vector.shape_cast %broadcast_in_dim3A_36 : vector<16xf32> to vector<16xf32>
    tpu.vector_store %arg5[%swap3A_37], %swap3A_40 {strides = array<i32>} : memref<128xf32, #tpu.memory_space<vmem>>, vector<16xf32>,
    %broadcast_in_dim3A_41 = arith.constant 1.000000e+00 : f32
    %broadcast_in_dim3A_42 = vector.broadcast %broadcast_in_dim3A_41 : f32 to vector<16xf32>
    %swap3A_43 = arith.constant 112 : index
    %swap3A_44 = tpu.vector_load %arg5[%swap3A_43] {strides = array<i32>} : memref<128xf32, #tpu.memory_space<vmem>>, vector<16xf32>,
    %swap3A_45 = vector.shape_cast %swap3A_44 : vector<16xf32> to vector<16xf32>
    %swap3A_46 = vector.shape_cast %broadcast_in_dim3A_42 : vector<16xf32> to vector<16xf32>
    tpu.vector_store %arg5[%swap3A_43], %swap3A_46 {strides = array<i32>} : memref<128xf32, #tpu.memory_space<vmem>>, vector<16xf32>,
    %broadcast_in_dim3A_47 = arith.constant 0.000000e+00 : f32
    %broadcast_in_dim3A_48 = vector.broadcast %broadcast_in_dim3A_47 : f32 to vector<16xf32>
    %swap3A_49 = arith.constant 0 : index
    %swap3A_50 = tpu.vector_load %arg6[%swap3A_49] {strides = array<i32>} : memref<640xf32, #tpu.memory_space<vmem>>, vector<16xf32>,
    %swap3A_51 = vector.shape_cast %swap3A_50 : vector<16xf32> to vector<16xf32>
    %swap3A_52 = vector.shape_cast %broadcast_in_dim3A_48 : vector<16xf32> to vector<16xf32>
    tpu.vector_store %arg6[%swap3A_49], %swap3A_52 {strides = array<i32>} : memref<640xf32, #tpu.memory_space<vmem>>, vector<16xf32>,
    %broadcast_in_dim3A_53 = arith.constant 0.000000e+00 : f32
    %broadcast_in_dim3A_54 = vector.broadcast %broadcast_in_dim3A_53 : f32 to vector<16xf32>
    %swap3A_55 = arith.constant 16 : index
    %swap3A_56 = tpu.vector_load %arg6[%swap3A_55] {strides = array<i32>} : memref<640xf32, #tpu.memory_space<vmem>>, vector<16xf32>,
    %swap3A_57 = vector.shape_cast %swap3A_56 : vector<16xf32> to vector<16xf32>
    %swap3A_58 = vector.shape_cast %broadcast_in_dim3A_54 : vector<16xf32> to vector<16xf32>
    tpu.vector_store %arg6[%swap3A_55], %swap3A_58 {strides = array<i32>} : memref<640xf32, #tpu.memory_space<vmem>>, vector<16xf32>,
    %broadcast_in_dim3A_59 = arith.constant 0.000000e+00 : f32
    %broadcast_in_dim3A_60 = vector.broadcast %broadcast_in_dim3A_59 : f32 to vector<16xf32>
    %swap3A_61 = arith.constant 32 : index
    %swap3A_62 = tpu.vector_load %arg6[%swap3A_61] {strides = array<i32>} : memref<640xf32, #tpu.memory_space<vmem>>, vector<16xf32>,
    %swap3A_63 = vector.shape_cast %swap3A_62 : vector<16xf32> to vector<16xf32>
    %swap3A_64 = vector.shape_cast %broadcast_in_dim3A_60 : vector<16xf32> to vector<16xf32>
    tpu.vector_store %arg6[%swap3A_61], %swap3A_64 {strides = array<i32>} : memref<640xf32, #tpu.memory_space<vmem>>, vector<16xf32>,
    %broadcast_in_dim3A_65 = arith.constant 0.000000e+00 : f32
    %broadcast_in_dim3A_66 = vector.broadcast %broadcast_in_dim3A_65 : f32 to vector<16xf32>
    %swap3A_67 = arith.constant 48 : index
    %swap3A_68 = tpu.vector_load %arg6[%swap3A_67] {strides = array<i32>} : memref<640xf32, #tpu.memory_space<vmem>>, vector<16xf32>,
    %swap3A_69 = vector.shape_cast %swap3A_68 : vector<16xf32> to vector<16xf32>
    %swap3A_70 = vector.shape_cast %broadcast_in_dim3A_66 : vector<16xf32> to vector<16xf32>
    tpu.vector_store %arg6[%swap3A_67], %swap3A_70 {strides = array<i32>} : memref<640xf32, #tpu.memory_space<vmem>>, vector<16xf32>,
    %broadcast_in_dim3A_71 = arith.constant 0.000000e+00 : f32
    %broadcast_in_dim3A_72 = vector.broadcast %broadcast_in_dim3A_71 : f32 to vector<16xf32>
    %swap3A_73 = arith.constant 64 : index
    %swap3A_74 = tpu.vector_load %arg6[%swap3A_73] {strides = array<i32>} : memref<640xf32, #tpu.memory_space<vmem>>, vector<16xf32>,
    %swap3A_75 = vector.shape_cast %swap3A_74 : vector<16xf32> to vector<16xf32>
    %swap3A_76 = vector.shape_cast %broadcast_in_dim3A_72 : vector<16xf32> to vector<16xf32>
    tpu.vector_store %arg6[%swap3A_73], %swap3A_76 {strides = array<i32>} : memref<640xf32, #tpu.memory_space<vmem>>, vector<16xf32>,
    %broadcast_in_dim3A_77 = arith.constant 0.000000e+00 : f32
    %broadcast_in_dim3A_78 = vector.broadcast %broadcast_in_dim3A_77 : f32 to vector<16xf32>
    %swap3A_79 = arith.constant 80 : index
    %swap3A_80 = tpu.vector_load %arg6[%swap3A_79] {strides = array<i32>} : memref<640xf32, #tpu.memory_space<vmem>>, vector<16xf32>,
    %swap3A_81 = vector.shape_cast %swap3A_80 : vector<16xf32> to vector<16xf32>
    %swap3A_82 = vector.shape_cast %broadcast_in_dim3A_78 : vector<16xf32> to vector<16xf32>
    tpu.vector_store %arg6[%swap3A_79], %swap3A_82 {strides = array<i32>} : memref<640xf32, #tpu.memory_space<vmem>>, vector<16xf32>,
    %broadcast_in_dim3A_83 = arith.constant 0.000000e+00 : f32
    %broadcast_in_dim3A_84 = vector.broadcast %broadcast_in_dim3A_83 : f32 to vector<16xf32>
    %swap3A_85 = arith.constant 96 : index
    %swap3A_86 = tpu.vector_load %arg6[%swap3A_85] {strides = array<i32>} : memref<640xf32, #tpu.memory_space<vmem>>, vector<16xf32>,
    %swap3A_87 = vector.shape_cast %swap3A_86 : vector<16xf32> to vector<16xf32>
    %swap3A_88 = vector.shape_cast %broadcast_in_dim3A_84 : vector<16xf32> to vector<16xf32>
    tpu.vector_store %arg6[%swap3A_85], %swap3A_88 {strides = array<i32>} : memref<640xf32, #tpu.memory_space<vmem>>, vector<16xf32>,
    %broadcast_in_dim3A_89 = arith.constant 0.000000e+00 : f32
    %broadcast_in_dim3A_90 = vector.broadcast %broadcast_in_dim3A_89 : f32 to vector<16xf32>
    %swap3A_91 = arith.constant 112 : index
    %swap3A_92 = tpu.vector_load %arg6[%swap3A_91] {strides = array<i32>} : memref<640xf32, #tpu.memory_space<vmem>>, vector<16xf32>,
    %swap3A_93 = vector.shape_cast %swap3A_92 : vector<16xf32> to vector<16xf32>
    %swap3A_94 = vector.shape_cast %broadcast_in_dim3A_90 : vector<16xf32> to vector<16xf32>
    tpu.vector_store %arg6[%swap3A_91], %swap3A_94 {strides = array<i32>} : memref<640xf32, #tpu.memory_space<vmem>>, vector<16xf32>,
    %broadcast_in_dim3A_95 = arith.constant 0.000000e+00 : f32
    %broadcast_in_dim3A_96 = vector.broadcast %broadcast_in_dim3A_95 : f32 to vector<16xf32>
    %swap3A_97 = arith.constant 128 : index
    %swap3A_98 = tpu.vector_load %arg6[%swap3A_97] {strides = array<i32>} : memref<640xf32, #tpu.memory_space<vmem>>, vector<16xf32>,
    %swap3A_99 = vector.shape_cast %swap3A_98 : vector<16xf32> to vector<16xf32>
    %swap3A_100 = vector.shape_cast %broadcast_in_dim3A_96 : vector<16xf32> to vector<16xf32>
    tpu.vector_store %arg6[%swap3A_97], %swap3A_100 {strides = array<i32>} : memref<640xf32, #tpu.memory_space<vmem>>, vector<16xf32>,
    %broadcast_in_dim3A_101 = arith.constant 0.000000e+00 : f32
    %broadcast_in_dim3A_102 = vector.broadcast %broadcast_in_dim3A_101 : f32 to vector<16xf32>
    %swap3A_103 = arith.constant 144 : index
    %swap3A_104 = tpu.vector_load %arg6[%swap3A_103] {strides = array<i32>} : memref<640xf32, #tpu.memory_space<vmem>>, vector<16xf32>,
    %swap3A_105 = vector.shape_cast %swap3A_104 : vector<16xf32> to vector<16xf32>
    %swap3A_106 = vector.shape_cast %broadcast_in_dim3A_102 : vector<16xf32> to vector<16xf32>
    tpu.vector_store %arg6[%swap3A_103], %swap3A_106 {strides = array<i32>} : memref<640xf32, #tpu.memory_space<vmem>>, vector<16xf32>,
    %broadcast_in_dim3A_107 = arith.constant 0.000000e+00 : f32
    %broadcast_in_dim3A_108 = vector.broadcast %broadcast_in_dim3A_107 : f32 to vector<16xf32>
    %swap3A_109 = arith.constant 160 : index
    %swap3A_110 = tpu.vector_load %arg6[%swap3A_109] {strides = array<i32>} : memref<640xf32, #tpu.memory_space<vmem>>, vector<16xf32>,
    %swap3A_111 = vector.shape_cast %swap3A_110 : vector<16xf32> to vector<16xf32>
    %swap3A_112 = vector.shape_cast %broadcast_in_dim3A_108 : vector<16xf32> to vector<16xf32>
    tpu.vector_store %arg6[%swap3A_109], %swap3A_112 {strides = array<i32>} : memref<640xf32, #tpu.memory_space<vmem>>, vector<16xf32>,
    %broadcast_in_dim3A_113 = arith.constant 0.000000e+00 : f32
    %broadcast_in_dim3A_114 = vector.broadcast %broadcast_in_dim3A_113 : f32 to vector<16xf32>
    %swap3A_115 = arith.constant 176 : index
    %swap3A_116 = tpu.vector_load %arg6[%swap3A_115] {strides = array<i32>} : memref<640xf32, #tpu.memory_space<vmem>>, vector<16xf32>,
    %swap3A_117 = vector.shape_cast %swap3A_116 : vector<16xf32> to vector<16xf32>
    %swap3A_118 = vector.shape_cast %broadcast_in_dim3A_114 : vector<16xf32> to vector<16xf32>
    tpu.vector_store %arg6[%swap3A_115], %swap3A_118 {strides = array<i32>} : memref<640xf32, #tpu.memory_space<vmem>>, vector<16xf32>,
    %broadcast_in_dim3A_119 = arith.constant 0.000000e+00 : f32
    %broadcast_in_dim3A_120 = vector.broadcast %broadcast_in_dim3A_119 : f32 to vector<16xf32>
    %swap3A_121 = arith.constant 192 : index
    %swap3A_122 = tpu.vector_load %arg6[%swap3A_121] {strides = array<i32>} : memref<640xf32, #tpu.memory_space<vmem>>, vector<16xf32>,
    %swap3A_123 = vector.shape_cast %swap3A_122 : vector<16xf32> to vector<16xf32>
    %swap3A_124 = vector.shape_cast %broadcast_in_dim3A_120 : vector<16xf32> to vector<16xf32>
    tpu.vector_store %arg6[%swap3A_121], %swap3A_124 {strides = array<i32>} : memref<640xf32, #tpu.memory_space<vmem>>, vector<16xf32>,
    %broadcast_in_dim3A_125 = arith.constant 0.000000e+00 : f32
    %broadcast_in_dim3A_126 = vector.broadcast %broadcast_in_dim3A_125 : f32 to vector<16xf32>
    %swap3A_127 = arith.constant 208 : index
    %swap3A_128 = tpu.vector_load %arg6[%swap3A_127] {strides = array<i32>} : memref<640xf32, #tpu.memory_space<vmem>>, vector<16xf32>,
    %swap3A_129 = vector.shape_cast %swap3A_128 : vector<16xf32> to vector<16xf32>
    %swap3A_130 = vector.shape_cast %broadcast_in_dim3A_126 : vector<16xf32> to vector<16xf32>
    tpu.vector_store %arg6[%swap3A_127], %swap3A_130 {strides = array<i32>} : memref<640xf32, #tpu.memory_space<vmem>>, vector<16xf32>,
    %broadcast_in_dim3A_131 = arith.constant 0.000000e+00 : f32
    %broadcast_in_dim3A_132 = vector.broadcast %broadcast_in_dim3A_131 : f32 to vector<16xf32>
    %swap3A_133 = arith.constant 224 : index
    %swap3A_134 = tpu.vector_load %arg6[%swap3A_133] {strides = array<i32>} : memref<640xf32, #tpu.memory_space<vmem>>, vector<16xf32>,
    %swap3A_135 = vector.shape_cast %swap3A_134 : vector<16xf32> to vector<16xf32>
    %swap3A_136 = vector.shape_cast %broadcast_in_dim3A_132 : vector<16xf32> to vector<16xf32>
    tpu.vector_store %arg6[%swap3A_133], %swap3A_136 {strides = array<i32>} : memref<640xf32, #tpu.memory_space<vmem>>, vector<16xf32>,
    %broadcast_in_dim3A_137 = arith.constant 0.000000e+00 : f32
    %broadcast_in_dim3A_138 = vector.broadcast %broadcast_in_dim3A_137 : f32 to vector<16xf32>
    %swap3A_139 = arith.constant 240 : index
    %swap3A_140 = tpu.vector_load %arg6[%swap3A_139] {strides = array<i32>} : memref<640xf32, #tpu.memory_space<vmem>>, vector<16xf32>,
    %swap3A_141 = vector.shape_cast %swap3A_140 : vector<16xf32> to vector<16xf32>
    %swap3A_142 = vector.shape_cast %broadcast_in_dim3A_138 : vector<16xf32> to vector<16xf32>
    tpu.vector_store %arg6[%swap3A_139], %swap3A_142 {strides = array<i32>} : memref<640xf32, #tpu.memory_space<vmem>>, vector<16xf32>,
    %broadcast_in_dim3A_143 = arith.constant 0.000000e+00 : f32
    %broadcast_in_dim3A_144 = vector.broadcast %broadcast_in_dim3A_143 : f32 to vector<16xf32>
    %swap3A_145 = arith.constant 256 : index
    %swap3A_146 = tpu.vector_load %arg6[%swap3A_145] {strides = array<i32>} : memref<640xf32, #tpu.memory_space<vmem>>, vector<16xf32>,
    %swap3A_147 = vector.shape_cast %swap3A_146 : vector<16xf32> to vector<16xf32>
    %swap3A_148 = vector.shape_cast %broadcast_in_dim3A_144 : vector<16xf32> to vector<16xf32>
    tpu.vector_store %arg6[%swap3A_145], %swap3A_148 {strides = array<i32>} : memref<640xf32, #tpu.memory_space<vmem>>, vector<16xf32>,
    %broadcast_in_dim3A_149 = arith.constant 0.000000e+00 : f32
    %broadcast_in_dim3A_150 = vector.broadcast %broadcast_in_dim3A_149 : f32 to vector<16xf32>
    %swap3A_151 = arith.constant 272 : index
    %swap3A_152 = tpu.vector_load %arg6[%swap3A_151] {strides = array<i32>} : memref<640xf32, #tpu.memory_space<vmem>>, vector<16xf32>,
    %swap3A_153 = vector.shape_cast %swap3A_152 : vector<16xf32> to vector<16xf32>
    %swap3A_154 = vector.shape_cast %broadcast_in_dim3A_150 : vector<16xf32> to vector<16xf32>
    tpu.vector_store %arg6[%swap3A_151], %swap3A_154 {strides = array<i32>} : memref<640xf32, #tpu.memory_space<vmem>>, vector<16xf32>,
    %broadcast_in_dim3A_155 = arith.constant 0.000000e+00 : f32
    %broadcast_in_dim3A_156 = vector.broadcast %broadcast_in_dim3A_155 : f32 to vector<16xf32>
    %swap3A_157 = arith.constant 288 : index
    %swap3A_158 = tpu.vector_load %arg6[%swap3A_157] {strides = array<i32>} : memref<640xf32, #tpu.memory_space<vmem>>, vector<16xf32>,
    %swap3A_159 = vector.shape_cast %swap3A_158 : vector<16xf32> to vector<16xf32>
    %swap3A_160 = vector.shape_cast %broadcast_in_dim3A_156 : vector<16xf32> to vector<16xf32>
    tpu.vector_store %arg6[%swap3A_157], %swap3A_160 {strides = array<i32>} : memref<640xf32, #tpu.memory_space<vmem>>, vector<16xf32>,
    %broadcast_in_dim3A_161 = arith.constant 0.000000e+00 : f32
    %broadcast_in_dim3A_162 = vector.broadcast %broadcast_in_dim3A_161 : f32 to vector<16xf32>
    %swap3A_163 = arith.constant 304 : index
    %swap3A_164 = tpu.vector_load %arg6[%swap3A_163] {strides = array<i32>} : memref<640xf32, #tpu.memory_space<vmem>>, vector<16xf32>,
    %swap3A_165 = vector.shape_cast %swap3A_164 : vector<16xf32> to vector<16xf32>
    %swap3A_166 = vector.shape_cast %broadcast_in_dim3A_162 : vector<16xf32> to vector<16xf32>
    tpu.vector_store %arg6[%swap3A_163], %swap3A_166 {strides = array<i32>} : memref<640xf32, #tpu.memory_space<vmem>>, vector<16xf32>,
    %broadcast_in_dim3A_167 = arith.constant 0.000000e+00 : f32
    %broadcast_in_dim3A_168 = vector.broadcast %broadcast_in_dim3A_167 : f32 to vector<16xf32>
    %swap3A_169 = arith.constant 320 : index
    %swap3A_170 = tpu.vector_load %arg6[%swap3A_169] {strides = array<i32>} : memref<640xf32, #tpu.memory_space<vmem>>, vector<16xf32>,
    %swap3A_171 = vector.shape_cast %swap3A_170 : vector<16xf32> to vector<16xf32>
    %swap3A_172 = vector.shape_cast %broadcast_in_dim3A_168 : vector<16xf32> to vector<16xf32>
    tpu.vector_store %arg6[%swap3A_169], %swap3A_172 {strides = array<i32>} : memref<640xf32, #tpu.memory_space<vmem>>, vector<16xf32>,
    %broadcast_in_dim3A_173 = arith.constant 0.000000e+00 : f32
    %broadcast_in_dim3A_174 = vector.broadcast %broadcast_in_dim3A_173 : f32 to vector<16xf32>
    %swap3A_175 = arith.constant 336 : index
    %swap3A_176 = tpu.vector_load %arg6[%swap3A_175] {strides = array<i32>} : memref<640xf32, #tpu.memory_space<vmem>>, vector<16xf32>,
    %swap3A_177 = vector.shape_cast %swap3A_176 : vector<16xf32> to vector<16xf32>
    %swap3A_178 = vector.shape_cast %broadcast_in_dim3A_174 : vector<16xf32> to vector<16xf32>
    tpu.vector_store %arg6[%swap3A_175], %swap3A_178 {strides = array<i32>} : memref<640xf32, #tpu.memory_space<vmem>>, vector<16xf32>,
    %broadcast_in_dim3A_179 = arith.constant 0.000000e+00 : f32
    %broadcast_in_dim3A_180 = vector.broadcast %broadcast_in_dim3A_179 : f32 to vector<16xf32>
    %swap3A_181 = arith.constant 352 : index
    %swap3A_182 = tpu.vector_load %arg6[%swap3A_181] {strides = array<i32>} : memref<640xf32, #tpu.memory_space<vmem>>, vector<16xf32>,
    %swap3A_183 = vector.shape_cast %swap3A_182 : vector<16xf32> to vector<16xf32>
    %swap3A_184 = vector.shape_cast %broadcast_in_dim3A_180 : vector<16xf32> to vector<16xf32>
    tpu.vector_store %arg6[%swap3A_181], %swap3A_184 {strides = array<i32>} : memref<640xf32, #tpu.memory_space<vmem>>, vector<16xf32>,
    %broadcast_in_dim3A_185 = arith.constant 0.000000e+00 : f32
    %broadcast_in_dim3A_186 = vector.broadcast %broadcast_in_dim3A_185 : f32 to vector<16xf32>
    %swap3A_187 = arith.constant 368 : index
    %swap3A_188 = tpu.vector_load %arg6[%swap3A_187] {strides = array<i32>} : memref<640xf32, #tpu.memory_space<vmem>>, vector<16xf32>,
    %swap3A_189 = vector.shape_cast %swap3A_188 : vector<16xf32> to vector<16xf32>
    %swap3A_190 = vector.shape_cast %broadcast_in_dim3A_186 : vector<16xf32> to vector<16xf32>
    tpu.vector_store %arg6[%swap3A_187], %swap3A_190 {strides = array<i32>} : memref<640xf32, #tpu.memory_space<vmem>>, vector<16xf32>,
    %broadcast_in_dim3A_191 = arith.constant 0.000000e+00 : f32
    %broadcast_in_dim3A_192 = vector.broadcast %broadcast_in_dim3A_191 : f32 to vector<16xf32>
    %swap3A_193 = arith.constant 384 : index
    %swap3A_194 = tpu.vector_load %arg6[%swap3A_193] {strides = array<i32>} : memref<640xf32, #tpu.memory_space<vmem>>, vector<16xf32>,
    %swap3A_195 = vector.shape_cast %swap3A_194 : vector<16xf32> to vector<16xf32>
    %swap3A_196 = vector.shape_cast %broadcast_in_dim3A_192 : vector<16xf32> to vector<16xf32>
    tpu.vector_store %arg6[%swap3A_193], %swap3A_196 {strides = array<i32>} : memref<640xf32, #tpu.memory_space<vmem>>, vector<16xf32>,
    %broadcast_in_dim3A_197 = arith.constant 0.000000e+00 : f32
    %broadcast_in_dim3A_198 = vector.broadcast %broadcast_in_dim3A_197 : f32 to vector<16xf32>
    %swap3A_199 = arith.constant 400 : index
    %swap3A_200 = tpu.vector_load %arg6[%swap3A_199] {strides = array<i32>} : memref<640xf32, #tpu.memory_space<vmem>>, vector<16xf32>,
    %swap3A_201 = vector.shape_cast %swap3A_200 : vector<16xf32> to vector<16xf32>
    %swap3A_202 = vector.shape_cast %broadcast_in_dim3A_198 : vector<16xf32> to vector<16xf32>
    tpu.vector_store %arg6[%swap3A_199], %swap3A_202 {strides = array<i32>} : memref<640xf32, #tpu.memory_space<vmem>>, vector<16xf32>,
    %broadcast_in_dim3A_203 = arith.constant 0.000000e+00 : f32
    %broadcast_in_dim3A_204 = vector.broadcast %broadcast_in_dim3A_203 : f32 to vector<16xf32>
    %swap3A_205 = arith.constant 416 : index
    %swap3A_206 = tpu.vector_load %arg6[%swap3A_205] {strides = array<i32>} : memref<640xf32, #tpu.memory_space<vmem>>, vector<16xf32>,
    %swap3A_207 = vector.shape_cast %swap3A_206 : vector<16xf32> to vector<16xf32>
    %swap3A_208 = vector.shape_cast %broadcast_in_dim3A_204 : vector<16xf32> to vector<16xf32>
    tpu.vector_store %arg6[%swap3A_205], %swap3A_208 {strides = array<i32>} : memref<640xf32, #tpu.memory_space<vmem>>, vector<16xf32>,
    %broadcast_in_dim3A_209 = arith.constant 0.000000e+00 : f32
    %broadcast_in_dim3A_210 = vector.broadcast %broadcast_in_dim3A_209 : f32 to vector<16xf32>
    %swap3A_211 = arith.constant 432 : index
    %swap3A_212 = tpu.vector_load %arg6[%swap3A_211] {strides = array<i32>} : memref<640xf32, #tpu.memory_space<vmem>>, vector<16xf32>,
    %swap3A_213 = vector.shape_cast %swap3A_212 : vector<16xf32> to vector<16xf32>
    %swap3A_214 = vector.shape_cast %broadcast_in_dim3A_210 : vector<16xf32> to vector<16xf32>
    tpu.vector_store %arg6[%swap3A_211], %swap3A_214 {strides = array<i32>} : memref<640xf32, #tpu.memory_space<vmem>>, vector<16xf32>,
    %broadcast_in_dim3A_215 = arith.constant 0.000000e+00 : f32
    %broadcast_in_dim3A_216 = vector.broadcast %broadcast_in_dim3A_215 : f32 to vector<16xf32>
    %swap3A_217 = arith.constant 448 : index
    %swap3A_218 = tpu.vector_load %arg6[%swap3A_217] {strides = array<i32>} : memref<640xf32, #tpu.memory_space<vmem>>, vector<16xf32>,
    %swap3A_219 = vector.shape_cast %swap3A_218 : vector<16xf32> to vector<16xf32>
    %swap3A_220 = vector.shape_cast %broadcast_in_dim3A_216 : vector<16xf32> to vector<16xf32>
    tpu.vector_store %arg6[%swap3A_217], %swap3A_220 {strides = array<i32>} : memref<640xf32, #tpu.memory_space<vmem>>, vector<16xf32>,
    %broadcast_in_dim3A_221 = arith.constant 0.000000e+00 : f32
    %broadcast_in_dim3A_222 = vector.broadcast %broadcast_in_dim3A_221 : f32 to vector<16xf32>
    %swap3A_223 = arith.constant 464 : index
    %swap3A_224 = tpu.vector_load %arg6[%swap3A_223] {strides = array<i32>} : memref<640xf32, #tpu.memory_space<vmem>>, vector<16xf32>,
    %swap3A_225 = vector.shape_cast %swap3A_224 : vector<16xf32> to vector<16xf32>
    %swap3A_226 = vector.shape_cast %broadcast_in_dim3A_222 : vector<16xf32> to vector<16xf32>
    tpu.vector_store %arg6[%swap3A_223], %swap3A_226 {strides = array<i32>} : memref<640xf32, #tpu.memory_space<vmem>>, vector<16xf32>,
    %broadcast_in_dim3A_227 = arith.constant 0.000000e+00 : f32
    %broadcast_in_dim3A_228 = vector.broadcast %broadcast_in_dim3A_227 : f32 to vector<16xf32>
    %swap3A_229 = arith.constant 480 : index
    %swap3A_230 = tpu.vector_load %arg6[%swap3A_229] {strides = array<i32>} : memref<640xf32, #tpu.memory_space<vmem>>, vector<16xf32>,
    %swap3A_231 = vector.shape_cast %swap3A_230 : vector<16xf32> to vector<16xf32>
    %swap3A_232 = vector.shape_cast %broadcast_in_dim3A_228 : vector<16xf32> to vector<16xf32>
    tpu.vector_store %arg6[%swap3A_229], %swap3A_232 {strides = array<i32>} : memref<640xf32, #tpu.memory_space<vmem>>, vector<16xf32>,
    %broadcast_in_dim3A_233 = arith.constant 0.000000e+00 : f32
    %broadcast_in_dim3A_234 = vector.broadcast %broadcast_in_dim3A_233 : f32 to vector<16xf32>
    %swap3A_235 = arith.constant 496 : index
    %swap3A_236 = tpu.vector_load %arg6[%swap3A_235] {strides = array<i32>} : memref<640xf32, #tpu.memory_space<vmem>>, vector<16xf32>,
    %swap3A_237 = vector.shape_cast %swap3A_236 : vector<16xf32> to vector<16xf32>
    %swap3A_238 = vector.shape_cast %broadcast_in_dim3A_234 : vector<16xf32> to vector<16xf32>
    tpu.vector_store %arg6[%swap3A_235], %swap3A_238 {strides = array<i32>} : memref<640xf32, #tpu.memory_space<vmem>>, vector<16xf32>,
    %broadcast_in_dim3A_239 = arith.constant 0.000000e+00 : f32
    %broadcast_in_dim3A_240 = vector.broadcast %broadcast_in_dim3A_239 : f32 to vector<16xf32>
    %swap3A_241 = arith.constant 512 : index
    %swap3A_242 = tpu.vector_load %arg6[%swap3A_241] {strides = array<i32>} : memref<640xf32, #tpu.memory_space<vmem>>, vector<16xf32>,
    %swap3A_243 = vector.shape_cast %swap3A_242 : vector<16xf32> to vector<16xf32>
    %swap3A_244 = vector.shape_cast %broadcast_in_dim3A_240 : vector<16xf32> to vector<16xf32>
    tpu.vector_store %arg6[%swap3A_241], %swap3A_244 {strides = array<i32>} : memref<640xf32, #tpu.memory_space<vmem>>, vector<16xf32>,
    %broadcast_in_dim3A_245 = arith.constant 0.000000e+00 : f32
    %broadcast_in_dim3A_246 = vector.broadcast %broadcast_in_dim3A_245 : f32 to vector<16xf32>
    %swap3A_247 = arith.constant 528 : index
    %swap3A_248 = tpu.vector_load %arg6[%swap3A_247] {strides = array<i32>} : memref<640xf32, #tpu.memory_space<vmem>>, vector<16xf32>,
    %swap3A_249 = vector.shape_cast %swap3A_248 : vector<16xf32> to vector<16xf32>
    %swap3A_250 = vector.shape_cast %broadcast_in_dim3A_246 : vector<16xf32> to vector<16xf32>
    tpu.vector_store %arg6[%swap3A_247], %swap3A_250 {strides = array<i32>} : memref<640xf32, #tpu.memory_space<vmem>>, vector<16xf32>,
    %broadcast_in_dim3A_251 = arith.constant 0.000000e+00 : f32
    %broadcast_in_dim3A_252 = vector.broadcast %broadcast_in_dim3A_251 : f32 to vector<16xf32>
    %swap3A_253 = arith.constant 544 : index
    %swap3A_254 = tpu.vector_load %arg6[%swap3A_253] {strides = array<i32>} : memref<640xf32, #tpu.memory_space<vmem>>, vector<16xf32>,
    %swap3A_255 = vector.shape_cast %swap3A_254 : vector<16xf32> to vector<16xf32>
    %swap3A_256 = vector.shape_cast %broadcast_in_dim3A_252 : vector<16xf32> to vector<16xf32>
    tpu.vector_store %arg6[%swap3A_253], %swap3A_256 {strides = array<i32>} : memref<640xf32, #tpu.memory_space<vmem>>, vector<16xf32>,
    %broadcast_in_dim3A_257 = arith.constant 0.000000e+00 : f32
    %broadcast_in_dim3A_258 = vector.broadcast %broadcast_in_dim3A_257 : f32 to vector<16xf32>
    %swap3A_259 = arith.constant 560 : index
    %swap3A_260 = tpu.vector_load %arg6[%swap3A_259] {strides = array<i32>} : memref<640xf32, #tpu.memory_space<vmem>>, vector<16xf32>,
    %swap3A_261 = vector.shape_cast %swap3A_260 : vector<16xf32> to vector<16xf32>
    %swap3A_262 = vector.shape_cast %broadcast_in_dim3A_258 : vector<16xf32> to vector<16xf32>
    tpu.vector_store %arg6[%swap3A_259], %swap3A_262 {strides = array<i32>} : memref<640xf32, #tpu.memory_space<vmem>>, vector<16xf32>,
    %broadcast_in_dim3A_263 = arith.constant 0.000000e+00 : f32
    %broadcast_in_dim3A_264 = vector.broadcast %broadcast_in_dim3A_263 : f32 to vector<16xf32>
    %swap3A_265 = arith.constant 576 : index
    %swap3A_266 = tpu.vector_load %arg6[%swap3A_265] {strides = array<i32>} : memref<640xf32, #tpu.memory_space<vmem>>, vector<16xf32>,
    %swap3A_267 = vector.shape_cast %swap3A_266 : vector<16xf32> to vector<16xf32>
    %swap3A_268 = vector.shape_cast %broadcast_in_dim3A_264 : vector<16xf32> to vector<16xf32>
    tpu.vector_store %arg6[%swap3A_265], %swap3A_268 {strides = array<i32>} : memref<640xf32, #tpu.memory_space<vmem>>, vector<16xf32>,
    %broadcast_in_dim3A_269 = arith.constant 0.000000e+00 : f32
    %broadcast_in_dim3A_270 = vector.broadcast %broadcast_in_dim3A_269 : f32 to vector<16xf32>
    %swap3A_271 = arith.constant 592 : index
    %swap3A_272 = tpu.vector_load %arg6[%swap3A_271] {strides = array<i32>} : memref<640xf32, #tpu.memory_space<vmem>>, vector<16xf32>,
    %swap3A_273 = vector.shape_cast %swap3A_272 : vector<16xf32> to vector<16xf32>
    %swap3A_274 = vector.shape_cast %broadcast_in_dim3A_270 : vector<16xf32> to vector<16xf32>
    tpu.vector_store %arg6[%swap3A_271], %swap3A_274 {strides = array<i32>} : memref<640xf32, #tpu.memory_space<vmem>>, vector<16xf32>,
    %broadcast_in_dim3A_275 = arith.constant 0.000000e+00 : f32
    %broadcast_in_dim3A_276 = vector.broadcast %broadcast_in_dim3A_275 : f32 to vector<16xf32>
    %swap3A_277 = arith.constant 608 : index
    %swap3A_278 = tpu.vector_load %arg6[%swap3A_277] {strides = array<i32>} : memref<640xf32, #tpu.memory_space<vmem>>, vector<16xf32>,
    %swap3A_279 = vector.shape_cast %swap3A_278 : vector<16xf32> to vector<16xf32>
    %swap3A_280 = vector.shape_cast %broadcast_in_dim3A_276 : vector<16xf32> to vector<16xf32>
    tpu.vector_store %arg6[%swap3A_277], %swap3A_280 {strides = array<i32>} : memref<640xf32, #tpu.memory_space<vmem>>, vector<16xf32>,
    %broadcast_in_dim3A_281 = arith.constant 0.000000e+00 : f32
    %broadcast_in_dim3A_282 = vector.broadcast %broadcast_in_dim3A_281 : f32 to vector<16xf32>
    %swap3A_283 = arith.constant 624 : index
    %swap3A_284 = tpu.vector_load %arg6[%swap3A_283] {strides = array<i32>} : memref<640xf32, #tpu.memory_space<vmem>>, vector<16xf32>,
    %swap3A_285 = vector.shape_cast %swap3A_284 : vector<16xf32> to vector<16xf32>
    %swap3A_286 = vector.shape_cast %broadcast_in_dim3A_282 : vector<16xf32> to vector<16xf32>
    tpu.vector_store %arg6[%swap3A_283], %swap3A_286 {strides = array<i32>} : memref<640xf32, #tpu.memory_space<vmem>>, vector<16xf32>,
    %mul3A_287 = arith.constant 640 : i32
    %mul3A_288 = arith.muli %arg1, %mul3A_287 : i32
    "tpu.region"() ({
      %run_scoped3A = tpu.sem_alloc : memref<!tpu.dma_semaphore, #tpu.memory_space<semaphore_mem>>
      %dma_start3A = tpu.memref_slice %arg7[%mul3A_288] : memref<10240xf32, #tpu.memory_space<vmem_shared>> -> memref<640xf32, #tpu.memory_space<vmem_shared>>
      %dma_start3A_298 = tpu.memref_slice %arg7[%mul3A_288] : memref<10240xf32, #tpu.memory_space<vmem_shared>> -> memref<640xf32, #tpu.memory_space<vmem_shared>>
      tpu.enqueue_dma source(%arg6 : memref<640xf32, #tpu.memory_space<vmem>>) target(%dma_start3A_298 : memref<640xf32, #tpu.memory_space<vmem_shared>>) target_semaphore(%run_scoped3A : memref<!tpu.dma_semaphore, #tpu.memory_space<semaphore_mem>>)
      %dma_wait3A = tpu.memref_slice %arg7[%mul3A_288] : memref<10240xf32, #tpu.memory_space<vmem_shared>> -> memref<640xf32, #tpu.memory_space<vmem_shared>>
      %dma_wait3A_299 = tpu.memref_slice %arg7[%mul3A_288] : memref<10240xf32, #tpu.memory_space<vmem_shared>> -> memref<640xf32, #tpu.memory_space<vmem_shared>>
      tpu.wait_dma2 semaphore(%run_scoped3A : memref<!tpu.dma_semaphore, #tpu.memory_space<semaphore_mem>>) src(%arg6 : memref<640xf32, #tpu.memory_space<vmem>>) dst(%dma_wait3A_299 : memref<640xf32, #tpu.memory_space<vmem_shared>>)
      tpu.yield
    }) : () -> ()
    %barrier3A = arith.constant 0 : index
    tpu.barrier barrier_id(%barrier3A)
    %scan3A = arith.constant 0 : i32
    %scan3A_289 = arith.constant 0 : i32
    %scan3A_290 = arith.constant 80 : i32
    %scan3A_291 = arith.addi %scan3A_289, %scan3A_290 : i32
    %scan3A_292 = arith.constant 1 : i32
    scf.for %scan3A_298 = %scan3A_289 to %scan3A_291 step %scan3A_292  : i32 {
      "tpu.region"() ({
        %run_scoped3A = tpu.sem_alloc : memref<!tpu.dma_semaphore, #tpu.memory_space<semaphore_mem>>
        %dma_start3A = arith.constant 0 : i32
        %dma_start3A_299 = tpu.memref_slice %arg4[%scan3A_298, %dma_start3A] : memref<80x128xi32, #tpu.memory_space<vmem>> -> memref<1x128xi32, #tpu.memory_space<vmem>>
        %dma_start3A_300 = tpu.memref_squeeze %dma_start3A_299 : memref<1x128xi32, #tpu.memory_space<vmem>> -> memref<128xi32, #tpu.memory_space<vmem>>
        %dma_start3A_301 = arith.constant 0 : i32
        %dma_start3A_302 = tpu.memref_slice %arg7[%dma_start3A_301] : memref<10240xf32, #tpu.memory_space<vmem_shared>> -> memref<10240xf32, #tpu.memory_space<vmem_shared>>
        tpu.enqueue_indirect_dma source(%arg5 : memref<128xf32, #tpu.memory_space<vmem>>) target(%dma_start3A_302 : memref<10240xf32, #tpu.memory_space<vmem_shared>>) offsets(%dma_start3A_300 : memref<128xi32, #tpu.memory_space<vmem>>) semaphore(%run_scoped3A : memref<!tpu.dma_semaphore, #tpu.memory_space<semaphore_mem>>) {add = true}
        %dma_wait3A = arith.constant 0 : i32
        %dma_wait3A_303 = tpu.memref_slice %arg4[%scan3A_298, %dma_wait3A] : memref<80x128xi32, #tpu.memory_space<vmem>> -> memref<1x128xi32, #tpu.memory_space<vmem>>
        %dma_wait3A_304 = tpu.memref_squeeze %dma_wait3A_303 : memref<1x128xi32, #tpu.memory_space<vmem>> -> memref<128xi32, #tpu.memory_space<vmem>>
        %dma_wait3A_305 = arith.constant 0 : i32
        %dma_wait3A_306 = tpu.memref_slice %arg7[%dma_wait3A_305] : memref<10240xf32, #tpu.memory_space<vmem_shared>> -> memref<10240xf32, #tpu.memory_space<vmem_shared>>
        tpu.wait_indirect_dma semaphore(%run_scoped3A : memref<!tpu.dma_semaphore, #tpu.memory_space<semaphore_mem>>) src(%arg5 : memref<128xf32, #tpu.memory_space<vmem>>) dst(%dma_wait3A_306 : memref<10240xf32, #tpu.memory_space<vmem_shared>>)
        tpu.yield
      }) : () -> ()
    }
    %scan3A_293 = arith.constant 80 : i32
    %barrier3A_294 = arith.constant 0 : index
    tpu.barrier barrier_id(%barrier3A_294)
    %mul3A_295 = arith.constant 10240 : i32
    %mul3A_296 = arith.muli %arg0, %mul3A_295 : i32
    %add3A_297 = arith.addi %mul3A_296, %mul3A_288 : i32
    "tpu.region"() ({
      %run_scoped3A = tpu.sem_alloc : memref<!tpu.dma_semaphore, #tpu.memory_space<semaphore_mem>>
      %dma_start3A = tpu.memref_slice %arg3[%add3A_297] : memref<20480xf32, #tpu.memory_space<hbm>> -> memref<640xf32, #tpu.memory_space<hbm>>
      %dma_start3A_298 = tpu.memref_slice %arg7[%mul3A_288] : memref<10240xf32, #tpu.memory_space<vmem_shared>> -> memref<640xf32, #tpu.memory_space<vmem_shared>>
      tpu.enqueue_dma source(%dma_start3A_298 : memref<640xf32, #tpu.memory_space<vmem_shared>>) target(%dma_start3A : memref<640xf32, #tpu.memory_space<hbm>>) target_semaphore(%run_scoped3A : memref<!tpu.dma_semaphore, #tpu.memory_space<semaphore_mem>>)
      %dma_wait3A = tpu.memref_slice %arg3[%add3A_297] : memref<20480xf32, #tpu.memory_space<hbm>> -> memref<640xf32, #tpu.memory_space<hbm>>
      %dma_wait3A_299 = tpu.memref_slice %arg7[%mul3A_288] : memref<10240xf32, #tpu.memory_space<vmem_shared>> -> memref<640xf32, #tpu.memory_space<vmem_shared>>
      tpu.wait_dma2 semaphore(%run_scoped3A : memref<!tpu.dma_semaphore, #tpu.memory_space<semaphore_mem>>) src(%dma_wait3A_299 : memref<640xf32, #tpu.memory_space<vmem_shared>>) dst(%dma_wait3A : memref<640xf32, #tpu.memory_space<hbm>>)
      tpu.yield
    }) : () -> ()
    return
  }
}

#map = affine_map<(d0, d1) -> (0, 0)>
#map1 = affine_map<(d0, d1) -> (0, 0, 0)>
module attributes {stable_mosaic.version = 14 : i64} {
  func.func @_gather_scatter(%arg0: i32, %arg1: i32, %arg2: memref<20480x64xf32, #tpu.memory_space<hbm>>, %arg3: memref<10240x64xf32, #tpu.memory_space<hbm>>, %arg4: memref<16x165x128xi32, #tpu.memory_space<hbm>>, %arg5: memref<16x165x128xi32, #tpu.memory_space<hbm>>, %arg6: memref<2x10240x64xf32, #tpu.memory_space<hbm>>, %arg7: memref<165x128xi32, #tpu.memory_space<vmem>>, %arg8: memref<165x128xi32, #tpu.memory_space<vmem>>, %arg9: memref<5x128x64xf32, #tpu.memory_space<vmem>>, %arg10: memref<10240x64xf32, #tpu.memory_space<vmem_shared>>, %arg11: memref<!tpu.dma_semaphore, #tpu.memory_space<semaphore_mem>>, %arg12: memref<!tpu.dma_semaphore, #tpu.memory_space<semaphore_mem>>, %arg13: memref<!tpu.dma_semaphore, #tpu.memory_space<semaphore_mem>>, %arg14: memref<!tpu.dma_semaphore, #tpu.memory_space<semaphore_mem>>, %arg15: memref<!tpu.dma_semaphore, #tpu.memory_space<semaphore_mem>>, %arg16: memref<!tpu.dma_semaphore, #tpu.memory_space<semaphore_mem>>, %arg17: memref<!tpu.dma_semaphore, #tpu.memory_space<semaphore_mem>>, %arg18: memref<!tpu.dma_semaphore, #tpu.memory_space<semaphore_mem>>, %arg19: memref<!tpu.dma_semaphore, #tpu.memory_space<semaphore_mem>>, %arg20: memref<!tpu.dma_semaphore, #tpu.memory_space<semaphore_mem>>) attributes {dimension_semantics = [#tpu.dimension_semantics<core_parallel>, #tpu.dimension_semantics<subcore_parallel>], iteration_bounds = array<i64: 2, 16>, scalar_prefetch = 0 : i64, scratch_operands = 14 : i64, tpu.core_type = #tpu.core_type<sc_vector_subcore>, window_params = [{transform_indices = #map}, {transform_indices = #map}, {transform_indices = #map1}, {transform_indices = #map1}, {transform_indices = #map1}]} {
    "tpu.region"() ({
      %run_scoped3A = tpu.sem_alloc : memref<!tpu.dma_semaphore, #tpu.memory_space<semaphore_mem>>
      %dma_start3A_136 = arith.constant 0 : i32
      %dma_start3A_137 = arith.constant 0 : i32
      %dma_start3A_138 = tpu.memref_slice %arg4[%arg1, %dma_start3A_136, %dma_start3A_137] : memref<16x165x128xi32, #tpu.memory_space<hbm>> -> memref<1x165x128xi32, #tpu.memory_space<hbm>>
      %dma_start3A_139 = tpu.memref_squeeze %dma_start3A_138 : memref<1x165x128xi32, #tpu.memory_space<hbm>> -> memref<165x128xi32, #tpu.memory_space<hbm>>
      %dma_start3A_140 = arith.constant 0 : i32
      %dma_start3A_141 = arith.constant 0 : i32
      %dma_start3A_142 = tpu.memref_slice %arg4[%arg1, %dma_start3A_140, %dma_start3A_141] : memref<16x165x128xi32, #tpu.memory_space<hbm>> -> memref<1x165x128xi32, #tpu.memory_space<hbm>>
      %dma_start3A_143 = tpu.memref_squeeze %dma_start3A_142 : memref<1x165x128xi32, #tpu.memory_space<hbm>> -> memref<165x128xi32, #tpu.memory_space<hbm>>
      tpu.enqueue_dma source(%dma_start3A_143 : memref<165x128xi32, #tpu.memory_space<hbm>>) target(%arg7 : memref<165x128xi32, #tpu.memory_space<vmem>>) target_semaphore(%run_scoped3A : memref<!tpu.dma_semaphore, #tpu.memory_space<semaphore_mem>>)
      %dma_wait3A_144 = arith.constant 0 : i32
      %dma_wait3A_145 = arith.constant 0 : i32
      %dma_wait3A_146 = tpu.memref_slice %arg4[%arg1, %dma_wait3A_144, %dma_wait3A_145] : memref<16x165x128xi32, #tpu.memory_space<hbm>> -> memref<1x165x128xi32, #tpu.memory_space<hbm>>
      %dma_wait3A_147 = tpu.memref_squeeze %dma_wait3A_146 : memref<1x165x128xi32, #tpu.memory_space<hbm>> -> memref<165x128xi32, #tpu.memory_space<hbm>>
      %dma_wait3A_148 = arith.constant 0 : i32
      %dma_wait3A_149 = arith.constant 0 : i32
      %dma_wait3A_150 = tpu.memref_slice %arg4[%arg1, %dma_wait3A_148, %dma_wait3A_149] : memref<16x165x128xi32, #tpu.memory_space<hbm>> -> memref<1x165x128xi32, #tpu.memory_space<hbm>>
      %dma_wait3A_151 = tpu.memref_squeeze %dma_wait3A_150 : memref<1x165x128xi32, #tpu.memory_space<hbm>> -> memref<165x128xi32, #tpu.memory_space<hbm>>
      tpu.wait_dma2 semaphore(%run_scoped3A : memref<!tpu.dma_semaphore, #tpu.memory_space<semaphore_mem>>) src(%dma_wait3A_151 : memref<165x128xi32, #tpu.memory_space<hbm>>) dst(%arg7 : memref<165x128xi32, #tpu.memory_space<vmem>>)
      tpu.yield
    }) : () -> ()
    "tpu.region"() ({
      %run_scoped3A = tpu.sem_alloc : memref<!tpu.dma_semaphore, #tpu.memory_space<semaphore_mem>>
      %dma_start3A_136 = arith.constant 0 : i32
      %dma_start3A_137 = arith.constant 0 : i32
      %dma_start3A_138 = tpu.memref_slice %arg5[%arg1, %dma_start3A_136, %dma_start3A_137] : memref<16x165x128xi32, #tpu.memory_space<hbm>> -> memref<1x165x128xi32, #tpu.memory_space<hbm>>
      %dma_start3A_139 = tpu.memref_squeeze %dma_start3A_138 : memref<1x165x128xi32, #tpu.memory_space<hbm>> -> memref<165x128xi32, #tpu.memory_space<hbm>>
      %dma_start3A_140 = arith.constant 0 : i32
      %dma_start3A_141 = arith.constant 0 : i32
      %dma_start3A_142 = tpu.memref_slice %arg5[%arg1, %dma_start3A_140, %dma_start3A_141] : memref<16x165x128xi32, #tpu.memory_space<hbm>> -> memref<1x165x128xi32, #tpu.memory_space<hbm>>
      %dma_start3A_143 = tpu.memref_squeeze %dma_start3A_142 : memref<1x165x128xi32, #tpu.memory_space<hbm>> -> memref<165x128xi32, #tpu.memory_space<hbm>>
      tpu.enqueue_dma source(%dma_start3A_143 : memref<165x128xi32, #tpu.memory_space<hbm>>) target(%arg8 : memref<165x128xi32, #tpu.memory_space<vmem>>) target_semaphore(%run_scoped3A : memref<!tpu.dma_semaphore, #tpu.memory_space<semaphore_mem>>)
      %dma_wait3A_144 = arith.constant 0 : i32
      %dma_wait3A_145 = arith.constant 0 : i32
      %dma_wait3A_146 = tpu.memref_slice %arg5[%arg1, %dma_wait3A_144, %dma_wait3A_145] : memref<16x165x128xi32, #tpu.memory_space<hbm>> -> memref<1x165x128xi32, #tpu.memory_space<hbm>>
      %dma_wait3A_147 = tpu.memref_squeeze %dma_wait3A_146 : memref<1x165x128xi32, #tpu.memory_space<hbm>> -> memref<165x128xi32, #tpu.memory_space<hbm>>
      %dma_wait3A_148 = arith.constant 0 : i32
      %dma_wait3A_149 = arith.constant 0 : i32
      %dma_wait3A_150 = tpu.memref_slice %arg5[%arg1, %dma_wait3A_148, %dma_wait3A_149] : memref<16x165x128xi32, #tpu.memory_space<hbm>> -> memref<1x165x128xi32, #tpu.memory_space<hbm>>
      %dma_wait3A_151 = tpu.memref_squeeze %dma_wait3A_150 : memref<1x165x128xi32, #tpu.memory_space<hbm>> -> memref<165x128xi32, #tpu.memory_space<hbm>>
      tpu.wait_dma2 semaphore(%run_scoped3A : memref<!tpu.dma_semaphore, #tpu.memory_space<semaphore_mem>>) src(%dma_wait3A_151 : memref<165x128xi32, #tpu.memory_space<hbm>>) dst(%arg8 : memref<165x128xi32, #tpu.memory_space<vmem>>)
      tpu.yield
    }) : () -> ()
    %eq3A = arith.constant 1 : i32
    %eq3A_0 = arith.cmpi eq, %arg0, %eq3A : i32
    %convert_element_type3A = arith.extui %eq3A_0 : i1 to i32
    %cond3A = arith.constant 0 : i32
    %cond3A_1 = arith.cmpi ne, %convert_element_type3A, %cond3A : i32
    scf.if %cond3A_1 {
      %scan3A_136 = arith.constant 0 : i32
      %scan3A_137 = arith.constant 0 : i32
      %scan3A_138 = arith.constant 165 : i32
      %scan3A_139 = arith.addi %scan3A_137, %scan3A_138 : i32
      %scan3A_140 = arith.constant 1 : i32
      scf.for %scan3A_142 = %scan3A_137 to %scan3A_139 step %scan3A_140  : i32 {
        %get3A = arith.constant 0 : i32
        %get3A_143 = tpu.memref_slice %arg7[%scan3A_142, %get3A] : memref<165x128xi32, #tpu.memory_space<vmem>> -> memref<1x128xi32, #tpu.memory_space<vmem>>
        %get3A_144 = tpu.memref_squeeze %get3A_143 : memref<1x128xi32, #tpu.memory_space<vmem>> -> memref<128xi32, #tpu.memory_space<vmem>>
        %get3A_145 = arith.constant 0 : index
        %get3A_146 = tpu.vector_load %get3A_144[%get3A_145] {strides = array<i32>} : memref<128xi32, #tpu.memory_space<vmem>>, vector<16xi32>,
        %get3A_147 = vector.shape_cast %get3A_146 : vector<16xi32> to vector<16xi32>
        %add3A = arith.constant 1 : i32
        %add3A_148 = vector.broadcast %add3A : i32 to vector<16xi32>
        %add3A_149 = arith.addi %get3A_147, %add3A_148 : vector<16xi32>
        %swap3A = arith.constant 0 : i32
        %swap3A_150 = tpu.memref_slice %arg7[%scan3A_142, %swap3A] : memref<165x128xi32, #tpu.memory_space<vmem>> -> memref<1x128xi32, #tpu.memory_space<vmem>>
        %swap3A_151 = tpu.memref_squeeze %swap3A_150 : memref<1x128xi32, #tpu.memory_space<vmem>> -> memref<128xi32, #tpu.memory_space<vmem>>
        %swap3A_152 = arith.constant 0 : index
        %swap3A_153 = tpu.vector_load %swap3A_151[%swap3A_152] {strides = array<i32>} : memref<128xi32, #tpu.memory_space<vmem>>, vector<16xi32>,
        %swap3A_154 = vector.shape_cast %swap3A_153 : vector<16xi32> to vector<16xi32>
        %swap3A_155 = vector.shape_cast %add3A_149 : vector<16xi32> to vector<16xi32>
        tpu.vector_store %swap3A_151[%swap3A_152], %swap3A_155 {strides = array<i32>} : memref<128xi32, #tpu.memory_space<vmem>>, vector<16xi32>,
        %get3A_156 = arith.constant 0 : i32
        %get3A_157 = tpu.memref_slice %arg7[%scan3A_142, %get3A_156] : memref<165x128xi32, #tpu.memory_space<vmem>> -> memref<1x128xi32, #tpu.memory_space<vmem>>
        %get3A_158 = tpu.memref_squeeze %get3A_157 : memref<1x128xi32, #tpu.memory_space<vmem>> -> memref<128xi32, #tpu.memory_space<vmem>>
        %get3A_159 = arith.constant 16 : index
        %get3A_160 = tpu.vector_load %get3A_158[%get3A_159] {strides = array<i32>} : memref<128xi32, #tpu.memory_space<vmem>>, vector<16xi32>,
        %get3A_161 = vector.shape_cast %get3A_160 : vector<16xi32> to vector<16xi32>
        %add3A_162 = arith.constant 1 : i32
        %add3A_163 = vector.broadcast %add3A_162 : i32 to vector<16xi32>
        %add3A_164 = arith.addi %get3A_161, %add3A_163 : vector<16xi32>
        %swap3A_165 = arith.constant 0 : i32
        %swap3A_166 = tpu.memref_slice %arg7[%scan3A_142, %swap3A_165] : memref<165x128xi32, #tpu.memory_space<vmem>> -> memref<1x128xi32, #tpu.memory_space<vmem>>
        %swap3A_167 = tpu.memref_squeeze %swap3A_166 : memref<1x128xi32, #tpu.memory_space<vmem>> -> memref<128xi32, #tpu.memory_space<vmem>>
        %swap3A_168 = arith.constant 16 : index
        %swap3A_169 = tpu.vector_load %swap3A_167[%swap3A_168] {strides = array<i32>} : memref<128xi32, #tpu.memory_space<vmem>>, vector<16xi32>,
        %swap3A_170 = vector.shape_cast %swap3A_169 : vector<16xi32> to vector<16xi32>
        %swap3A_171 = vector.shape_cast %add3A_164 : vector<16xi32> to vector<16xi32>
        tpu.vector_store %swap3A_167[%swap3A_168], %swap3A_171 {strides = array<i32>} : memref<128xi32, #tpu.memory_space<vmem>>, vector<16xi32>,
        %get3A_172 = arith.constant 0 : i32
        %get3A_173 = tpu.memref_slice %arg7[%scan3A_142, %get3A_172] : memref<165x128xi32, #tpu.memory_space<vmem>> -> memref<1x128xi32, #tpu.memory_space<vmem>>
        %get3A_174 = tpu.memref_squeeze %get3A_173 : memref<1x128xi32, #tpu.memory_space<vmem>> -> memref<128xi32, #tpu.memory_space<vmem>>
        %get3A_175 = arith.constant 32 : index
        %get3A_176 = tpu.vector_load %get3A_174[%get3A_175] {strides = array<i32>} : memref<128xi32, #tpu.memory_space<vmem>>, vector<16xi32>,
        %get3A_177 = vector.shape_cast %get3A_176 : vector<16xi32> to vector<16xi32>
        %add3A_178 = arith.constant 1 : i32
        %add3A_179 = vector.broadcast %add3A_178 : i32 to vector<16xi32>
        %add3A_180 = arith.addi %get3A_177, %add3A_179 : vector<16xi32>
        %swap3A_181 = arith.constant 0 : i32
        %swap3A_182 = tpu.memref_slice %arg7[%scan3A_142, %swap3A_181] : memref<165x128xi32, #tpu.memory_space<vmem>> -> memref<1x128xi32, #tpu.memory_space<vmem>>
        %swap3A_183 = tpu.memref_squeeze %swap3A_182 : memref<1x128xi32, #tpu.memory_space<vmem>> -> memref<128xi32, #tpu.memory_space<vmem>>
        %swap3A_184 = arith.constant 32 : index
        %swap3A_185 = tpu.vector_load %swap3A_183[%swap3A_184] {strides = array<i32>} : memref<128xi32, #tpu.memory_space<vmem>>, vector<16xi32>,
        %swap3A_186 = vector.shape_cast %swap3A_185 : vector<16xi32> to vector<16xi32>
        %swap3A_187 = vector.shape_cast %add3A_180 : vector<16xi32> to vector<16xi32>
        tpu.vector_store %swap3A_183[%swap3A_184], %swap3A_187 {strides = array<i32>} : memref<128xi32, #tpu.memory_space<vmem>>, vector<16xi32>,
        %get3A_188 = arith.constant 0 : i32
        %get3A_189 = tpu.memref_slice %arg7[%scan3A_142, %get3A_188] : memref<165x128xi32, #tpu.memory_space<vmem>> -> memref<1x128xi32, #tpu.memory_space<vmem>>
        %get3A_190 = tpu.memref_squeeze %get3A_189 : memref<1x128xi32, #tpu.memory_space<vmem>> -> memref<128xi32, #tpu.memory_space<vmem>>
        %get3A_191 = arith.constant 48 : index
        %get3A_192 = tpu.vector_load %get3A_190[%get3A_191] {strides = array<i32>} : memref<128xi32, #tpu.memory_space<vmem>>, vector<16xi32>,
        %get3A_193 = vector.shape_cast %get3A_192 : vector<16xi32> to vector<16xi32>
        %add3A_194 = arith.constant 1 : i32
        %add3A_195 = vector.broadcast %add3A_194 : i32 to vector<16xi32>
        %add3A_196 = arith.addi %get3A_193, %add3A_195 : vector<16xi32>
        %swap3A_197 = arith.constant 0 : i32
        %swap3A_198 = tpu.memref_slice %arg7[%scan3A_142, %swap3A_197] : memref<165x128xi32, #tpu.memory_space<vmem>> -> memref<1x128xi32, #tpu.memory_space<vmem>>
        %swap3A_199 = tpu.memref_squeeze %swap3A_198 : memref<1x128xi32, #tpu.memory_space<vmem>> -> memref<128xi32, #tpu.memory_space<vmem>>
        %swap3A_200 = arith.constant 48 : index
        %swap3A_201 = tpu.vector_load %swap3A_199[%swap3A_200] {strides = array<i32>} : memref<128xi32, #tpu.memory_space<vmem>>, vector<16xi32>,
        %swap3A_202 = vector.shape_cast %swap3A_201 : vector<16xi32> to vector<16xi32>
        %swap3A_203 = vector.shape_cast %add3A_196 : vector<16xi32> to vector<16xi32>
        tpu.vector_store %swap3A_199[%swap3A_200], %swap3A_203 {strides = array<i32>} : memref<128xi32, #tpu.memory_space<vmem>>, vector<16xi32>,
        %get3A_204 = arith.constant 0 : i32
        %get3A_205 = tpu.memref_slice %arg7[%scan3A_142, %get3A_204] : memref<165x128xi32, #tpu.memory_space<vmem>> -> memref<1x128xi32, #tpu.memory_space<vmem>>
        %get3A_206 = tpu.memref_squeeze %get3A_205 : memref<1x128xi32, #tpu.memory_space<vmem>> -> memref<128xi32, #tpu.memory_space<vmem>>
        %get3A_207 = arith.constant 64 : index
        %get3A_208 = tpu.vector_load %get3A_206[%get3A_207] {strides = array<i32>} : memref<128xi32, #tpu.memory_space<vmem>>, vector<16xi32>,
        %get3A_209 = vector.shape_cast %get3A_208 : vector<16xi32> to vector<16xi32>
        %add3A_210 = arith.constant 1 : i32
        %add3A_211 = vector.broadcast %add3A_210 : i32 to vector<16xi32>
        %add3A_212 = arith.addi %get3A_209, %add3A_211 : vector<16xi32>
        %swap3A_213 = arith.constant 0 : i32
        %swap3A_214 = tpu.memref_slice %arg7[%scan3A_142, %swap3A_213] : memref<165x128xi32, #tpu.memory_space<vmem>> -> memref<1x128xi32, #tpu.memory_space<vmem>>
        %swap3A_215 = tpu.memref_squeeze %swap3A_214 : memref<1x128xi32, #tpu.memory_space<vmem>> -> memref<128xi32, #tpu.memory_space<vmem>>
        %swap3A_216 = arith.constant 64 : index
        %swap3A_217 = tpu.vector_load %swap3A_215[%swap3A_216] {strides = array<i32>} : memref<128xi32, #tpu.memory_space<vmem>>, vector<16xi32>,
        %swap3A_218 = vector.shape_cast %swap3A_217 : vector<16xi32> to vector<16xi32>
        %swap3A_219 = vector.shape_cast %add3A_212 : vector<16xi32> to vector<16xi32>
        tpu.vector_store %swap3A_215[%swap3A_216], %swap3A_219 {strides = array<i32>} : memref<128xi32, #tpu.memory_space<vmem>>, vector<16xi32>,
        %get3A_220 = arith.constant 0 : i32
        %get3A_221 = tpu.memref_slice %arg7[%scan3A_142, %get3A_220] : memref<165x128xi32, #tpu.memory_space<vmem>> -> memref<1x128xi32, #tpu.memory_space<vmem>>
        %get3A_222 = tpu.memref_squeeze %get3A_221 : memref<1x128xi32, #tpu.memory_space<vmem>> -> memref<128xi32, #tpu.memory_space<vmem>>
        %get3A_223 = arith.constant 80 : index
        %get3A_224 = tpu.vector_load %get3A_222[%get3A_223] {strides = array<i32>} : memref<128xi32, #tpu.memory_space<vmem>>, vector<16xi32>,
        %get3A_225 = vector.shape_cast %get3A_224 : vector<16xi32> to vector<16xi32>
        %add3A_226 = arith.constant 1 : i32
        %add3A_227 = vector.broadcast %add3A_226 : i32 to vector<16xi32>
        %add3A_228 = arith.addi %get3A_225, %add3A_227 : vector<16xi32>
        %swap3A_229 = arith.constant 0 : i32
        %swap3A_230 = tpu.memref_slice %arg7[%scan3A_142, %swap3A_229] : memref<165x128xi32, #tpu.memory_space<vmem>> -> memref<1x128xi32, #tpu.memory_space<vmem>>
        %swap3A_231 = tpu.memref_squeeze %swap3A_230 : memref<1x128xi32, #tpu.memory_space<vmem>> -> memref<128xi32, #tpu.memory_space<vmem>>
        %swap3A_232 = arith.constant 80 : index
        %swap3A_233 = tpu.vector_load %swap3A_231[%swap3A_232] {strides = array<i32>} : memref<128xi32, #tpu.memory_space<vmem>>, vector<16xi32>,
        %swap3A_234 = vector.shape_cast %swap3A_233 : vector<16xi32> to vector<16xi32>
        %swap3A_235 = vector.shape_cast %add3A_228 : vector<16xi32> to vector<16xi32>
        tpu.vector_store %swap3A_231[%swap3A_232], %swap3A_235 {strides = array<i32>} : memref<128xi32, #tpu.memory_space<vmem>>, vector<16xi32>,
        %get3A_236 = arith.constant 0 : i32
        %get3A_237 = tpu.memref_slice %arg7[%scan3A_142, %get3A_236] : memref<165x128xi32, #tpu.memory_space<vmem>> -> memref<1x128xi32, #tpu.memory_space<vmem>>
        %get3A_238 = tpu.memref_squeeze %get3A_237 : memref<1x128xi32, #tpu.memory_space<vmem>> -> memref<128xi32, #tpu.memory_space<vmem>>
        %get3A_239 = arith.constant 96 : index
        %get3A_240 = tpu.vector_load %get3A_238[%get3A_239] {strides = array<i32>} : memref<128xi32, #tpu.memory_space<vmem>>, vector<16xi32>,
        %get3A_241 = vector.shape_cast %get3A_240 : vector<16xi32> to vector<16xi32>
        %add3A_242 = arith.constant 1 : i32
        %add3A_243 = vector.broadcast %add3A_242 : i32 to vector<16xi32>
        %add3A_244 = arith.addi %get3A_241, %add3A_243 : vector<16xi32>
        %swap3A_245 = arith.constant 0 : i32
        %swap3A_246 = tpu.memref_slice %arg7[%scan3A_142, %swap3A_245] : memref<165x128xi32, #tpu.memory_space<vmem>> -> memref<1x128xi32, #tpu.memory_space<vmem>>
        %swap3A_247 = tpu.memref_squeeze %swap3A_246 : memref<1x128xi32, #tpu.memory_space<vmem>> -> memref<128xi32, #tpu.memory_space<vmem>>
        %swap3A_248 = arith.constant 96 : index
        %swap3A_249 = tpu.vector_load %swap3A_247[%swap3A_248] {strides = array<i32>} : memref<128xi32, #tpu.memory_space<vmem>>, vector<16xi32>,
        %swap3A_250 = vector.shape_cast %swap3A_249 : vector<16xi32> to vector<16xi32>
        %swap3A_251 = vector.shape_cast %add3A_244 : vector<16xi32> to vector<16xi32>
        tpu.vector_store %swap3A_247[%swap3A_248], %swap3A_251 {strides = array<i32>} : memref<128xi32, #tpu.memory_space<vmem>>, vector<16xi32>,
        %get3A_252 = arith.constant 0 : i32
        %get3A_253 = tpu.memref_slice %arg7[%scan3A_142, %get3A_252] : memref<165x128xi32, #tpu.memory_space<vmem>> -> memref<1x128xi32, #tpu.memory_space<vmem>>
        %get3A_254 = tpu.memref_squeeze %get3A_253 : memref<1x128xi32, #tpu.memory_space<vmem>> -> memref<128xi32, #tpu.memory_space<vmem>>
        %get3A_255 = arith.constant 112 : index
        %get3A_256 = tpu.vector_load %get3A_254[%get3A_255] {strides = array<i32>} : memref<128xi32, #tpu.memory_space<vmem>>, vector<16xi32>,
        %get3A_257 = vector.shape_cast %get3A_256 : vector<16xi32> to vector<16xi32>
        %add3A_258 = arith.constant 1 : i32
        %add3A_259 = vector.broadcast %add3A_258 : i32 to vector<16xi32>
        %add3A_260 = arith.addi %get3A_257, %add3A_259 : vector<16xi32>
        %swap3A_261 = arith.constant 0 : i32
        %swap3A_262 = tpu.memref_slice %arg7[%scan3A_142, %swap3A_261] : memref<165x128xi32, #tpu.memory_space<vmem>> -> memref<1x128xi32, #tpu.memory_space<vmem>>
        %swap3A_263 = tpu.memref_squeeze %swap3A_262 : memref<1x128xi32, #tpu.memory_space<vmem>> -> memref<128xi32, #tpu.memory_space<vmem>>
        %swap3A_264 = arith.constant 112 : index
        %swap3A_265 = tpu.vector_load %swap3A_263[%swap3A_264] {strides = array<i32>} : memref<128xi32, #tpu.memory_space<vmem>>, vector<16xi32>,
        %swap3A_266 = vector.shape_cast %swap3A_265 : vector<16xi32> to vector<16xi32>
        %swap3A_267 = vector.shape_cast %add3A_260 : vector<16xi32> to vector<16xi32>
        tpu.vector_store %swap3A_263[%swap3A_264], %swap3A_267 {strides = array<i32>} : memref<128xi32, #tpu.memory_space<vmem>>, vector<16xi32>,
      }
      %scan3A_141 = arith.constant 165 : i32
    } else {
    }
    %eq3A_2 = arith.constant 0 : i32
    %eq3A_3 = arith.cmpi eq, %arg1, %eq3A_2 : i32
    %convert_element_type3A_4 = arith.extui %eq3A_3 : i1 to i32
    %cond3A_5 = arith.constant 0 : i32
    %cond3A_6 = arith.cmpi ne, %convert_element_type3A_4, %cond3A_5 : i32
    scf.if %cond3A_6 {
      "tpu.region"() ({
        %run_scoped3A = tpu.sem_alloc : memref<!tpu.dma_semaphore, #tpu.memory_space<semaphore_mem>>
        tpu.enqueue_dma source(%arg3 : memref<10240x64xf32, #tpu.memory_space<hbm>>) target(%arg10 : memref<10240x64xf32, #tpu.memory_space<vmem_shared>>) target_semaphore(%run_scoped3A : memref<!tpu.dma_semaphore, #tpu.memory_space<semaphore_mem>>)
        tpu.wait_dma2 semaphore(%run_scoped3A : memref<!tpu.dma_semaphore, #tpu.memory_space<semaphore_mem>>) src(%arg3 : memref<10240x64xf32, #tpu.memory_space<hbm>>) dst(%arg10 : memref<10240x64xf32, #tpu.memory_space<vmem_shared>>)
        tpu.yield
      }) : () -> ()
    } else {
    }
    %barrier3A = arith.constant 0 : index
    tpu.barrier barrier_id(%barrier3A)
    %dma_start3A = arith.constant 0 : i32
    %dma_start3A_7 = arith.constant 0 : i32
    %dma_start3A_8 = arith.constant 0 : i32
    %dma_start3A_9 = arith.constant 0 : i32
    %dma_start3A_10 = tpu.memref_slice %arg9[%dma_start3A_7, %dma_start3A_8, %dma_start3A_9] : memref<5x128x64xf32, #tpu.memory_space<vmem>> -> memref<1x128x64xf32, #tpu.memory_space<vmem>>
    %dma_start3A_11 = tpu.memref_squeeze %dma_start3A_10 : memref<1x128x64xf32, #tpu.memory_space<vmem>> -> memref<128x64xf32, #tpu.memory_space<vmem>>
    %dma_start3A_12 = arith.constant 0 : i32
    %dma_start3A_13 = tpu.memref_slice %arg7[%dma_start3A, %dma_start3A_12] : memref<165x128xi32, #tpu.memory_space<vmem>> -> memref<1x128xi32, #tpu.memory_space<vmem>>
    %dma_start3A_14 = tpu.memref_squeeze %dma_start3A_13 : memref<1x128xi32, #tpu.memory_space<vmem>> -> memref<128xi32, #tpu.memory_space<vmem>>
    %dma_start3A_15 = arith.constant 0 : i32
    %dma_start3A_16 = arith.constant 0 : i32
    %dma_start3A_17 = tpu.memref_slice %arg2[%dma_start3A_15, %dma_start3A_16] : memref<20480x64xf32, #tpu.memory_space<hbm>> -> memref<20480x64xf32, #tpu.memory_space<hbm>>
    tpu.enqueue_indirect_dma source(%dma_start3A_17 : memref<20480x64xf32, #tpu.memory_space<hbm>>) target(%dma_start3A_11 : memref<128x64xf32, #tpu.memory_space<vmem>>) offsets(%dma_start3A_14 : memref<128xi32, #tpu.memory_space<vmem>>) semaphore(%arg11 : memref<!tpu.dma_semaphore, #tpu.memory_space<semaphore_mem>>)
    %dma_start3A_18 = arith.constant 1 : i32
    %dma_start3A_19 = arith.constant 1 : i32
    %dma_start3A_20 = arith.constant 0 : i32
    %dma_start3A_21 = arith.constant 0 : i32
    %dma_start3A_22 = tpu.memref_slice %arg9[%dma_start3A_19, %dma_start3A_20, %dma_start3A_21] : memref<5x128x64xf32, #tpu.memory_space<vmem>> -> memref<1x128x64xf32, #tpu.memory_space<vmem>>
    %dma_start3A_23 = tpu.memref_squeeze %dma_start3A_22 : memref<1x128x64xf32, #tpu.memory_space<vmem>> -> memref<128x64xf32, #tpu.memory_space<vmem>>
    %dma_start3A_24 = arith.constant 0 : i32
    %dma_start3A_25 = tpu.memref_slice %arg7[%dma_start3A_18, %dma_start3A_24] : memref<165x128xi32, #tpu.memory_space<vmem>> -> memref<1x128xi32, #tpu.memory_space<vmem>>
    %dma_start3A_26 = tpu.memref_squeeze %dma_start3A_25 : memref<1x128xi32, #tpu.memory_space<vmem>> -> memref<128xi32, #tpu.memory_space<vmem>>
    %dma_start3A_27 = arith.constant 0 : i32
    %dma_start3A_28 = arith.constant 0 : i32
    %dma_start3A_29 = tpu.memref_slice %arg2[%dma_start3A_27, %dma_start3A_28] : memref<20480x64xf32, #tpu.memory_space<hbm>> -> memref<20480x64xf32, #tpu.memory_space<hbm>>
    tpu.enqueue_indirect_dma source(%dma_start3A_29 : memref<20480x64xf32, #tpu.memory_space<hbm>>) target(%dma_start3A_23 : memref<128x64xf32, #tpu.memory_space<vmem>>) offsets(%dma_start3A_26 : memref<128xi32, #tpu.memory_space<vmem>>) semaphore(%arg12 : memref<!tpu.dma_semaphore, #tpu.memory_space<semaphore_mem>>)
    %dma_start3A_30 = arith.constant 2 : i32
    %dma_start3A_31 = arith.constant 2 : i32
    %dma_start3A_32 = arith.constant 0 : i32
    %dma_start3A_33 = arith.constant 0 : i32
    %dma_start3A_34 = tpu.memref_slice %arg9[%dma_start3A_31, %dma_start3A_32, %dma_start3A_33] : memref<5x128x64xf32, #tpu.memory_space<vmem>> -> memref<1x128x64xf32, #tpu.memory_space<vmem>>
    %dma_start3A_35 = tpu.memref_squeeze %dma_start3A_34 : memref<1x128x64xf32, #tpu.memory_space<vmem>> -> memref<128x64xf32, #tpu.memory_space<vmem>>
    %dma_start3A_36 = arith.constant 0 : i32
    %dma_start3A_37 = tpu.memref_slice %arg7[%dma_start3A_30, %dma_start3A_36] : memref<165x128xi32, #tpu.memory_space<vmem>> -> memref<1x128xi32, #tpu.memory_space<vmem>>
    %dma_start3A_38 = tpu.memref_squeeze %dma_start3A_37 : memref<1x128xi32, #tpu.memory_space<vmem>> -> memref<128xi32, #tpu.memory_space<vmem>>
    %dma_start3A_39 = arith.constant 0 : i32
    %dma_start3A_40 = arith.constant 0 : i32
    %dma_start3A_41 = tpu.memref_slice %arg2[%dma_start3A_39, %dma_start3A_40] : memref<20480x64xf32, #tpu.memory_space<hbm>> -> memref<20480x64xf32, #tpu.memory_space<hbm>>
    tpu.enqueue_indirect_dma source(%dma_start3A_41 : memref<20480x64xf32, #tpu.memory_space<hbm>>) target(%dma_start3A_35 : memref<128x64xf32, #tpu.memory_space<vmem>>) offsets(%dma_start3A_38 : memref<128xi32, #tpu.memory_space<vmem>>) semaphore(%arg13 : memref<!tpu.dma_semaphore, #tpu.memory_space<semaphore_mem>>)
    %dma_start3A_42 = arith.constant 3 : i32
    %dma_start3A_43 = arith.constant 3 : i32
    %dma_start3A_44 = arith.constant 0 : i32
    %dma_start3A_45 = arith.constant 0 : i32
    %dma_start3A_46 = tpu.memref_slice %arg9[%dma_start3A_43, %dma_start3A_44, %dma_start3A_45] : memref<5x128x64xf32, #tpu.memory_space<vmem>> -> memref<1x128x64xf32, #tpu.memory_space<vmem>>
    %dma_start3A_47 = tpu.memref_squeeze %dma_start3A_46 : memref<1x128x64xf32, #tpu.memory_space<vmem>> -> memref<128x64xf32, #tpu.memory_space<vmem>>
    %dma_start3A_48 = arith.constant 0 : i32
    %dma_start3A_49 = tpu.memref_slice %arg7[%dma_start3A_42, %dma_start3A_48] : memref<165x128xi32, #tpu.memory_space<vmem>> -> memref<1x128xi32, #tpu.memory_space<vmem>>
    %dma_start3A_50 = tpu.memref_squeeze %dma_start3A_49 : memref<1x128xi32, #tpu.memory_space<vmem>> -> memref<128xi32, #tpu.memory_space<vmem>>
    %dma_start3A_51 = arith.constant 0 : i32
    %dma_start3A_52 = arith.constant 0 : i32
    %dma_start3A_53 = tpu.memref_slice %arg2[%dma_start3A_51, %dma_start3A_52] : memref<20480x64xf32, #tpu.memory_space<hbm>> -> memref<20480x64xf32, #tpu.memory_space<hbm>>
    tpu.enqueue_indirect_dma source(%dma_start3A_53 : memref<20480x64xf32, #tpu.memory_space<hbm>>) target(%dma_start3A_47 : memref<128x64xf32, #tpu.memory_space<vmem>>) offsets(%dma_start3A_50 : memref<128xi32, #tpu.memory_space<vmem>>) semaphore(%arg14 : memref<!tpu.dma_semaphore, #tpu.memory_space<semaphore_mem>>)
    %dma_start3A_54 = arith.constant 4 : i32
    %dma_start3A_55 = arith.constant 4 : i32
    %dma_start3A_56 = arith.constant 0 : i32
    %dma_start3A_57 = arith.constant 0 : i32
    %dma_start3A_58 = tpu.memref_slice %arg9[%dma_start3A_55, %dma_start3A_56, %dma_start3A_57] : memref<5x128x64xf32, #tpu.memory_space<vmem>> -> memref<1x128x64xf32, #tpu.memory_space<vmem>>
    %dma_start3A_59 = tpu.memref_squeeze %dma_start3A_58 : memref<1x128x64xf32, #tpu.memory_space<vmem>> -> memref<128x64xf32, #tpu.memory_space<vmem>>
    %dma_start3A_60 = arith.constant 0 : i32
    %dma_start3A_61 = tpu.memref_slice %arg7[%dma_start3A_54, %dma_start3A_60] : memref<165x128xi32, #tpu.memory_space<vmem>> -> memref<1x128xi32, #tpu.memory_space<vmem>>
    %dma_start3A_62 = tpu.memref_squeeze %dma_start3A_61 : memref<1x128xi32, #tpu.memory_space<vmem>> -> memref<128xi32, #tpu.memory_space<vmem>>
    %dma_start3A_63 = arith.constant 0 : i32
    %dma_start3A_64 = arith.constant 0 : i32
    %dma_start3A_65 = tpu.memref_slice %arg2[%dma_start3A_63, %dma_start3A_64] : memref<20480x64xf32, #tpu.memory_space<hbm>> -> memref<20480x64xf32, #tpu.memory_space<hbm>>
    tpu.enqueue_indirect_dma source(%dma_start3A_65 : memref<20480x64xf32, #tpu.memory_space<hbm>>) target(%dma_start3A_59 : memref<128x64xf32, #tpu.memory_space<vmem>>) offsets(%dma_start3A_62 : memref<128xi32, #tpu.memory_space<vmem>>) semaphore(%arg15 : memref<!tpu.dma_semaphore, #tpu.memory_space<semaphore_mem>>)
    %scan3A = arith.constant 0 : i32
    %scan3A_66 = arith.constant 0 : i32
    %scan3A_67 = arith.constant 33 : i32
    %scan3A_68 = arith.addi %scan3A_66, %scan3A_67 : i32
    %scan3A_69 = arith.constant 1 : i32
    scf.for %scan3A_136 = %scan3A_66 to %scan3A_68 step %scan3A_69  : i32 {
      %mul3A = arith.constant 5 : i32
      %mul3A_137 = arith.muli %scan3A_136, %mul3A : i32
      %add3A = arith.constant 0 : i32
      %add3A_138 = arith.addi %mul3A_137, %add3A : i32
      %dma_wait3A_139 = arith.constant 0 : i32
      %dma_wait3A_140 = arith.constant 0 : i32
      %dma_wait3A_141 = arith.constant 0 : i32
      %dma_wait3A_142 = tpu.memref_slice %arg9[%dma_wait3A_139, %dma_wait3A_140, %dma_wait3A_141] : memref<5x128x64xf32, #tpu.memory_space<vmem>> -> memref<1x128x64xf32, #tpu.memory_space<vmem>>
      %dma_wait3A_143 = tpu.memref_squeeze %dma_wait3A_142 : memref<1x128x64xf32, #tpu.memory_space<vmem>> -> memref<128x64xf32, #tpu.memory_space<vmem>>
      %dma_wait3A_144 = arith.constant 0 : i32
      %dma_wait3A_145 = tpu.memref_slice %arg7[%add3A_138, %dma_wait3A_144] : memref<165x128xi32, #tpu.memory_space<vmem>> -> memref<1x128xi32, #tpu.memory_space<vmem>>
      %dma_wait3A_146 = tpu.memref_squeeze %dma_wait3A_145 : memref<1x128xi32, #tpu.memory_space<vmem>> -> memref<128xi32, #tpu.memory_space<vmem>>
      %dma_wait3A_147 = arith.constant 0 : i32
      %dma_wait3A_148 = arith.constant 0 : i32
      %dma_wait3A_149 = tpu.memref_slice %arg2[%dma_wait3A_147, %dma_wait3A_148] : memref<20480x64xf32, #tpu.memory_space<hbm>> -> memref<20480x64xf32, #tpu.memory_space<hbm>>
      tpu.wait_indirect_dma semaphore(%arg11 : memref<!tpu.dma_semaphore, #tpu.memory_space<semaphore_mem>>) src(%dma_wait3A_149 : memref<20480x64xf32, #tpu.memory_space<hbm>>) dst(%dma_wait3A_143 : memref<128x64xf32, #tpu.memory_space<vmem>>)
      %dma_start3A_150 = arith.constant 0 : i32
      %dma_start3A_151 = arith.constant 0 : i32
      %dma_start3A_152 = arith.constant 0 : i32
      %dma_start3A_153 = tpu.memref_slice %arg9[%dma_start3A_150, %dma_start3A_151, %dma_start3A_152] : memref<5x128x64xf32, #tpu.memory_space<vmem>> -> memref<1x128x64xf32, #tpu.memory_space<vmem>>
      %dma_start3A_154 = tpu.memref_squeeze %dma_start3A_153 : memref<1x128x64xf32, #tpu.memory_space<vmem>> -> memref<128x64xf32, #tpu.memory_space<vmem>>
      %dma_start3A_155 = arith.constant 0 : i32
      %dma_start3A_156 = tpu.memref_slice %arg8[%add3A_138, %dma_start3A_155] : memref<165x128xi32, #tpu.memory_space<vmem>> -> memref<1x128xi32, #tpu.memory_space<vmem>>
      %dma_start3A_157 = tpu.memref_squeeze %dma_start3A_156 : memref<1x128xi32, #tpu.memory_space<vmem>> -> memref<128xi32, #tpu.memory_space<vmem>>
      %dma_start3A_158 = arith.constant 0 : i32
      %dma_start3A_159 = arith.constant 0 : i32
      %dma_start3A_160 = tpu.memref_slice %arg10[%dma_start3A_158, %dma_start3A_159] : memref<10240x64xf32, #tpu.memory_space<vmem_shared>> -> memref<10240x64xf32, #tpu.memory_space<vmem_shared>>
      tpu.enqueue_indirect_dma source(%dma_start3A_154 : memref<128x64xf32, #tpu.memory_space<vmem>>) target(%dma_start3A_160 : memref<10240x64xf32, #tpu.memory_space<vmem_shared>>) offsets(%dma_start3A_157 : memref<128xi32, #tpu.memory_space<vmem>>) semaphore(%arg16 : memref<!tpu.dma_semaphore, #tpu.memory_space<semaphore_mem>>) {add = true}
      %mul3A_161 = arith.constant 5 : i32
      %mul3A_162 = arith.muli %scan3A_136, %mul3A_161 : i32
      %add3A_163 = arith.constant 1 : i32
      %add3A_164 = arith.addi %mul3A_162, %add3A_163 : i32
      %dma_wait3A_165 = arith.constant 1 : i32
      %dma_wait3A_166 = arith.constant 0 : i32
      %dma_wait3A_167 = arith.constant 0 : i32
      %dma_wait3A_168 = tpu.memref_slice %arg9[%dma_wait3A_165, %dma_wait3A_166, %dma_wait3A_167] : memref<5x128x64xf32, #tpu.memory_space<vmem>> -> memref<1x128x64xf32, #tpu.memory_space<vmem>>
      %dma_wait3A_169 = tpu.memref_squeeze %dma_wait3A_168 : memref<1x128x64xf32, #tpu.memory_space<vmem>> -> memref<128x64xf32, #tpu.memory_space<vmem>>
      %dma_wait3A_170 = arith.constant 0 : i32
      %dma_wait3A_171 = tpu.memref_slice %arg7[%add3A_164, %dma_wait3A_170] : memref<165x128xi32, #tpu.memory_space<vmem>> -> memref<1x128xi32, #tpu.memory_space<vmem>>
      %dma_wait3A_172 = tpu.memref_squeeze %dma_wait3A_171 : memref<1x128xi32, #tpu.memory_space<vmem>> -> memref<128xi32, #tpu.memory_space<vmem>>
      %dma_wait3A_173 = arith.constant 0 : i32
      %dma_wait3A_174 = arith.constant 0 : i32
      %dma_wait3A_175 = tpu.memref_slice %arg2[%dma_wait3A_173, %dma_wait3A_174] : memref<20480x64xf32, #tpu.memory_space<hbm>> -> memref<20480x64xf32, #tpu.memory_space<hbm>>
      tpu.wait_indirect_dma semaphore(%arg12 : memref<!tpu.dma_semaphore, #tpu.memory_space<semaphore_mem>>) src(%dma_wait3A_175 : memref<20480x64xf32, #tpu.memory_space<hbm>>) dst(%dma_wait3A_169 : memref<128x64xf32, #tpu.memory_space<vmem>>)
      %dma_start3A_176 = arith.constant 1 : i32
      %dma_start3A_177 = arith.constant 0 : i32
      %dma_start3A_178 = arith.constant 0 : i32
      %dma_start3A_179 = tpu.memref_slice %arg9[%dma_start3A_176, %dma_start3A_177, %dma_start3A_178] : memref<5x128x64xf32, #tpu.memory_space<vmem>> -> memref<1x128x64xf32, #tpu.memory_space<vmem>>
      %dma_start3A_180 = tpu.memref_squeeze %dma_start3A_179 : memref<1x128x64xf32, #tpu.memory_space<vmem>> -> memref<128x64xf32, #tpu.memory_space<vmem>>
      %dma_start3A_181 = arith.constant 0 : i32
      %dma_start3A_182 = tpu.memref_slice %arg8[%add3A_164, %dma_start3A_181] : memref<165x128xi32, #tpu.memory_space<vmem>> -> memref<1x128xi32, #tpu.memory_space<vmem>>
      %dma_start3A_183 = tpu.memref_squeeze %dma_start3A_182 : memref<1x128xi32, #tpu.memory_space<vmem>> -> memref<128xi32, #tpu.memory_space<vmem>>
      %dma_start3A_184 = arith.constant 0 : i32
      %dma_start3A_185 = arith.constant 0 : i32
      %dma_start3A_186 = tpu.memref_slice %arg10[%dma_start3A_184, %dma_start3A_185] : memref<10240x64xf32, #tpu.memory_space<vmem_shared>> -> memref<10240x64xf32, #tpu.memory_space<vmem_shared>>
      tpu.enqueue_indirect_dma source(%dma_start3A_180 : memref<128x64xf32, #tpu.memory_space<vmem>>) target(%dma_start3A_186 : memref<10240x64xf32, #tpu.memory_space<vmem_shared>>) offsets(%dma_start3A_183 : memref<128xi32, #tpu.memory_space<vmem>>) semaphore(%arg17 : memref<!tpu.dma_semaphore, #tpu.memory_space<semaphore_mem>>) {add = true}
      %mul3A_187 = arith.constant 5 : i32
      %mul3A_188 = arith.muli %scan3A_136, %mul3A_187 : i32
      %add3A_189 = arith.constant 2 : i32
      %add3A_190 = arith.addi %mul3A_188, %add3A_189 : i32
      %dma_wait3A_191 = arith.constant 2 : i32
      %dma_wait3A_192 = arith.constant 0 : i32
      %dma_wait3A_193 = arith.constant 0 : i32
      %dma_wait3A_194 = tpu.memref_slice %arg9[%dma_wait3A_191, %dma_wait3A_192, %dma_wait3A_193] : memref<5x128x64xf32, #tpu.memory_space<vmem>> -> memref<1x128x64xf32, #tpu.memory_space<vmem>>
      %dma_wait3A_195 = tpu.memref_squeeze %dma_wait3A_194 : memref<1x128x64xf32, #tpu.memory_space<vmem>> -> memref<128x64xf32, #tpu.memory_space<vmem>>
      %dma_wait3A_196 = arith.constant 0 : i32
      %dma_wait3A_197 = tpu.memref_slice %arg7[%add3A_190, %dma_wait3A_196] : memref<165x128xi32, #tpu.memory_space<vmem>> -> memref<1x128xi32, #tpu.memory_space<vmem>>
      %dma_wait3A_198 = tpu.memref_squeeze %dma_wait3A_197 : memref<1x128xi32, #tpu.memory_space<vmem>> -> memref<128xi32, #tpu.memory_space<vmem>>
      %dma_wait3A_199 = arith.constant 0 : i32
      %dma_wait3A_200 = arith.constant 0 : i32
      %dma_wait3A_201 = tpu.memref_slice %arg2[%dma_wait3A_199, %dma_wait3A_200] : memref<20480x64xf32, #tpu.memory_space<hbm>> -> memref<20480x64xf32, #tpu.memory_space<hbm>>
      tpu.wait_indirect_dma semaphore(%arg13 : memref<!tpu.dma_semaphore, #tpu.memory_space<semaphore_mem>>) src(%dma_wait3A_201 : memref<20480x64xf32, #tpu.memory_space<hbm>>) dst(%dma_wait3A_195 : memref<128x64xf32, #tpu.memory_space<vmem>>)
      %dma_start3A_202 = arith.constant 2 : i32
      %dma_start3A_203 = arith.constant 0 : i32
      %dma_start3A_204 = arith.constant 0 : i32
      %dma_start3A_205 = tpu.memref_slice %arg9[%dma_start3A_202, %dma_start3A_203, %dma_start3A_204] : memref<5x128x64xf32, #tpu.memory_space<vmem>> -> memref<1x128x64xf32, #tpu.memory_space<vmem>>
      %dma_start3A_206 = tpu.memref_squeeze %dma_start3A_205 : memref<1x128x64xf32, #tpu.memory_space<vmem>> -> memref<128x64xf32, #tpu.memory_space<vmem>>
      %dma_start3A_207 = arith.constant 0 : i32
      %dma_start3A_208 = tpu.memref_slice %arg8[%add3A_190, %dma_start3A_207] : memref<165x128xi32, #tpu.memory_space<vmem>> -> memref<1x128xi32, #tpu.memory_space<vmem>>
      %dma_start3A_209 = tpu.memref_squeeze %dma_start3A_208 : memref<1x128xi32, #tpu.memory_space<vmem>> -> memref<128xi32, #tpu.memory_space<vmem>>
      %dma_start3A_210 = arith.constant 0 : i32
      %dma_start3A_211 = arith.constant 0 : i32
      %dma_start3A_212 = tpu.memref_slice %arg10[%dma_start3A_210, %dma_start3A_211] : memref<10240x64xf32, #tpu.memory_space<vmem_shared>> -> memref<10240x64xf32, #tpu.memory_space<vmem_shared>>
      tpu.enqueue_indirect_dma source(%dma_start3A_206 : memref<128x64xf32, #tpu.memory_space<vmem>>) target(%dma_start3A_212 : memref<10240x64xf32, #tpu.memory_space<vmem_shared>>) offsets(%dma_start3A_209 : memref<128xi32, #tpu.memory_space<vmem>>) semaphore(%arg18 : memref<!tpu.dma_semaphore, #tpu.memory_space<semaphore_mem>>) {add = true}
      %mul3A_213 = arith.constant 5 : i32
      %mul3A_214 = arith.muli %scan3A_136, %mul3A_213 : i32
      %add3A_215 = arith.constant 3 : i32
      %add3A_216 = arith.addi %mul3A_214, %add3A_215 : i32
      %dma_wait3A_217 = arith.constant 3 : i32
      %dma_wait3A_218 = arith.constant 0 : i32
      %dma_wait3A_219 = arith.constant 0 : i32
      %dma_wait3A_220 = tpu.memref_slice %arg9[%dma_wait3A_217, %dma_wait3A_218, %dma_wait3A_219] : memref<5x128x64xf32, #tpu.memory_space<vmem>> -> memref<1x128x64xf32, #tpu.memory_space<vmem>>
      %dma_wait3A_221 = tpu.memref_squeeze %dma_wait3A_220 : memref<1x128x64xf32, #tpu.memory_space<vmem>> -> memref<128x64xf32, #tpu.memory_space<vmem>>
      %dma_wait3A_222 = arith.constant 0 : i32
      %dma_wait3A_223 = tpu.memref_slice %arg7[%add3A_216, %dma_wait3A_222] : memref<165x128xi32, #tpu.memory_space<vmem>> -> memref<1x128xi32, #tpu.memory_space<vmem>>
      %dma_wait3A_224 = tpu.memref_squeeze %dma_wait3A_223 : memref<1x128xi32, #tpu.memory_space<vmem>> -> memref<128xi32, #tpu.memory_space<vmem>>
      %dma_wait3A_225 = arith.constant 0 : i32
      %dma_wait3A_226 = arith.constant 0 : i32
      %dma_wait3A_227 = tpu.memref_slice %arg2[%dma_wait3A_225, %dma_wait3A_226] : memref<20480x64xf32, #tpu.memory_space<hbm>> -> memref<20480x64xf32, #tpu.memory_space<hbm>>
      tpu.wait_indirect_dma semaphore(%arg14 : memref<!tpu.dma_semaphore, #tpu.memory_space<semaphore_mem>>) src(%dma_wait3A_227 : memref<20480x64xf32, #tpu.memory_space<hbm>>) dst(%dma_wait3A_221 : memref<128x64xf32, #tpu.memory_space<vmem>>)
      %dma_start3A_228 = arith.constant 3 : i32
      %dma_start3A_229 = arith.constant 0 : i32
      %dma_start3A_230 = arith.constant 0 : i32
      %dma_start3A_231 = tpu.memref_slice %arg9[%dma_start3A_228, %dma_start3A_229, %dma_start3A_230] : memref<5x128x64xf32, #tpu.memory_space<vmem>> -> memref<1x128x64xf32, #tpu.memory_space<vmem>>
      %dma_start3A_232 = tpu.memref_squeeze %dma_start3A_231 : memref<1x128x64xf32, #tpu.memory_space<vmem>> -> memref<128x64xf32, #tpu.memory_space<vmem>>
      %dma_start3A_233 = arith.constant 0 : i32
      %dma_start3A_234 = tpu.memref_slice %arg8[%add3A_216, %dma_start3A_233] : memref<165x128xi32, #tpu.memory_space<vmem>> -> memref<1x128xi32, #tpu.memory_space<vmem>>
      %dma_start3A_235 = tpu.memref_squeeze %dma_start3A_234 : memref<1x128xi32, #tpu.memory_space<vmem>> -> memref<128xi32, #tpu.memory_space<vmem>>
      %dma_start3A_236 = arith.constant 0 : i32
      %dma_start3A_237 = arith.constant 0 : i32
      %dma_start3A_238 = tpu.memref_slice %arg10[%dma_start3A_236, %dma_start3A_237] : memref<10240x64xf32, #tpu.memory_space<vmem_shared>> -> memref<10240x64xf32, #tpu.memory_space<vmem_shared>>
      tpu.enqueue_indirect_dma source(%dma_start3A_232 : memref<128x64xf32, #tpu.memory_space<vmem>>) target(%dma_start3A_238 : memref<10240x64xf32, #tpu.memory_space<vmem_shared>>) offsets(%dma_start3A_235 : memref<128xi32, #tpu.memory_space<vmem>>) semaphore(%arg19 : memref<!tpu.dma_semaphore, #tpu.memory_space<semaphore_mem>>) {add = true}
      %mul3A_239 = arith.constant 5 : i32
      %mul3A_240 = arith.muli %scan3A_136, %mul3A_239 : i32
      %add3A_241 = arith.constant 4 : i32
      %add3A_242 = arith.addi %mul3A_240, %add3A_241 : i32
      %dma_wait3A_243 = arith.constant 4 : i32
      %dma_wait3A_244 = arith.constant 0 : i32
      %dma_wait3A_245 = arith.constant 0 : i32
      %dma_wait3A_246 = tpu.memref_slice %arg9[%dma_wait3A_243, %dma_wait3A_244, %dma_wait3A_245] : memref<5x128x64xf32, #tpu.memory_space<vmem>> -> memref<1x128x64xf32, #tpu.memory_space<vmem>>
      %dma_wait3A_247 = tpu.memref_squeeze %dma_wait3A_246 : memref<1x128x64xf32, #tpu.memory_space<vmem>> -> memref<128x64xf32, #tpu.memory_space<vmem>>
      %dma_wait3A_248 = arith.constant 0 : i32
      %dma_wait3A_249 = tpu.memref_slice %arg7[%add3A_242, %dma_wait3A_248] : memref<165x128xi32, #tpu.memory_space<vmem>> -> memref<1x128xi32, #tpu.memory_space<vmem>>
      %dma_wait3A_250 = tpu.memref_squeeze %dma_wait3A_249 : memref<1x128xi32, #tpu.memory_space<vmem>> -> memref<128xi32, #tpu.memory_space<vmem>>
      %dma_wait3A_251 = arith.constant 0 : i32
      %dma_wait3A_252 = arith.constant 0 : i32
      %dma_wait3A_253 = tpu.memref_slice %arg2[%dma_wait3A_251, %dma_wait3A_252] : memref<20480x64xf32, #tpu.memory_space<hbm>> -> memref<20480x64xf32, #tpu.memory_space<hbm>>
      tpu.wait_indirect_dma semaphore(%arg15 : memref<!tpu.dma_semaphore, #tpu.memory_space<semaphore_mem>>) src(%dma_wait3A_253 : memref<20480x64xf32, #tpu.memory_space<hbm>>) dst(%dma_wait3A_247 : memref<128x64xf32, #tpu.memory_space<vmem>>)
      %dma_start3A_254 = arith.constant 4 : i32
      %dma_start3A_255 = arith.constant 0 : i32
      %dma_start3A_256 = arith.constant 0 : i32
      %dma_start3A_257 = tpu.memref_slice %arg9[%dma_start3A_254, %dma_start3A_255, %dma_start3A_256] : memref<5x128x64xf32, #tpu.memory_space<vmem>> -> memref<1x128x64xf32, #tpu.memory_space<vmem>>
      %dma_start3A_258 = tpu.memref_squeeze %dma_start3A_257 : memref<1x128x64xf32, #tpu.memory_space<vmem>> -> memref<128x64xf32, #tpu.memory_space<vmem>>
      %dma_start3A_259 = arith.constant 0 : i32
      %dma_start3A_260 = tpu.memref_slice %arg8[%add3A_242, %dma_start3A_259] : memref<165x128xi32, #tpu.memory_space<vmem>> -> memref<1x128xi32, #tpu.memory_space<vmem>>
      %dma_start3A_261 = tpu.memref_squeeze %dma_start3A_260 : memref<1x128xi32, #tpu.memory_space<vmem>> -> memref<128xi32, #tpu.memory_space<vmem>>
      %dma_start3A_262 = arith.constant 0 : i32
      %dma_start3A_263 = arith.constant 0 : i32
      %dma_start3A_264 = tpu.memref_slice %arg10[%dma_start3A_262, %dma_start3A_263] : memref<10240x64xf32, #tpu.memory_space<vmem_shared>> -> memref<10240x64xf32, #tpu.memory_space<vmem_shared>>
      tpu.enqueue_indirect_dma source(%dma_start3A_258 : memref<128x64xf32, #tpu.memory_space<vmem>>) target(%dma_start3A_264 : memref<10240x64xf32, #tpu.memory_space<vmem_shared>>) offsets(%dma_start3A_261 : memref<128xi32, #tpu.memory_space<vmem>>) semaphore(%arg20 : memref<!tpu.dma_semaphore, #tpu.memory_space<semaphore_mem>>) {add = true}
      %mul3A_265 = arith.constant 5 : i32
      %mul3A_266 = arith.muli %scan3A_136, %mul3A_265 : i32
      %add3A_267 = arith.constant 0 : i32
      %add3A_268 = arith.addi %mul3A_266, %add3A_267 : i32
      %add3A_269 = arith.constant 5 : i32
      %add3A_270 = arith.addi %add3A_268, %add3A_269 : i32
      %lt3A = arith.constant 165 : i32
      %lt3A_271 = arith.cmpi slt, %add3A_270, %lt3A : i32
      %convert_element_type3A_272 = arith.extui %lt3A_271 : i1 to i32
      %cond3A_273 = arith.constant 0 : i32
      %cond3A_274 = arith.cmpi ne, %convert_element_type3A_272, %cond3A_273 : i32
      scf.if %cond3A_274 {
        %dma_wait3A_319 = arith.constant 0 : i32
        %dma_wait3A_320 = arith.constant 0 : i32
        %dma_wait3A_321 = arith.constant 0 : i32
        %dma_wait3A_322 = tpu.memref_slice %arg9[%dma_wait3A_319, %dma_wait3A_320, %dma_wait3A_321] : memref<5x128x64xf32, #tpu.memory_space<vmem>> -> memref<1x128x64xf32, #tpu.memory_space<vmem>>
        %dma_wait3A_323 = tpu.memref_squeeze %dma_wait3A_322 : memref<1x128x64xf32, #tpu.memory_space<vmem>> -> memref<128x64xf32, #tpu.memory_space<vmem>>
        %dma_wait3A_324 = arith.constant 0 : i32
        %dma_wait3A_325 = tpu.memref_slice %arg8[%add3A_268, %dma_wait3A_324] : memref<165x128xi32, #tpu.memory_space<vmem>> -> memref<1x128xi32, #tpu.memory_space<vmem>>
        %dma_wait3A_326 = tpu.memref_squeeze %dma_wait3A_325 : memref<1x128xi32, #tpu.memory_space<vmem>> -> memref<128xi32, #tpu.memory_space<vmem>>
        %dma_wait3A_327 = arith.constant 0 : i32
        %dma_wait3A_328 = arith.constant 0 : i32
        %dma_wait3A_329 = tpu.memref_slice %arg10[%dma_wait3A_327, %dma_wait3A_328] : memref<10240x64xf32, #tpu.memory_space<vmem_shared>> -> memref<10240x64xf32, #tpu.memory_space<vmem_shared>>
        tpu.wait_indirect_dma semaphore(%arg16 : memref<!tpu.dma_semaphore, #tpu.memory_space<semaphore_mem>>) src(%dma_wait3A_323 : memref<128x64xf32, #tpu.memory_space<vmem>>) dst(%dma_wait3A_329 : memref<10240x64xf32, #tpu.memory_space<vmem_shared>>)
        %dma_start3A_330 = arith.constant 0 : i32
        %dma_start3A_331 = arith.constant 0 : i32
        %dma_start3A_332 = arith.constant 0 : i32
        %dma_start3A_333 = tpu.memref_slice %arg9[%dma_start3A_330, %dma_start3A_331, %dma_start3A_332] : memref<5x128x64xf32, #tpu.memory_space<vmem>> -> memref<1x128x64xf32, #tpu.memory_space<vmem>>
        %dma_start3A_334 = tpu.memref_squeeze %dma_start3A_333 : memref<1x128x64xf32, #tpu.memory_space<vmem>> -> memref<128x64xf32, #tpu.memory_space<vmem>>
        %dma_start3A_335 = arith.constant 0 : i32
        %dma_start3A_336 = tpu.memref_slice %arg7[%add3A_270, %dma_start3A_335] : memref<165x128xi32, #tpu.memory_space<vmem>> -> memref<1x128xi32, #tpu.memory_space<vmem>>
        %dma_start3A_337 = tpu.memref_squeeze %dma_start3A_336 : memref<1x128xi32, #tpu.memory_space<vmem>> -> memref<128xi32, #tpu.memory_space<vmem>>
        %dma_start3A_338 = arith.constant 0 : i32
        %dma_start3A_339 = arith.constant 0 : i32
        %dma_start3A_340 = tpu.memref_slice %arg2[%dma_start3A_338, %dma_start3A_339] : memref<20480x64xf32, #tpu.memory_space<hbm>> -> memref<20480x64xf32, #tpu.memory_space<hbm>>
        tpu.enqueue_indirect_dma source(%dma_start3A_340 : memref<20480x64xf32, #tpu.memory_space<hbm>>) target(%dma_start3A_334 : memref<128x64xf32, #tpu.memory_space<vmem>>) offsets(%dma_start3A_337 : memref<128xi32, #tpu.memory_space<vmem>>) semaphore(%arg11 : memref<!tpu.dma_semaphore, #tpu.memory_space<semaphore_mem>>)
      } else {
      }
      %mul3A_275 = arith.constant 5 : i32
      %mul3A_276 = arith.muli %scan3A_136, %mul3A_275 : i32
      %add3A_277 = arith.constant 1 : i32
      %add3A_278 = arith.addi %mul3A_276, %add3A_277 : i32
      %add3A_279 = arith.constant 5 : i32
      %add3A_280 = arith.addi %add3A_278, %add3A_279 : i32
      %lt3A_281 = arith.constant 165 : i32
      %lt3A_282 = arith.cmpi slt, %add3A_280, %lt3A_281 : i32
      %convert_element_type3A_283 = arith.extui %lt3A_282 : i1 to i32
      %cond3A_284 = arith.constant 0 : i32
      %cond3A_285 = arith.cmpi ne, %convert_element_type3A_283, %cond3A_284 : i32
      scf.if %cond3A_285 {
        %dma_wait3A_319 = arith.constant 1 : i32
        %dma_wait3A_320 = arith.constant 0 : i32
        %dma_wait3A_321 = arith.constant 0 : i32
        %dma_wait3A_322 = tpu.memref_slice %arg9[%dma_wait3A_319, %dma_wait3A_320, %dma_wait3A_321] : memref<5x128x64xf32, #tpu.memory_space<vmem>> -> memref<1x128x64xf32, #tpu.memory_space<vmem>>
        %dma_wait3A_323 = tpu.memref_squeeze %dma_wait3A_322 : memref<1x128x64xf32, #tpu.memory_space<vmem>> -> memref<128x64xf32, #tpu.memory_space<vmem>>
        %dma_wait3A_324 = arith.constant 0 : i32
        %dma_wait3A_325 = tpu.memref_slice %arg8[%add3A_278, %dma_wait3A_324] : memref<165x128xi32, #tpu.memory_space<vmem>> -> memref<1x128xi32, #tpu.memory_space<vmem>>
        %dma_wait3A_326 = tpu.memref_squeeze %dma_wait3A_325 : memref<1x128xi32, #tpu.memory_space<vmem>> -> memref<128xi32, #tpu.memory_space<vmem>>
        %dma_wait3A_327 = arith.constant 0 : i32
        %dma_wait3A_328 = arith.constant 0 : i32
        %dma_wait3A_329 = tpu.memref_slice %arg10[%dma_wait3A_327, %dma_wait3A_328] : memref<10240x64xf32, #tpu.memory_space<vmem_shared>> -> memref<10240x64xf32, #tpu.memory_space<vmem_shared>>
        tpu.wait_indirect_dma semaphore(%arg17 : memref<!tpu.dma_semaphore, #tpu.memory_space<semaphore_mem>>) src(%dma_wait3A_323 : memref<128x64xf32, #tpu.memory_space<vmem>>) dst(%dma_wait3A_329 : memref<10240x64xf32, #tpu.memory_space<vmem_shared>>)
        %dma_start3A_330 = arith.constant 1 : i32
        %dma_start3A_331 = arith.constant 0 : i32
        %dma_start3A_332 = arith.constant 0 : i32
        %dma_start3A_333 = tpu.memref_slice %arg9[%dma_start3A_330, %dma_start3A_331, %dma_start3A_332] : memref<5x128x64xf32, #tpu.memory_space<vmem>> -> memref<1x128x64xf32, #tpu.memory_space<vmem>>
        %dma_start3A_334 = tpu.memref_squeeze %dma_start3A_333 : memref<1x128x64xf32, #tpu.memory_space<vmem>> -> memref<128x64xf32, #tpu.memory_space<vmem>>
        %dma_start3A_335 = arith.constant 0 : i32
        %dma_start3A_336 = tpu.memref_slice %arg7[%add3A_280, %dma_start3A_335] : memref<165x128xi32, #tpu.memory_space<vmem>> -> memref<1x128xi32, #tpu.memory_space<vmem>>
        %dma_start3A_337 = tpu.memref_squeeze %dma_start3A_336 : memref<1x128xi32, #tpu.memory_space<vmem>> -> memref<128xi32, #tpu.memory_space<vmem>>
        %dma_start3A_338 = arith.constant 0 : i32
        %dma_start3A_339 = arith.constant 0 : i32
        %dma_start3A_340 = tpu.memref_slice %arg2[%dma_start3A_338, %dma_start3A_339] : memref<20480x64xf32, #tpu.memory_space<hbm>> -> memref<20480x64xf32, #tpu.memory_space<hbm>>
        tpu.enqueue_indirect_dma source(%dma_start3A_340 : memref<20480x64xf32, #tpu.memory_space<hbm>>) target(%dma_start3A_334 : memref<128x64xf32, #tpu.memory_space<vmem>>) offsets(%dma_start3A_337 : memref<128xi32, #tpu.memory_space<vmem>>) semaphore(%arg12 : memref<!tpu.dma_semaphore, #tpu.memory_space<semaphore_mem>>)
      } else {
      }
      %mul3A_286 = arith.constant 5 : i32
      %mul3A_287 = arith.muli %scan3A_136, %mul3A_286 : i32
      %add3A_288 = arith.constant 2 : i32
      %add3A_289 = arith.addi %mul3A_287, %add3A_288 : i32
      %add3A_290 = arith.constant 5 : i32
      %add3A_291 = arith.addi %add3A_289, %add3A_290 : i32
      %lt3A_292 = arith.constant 165 : i32
      %lt3A_293 = arith.cmpi slt, %add3A_291, %lt3A_292 : i32
      %convert_element_type3A_294 = arith.extui %lt3A_293 : i1 to i32
      %cond3A_295 = arith.constant 0 : i32
      %cond3A_296 = arith.cmpi ne, %convert_element_type3A_294, %cond3A_295 : i32
      scf.if %cond3A_296 {
        %dma_wait3A_319 = arith.constant 2 : i32
        %dma_wait3A_320 = arith.constant 0 : i32
        %dma_wait3A_321 = arith.constant 0 : i32
        %dma_wait3A_322 = tpu.memref_slice %arg9[%dma_wait3A_319, %dma_wait3A_320, %dma_wait3A_321] : memref<5x128x64xf32, #tpu.memory_space<vmem>> -> memref<1x128x64xf32, #tpu.memory_space<vmem>>
        %dma_wait3A_323 = tpu.memref_squeeze %dma_wait3A_322 : memref<1x128x64xf32, #tpu.memory_space<vmem>> -> memref<128x64xf32, #tpu.memory_space<vmem>>
        %dma_wait3A_324 = arith.constant 0 : i32
        %dma_wait3A_325 = tpu.memref_slice %arg8[%add3A_289, %dma_wait3A_324] : memref<165x128xi32, #tpu.memory_space<vmem>> -> memref<1x128xi32, #tpu.memory_space<vmem>>
        %dma_wait3A_326 = tpu.memref_squeeze %dma_wait3A_325 : memref<1x128xi32, #tpu.memory_space<vmem>> -> memref<128xi32, #tpu.memory_space<vmem>>
        %dma_wait3A_327 = arith.constant 0 : i32
        %dma_wait3A_328 = arith.constant 0 : i32
        %dma_wait3A_329 = tpu.memref_slice %arg10[%dma_wait3A_327, %dma_wait3A_328] : memref<10240x64xf32, #tpu.memory_space<vmem_shared>> -> memref<10240x64xf32, #tpu.memory_space<vmem_shared>>
        tpu.wait_indirect_dma semaphore(%arg18 : memref<!tpu.dma_semaphore, #tpu.memory_space<semaphore_mem>>) src(%dma_wait3A_323 : memref<128x64xf32, #tpu.memory_space<vmem>>) dst(%dma_wait3A_329 : memref<10240x64xf32, #tpu.memory_space<vmem_shared>>)
        %dma_start3A_330 = arith.constant 2 : i32
        %dma_start3A_331 = arith.constant 0 : i32
        %dma_start3A_332 = arith.constant 0 : i32
        %dma_start3A_333 = tpu.memref_slice %arg9[%dma_start3A_330, %dma_start3A_331, %dma_start3A_332] : memref<5x128x64xf32, #tpu.memory_space<vmem>> -> memref<1x128x64xf32, #tpu.memory_space<vmem>>
        %dma_start3A_334 = tpu.memref_squeeze %dma_start3A_333 : memref<1x128x64xf32, #tpu.memory_space<vmem>> -> memref<128x64xf32, #tpu.memory_space<vmem>>
        %dma_start3A_335 = arith.constant 0 : i32
        %dma_start3A_336 = tpu.memref_slice %arg7[%add3A_291, %dma_start3A_335] : memref<165x128xi32, #tpu.memory_space<vmem>> -> memref<1x128xi32, #tpu.memory_space<vmem>>
        %dma_start3A_337 = tpu.memref_squeeze %dma_start3A_336 : memref<1x128xi32, #tpu.memory_space<vmem>> -> memref<128xi32, #tpu.memory_space<vmem>>
        %dma_start3A_338 = arith.constant 0 : i32
        %dma_start3A_339 = arith.constant 0 : i32
        %dma_start3A_340 = tpu.memref_slice %arg2[%dma_start3A_338, %dma_start3A_339] : memref<20480x64xf32, #tpu.memory_space<hbm>> -> memref<20480x64xf32, #tpu.memory_space<hbm>>
        tpu.enqueue_indirect_dma source(%dma_start3A_340 : memref<20480x64xf32, #tpu.memory_space<hbm>>) target(%dma_start3A_334 : memref<128x64xf32, #tpu.memory_space<vmem>>) offsets(%dma_start3A_337 : memref<128xi32, #tpu.memory_space<vmem>>) semaphore(%arg13 : memref<!tpu.dma_semaphore, #tpu.memory_space<semaphore_mem>>)
      } else {
      }
      %mul3A_297 = arith.constant 5 : i32
      %mul3A_298 = arith.muli %scan3A_136, %mul3A_297 : i32
      %add3A_299 = arith.constant 3 : i32
      %add3A_300 = arith.addi %mul3A_298, %add3A_299 : i32
      %add3A_301 = arith.constant 5 : i32
      %add3A_302 = arith.addi %add3A_300, %add3A_301 : i32
      %lt3A_303 = arith.constant 165 : i32
      %lt3A_304 = arith.cmpi slt, %add3A_302, %lt3A_303 : i32
      %convert_element_type3A_305 = arith.extui %lt3A_304 : i1 to i32
      %cond3A_306 = arith.constant 0 : i32
      %cond3A_307 = arith.cmpi ne, %convert_element_type3A_305, %cond3A_306 : i32
      scf.if %cond3A_307 {
        %dma_wait3A_319 = arith.constant 3 : i32
        %dma_wait3A_320 = arith.constant 0 : i32
        %dma_wait3A_321 = arith.constant 0 : i32
        %dma_wait3A_322 = tpu.memref_slice %arg9[%dma_wait3A_319, %dma_wait3A_320, %dma_wait3A_321] : memref<5x128x64xf32, #tpu.memory_space<vmem>> -> memref<1x128x64xf32, #tpu.memory_space<vmem>>
        %dma_wait3A_323 = tpu.memref_squeeze %dma_wait3A_322 : memref<1x128x64xf32, #tpu.memory_space<vmem>> -> memref<128x64xf32, #tpu.memory_space<vmem>>
        %dma_wait3A_324 = arith.constant 0 : i32
        %dma_wait3A_325 = tpu.memref_slice %arg8[%add3A_300, %dma_wait3A_324] : memref<165x128xi32, #tpu.memory_space<vmem>> -> memref<1x128xi32, #tpu.memory_space<vmem>>
        %dma_wait3A_326 = tpu.memref_squeeze %dma_wait3A_325 : memref<1x128xi32, #tpu.memory_space<vmem>> -> memref<128xi32, #tpu.memory_space<vmem>>
        %dma_wait3A_327 = arith.constant 0 : i32
        %dma_wait3A_328 = arith.constant 0 : i32
        %dma_wait3A_329 = tpu.memref_slice %arg10[%dma_wait3A_327, %dma_wait3A_328] : memref<10240x64xf32, #tpu.memory_space<vmem_shared>> -> memref<10240x64xf32, #tpu.memory_space<vmem_shared>>
        tpu.wait_indirect_dma semaphore(%arg19 : memref<!tpu.dma_semaphore, #tpu.memory_space<semaphore_mem>>) src(%dma_wait3A_323 : memref<128x64xf32, #tpu.memory_space<vmem>>) dst(%dma_wait3A_329 : memref<10240x64xf32, #tpu.memory_space<vmem_shared>>)
        %dma_start3A_330 = arith.constant 3 : i32
        %dma_start3A_331 = arith.constant 0 : i32
        %dma_start3A_332 = arith.constant 0 : i32
        %dma_start3A_333 = tpu.memref_slice %arg9[%dma_start3A_330, %dma_start3A_331, %dma_start3A_332] : memref<5x128x64xf32, #tpu.memory_space<vmem>> -> memref<1x128x64xf32, #tpu.memory_space<vmem>>
        %dma_start3A_334 = tpu.memref_squeeze %dma_start3A_333 : memref<1x128x64xf32, #tpu.memory_space<vmem>> -> memref<128x64xf32, #tpu.memory_space<vmem>>
        %dma_start3A_335 = arith.constant 0 : i32
        %dma_start3A_336 = tpu.memref_slice %arg7[%add3A_302, %dma_start3A_335] : memref<165x128xi32, #tpu.memory_space<vmem>> -> memref<1x128xi32, #tpu.memory_space<vmem>>
        %dma_start3A_337 = tpu.memref_squeeze %dma_start3A_336 : memref<1x128xi32, #tpu.memory_space<vmem>> -> memref<128xi32, #tpu.memory_space<vmem>>
        %dma_start3A_338 = arith.constant 0 : i32
        %dma_start3A_339 = arith.constant 0 : i32
        %dma_start3A_340 = tpu.memref_slice %arg2[%dma_start3A_338, %dma_start3A_339] : memref<20480x64xf32, #tpu.memory_space<hbm>> -> memref<20480x64xf32, #tpu.memory_space<hbm>>
        tpu.enqueue_indirect_dma source(%dma_start3A_340 : memref<20480x64xf32, #tpu.memory_space<hbm>>) target(%dma_start3A_334 : memref<128x64xf32, #tpu.memory_space<vmem>>) offsets(%dma_start3A_337 : memref<128xi32, #tpu.memory_space<vmem>>) semaphore(%arg14 : memref<!tpu.dma_semaphore, #tpu.memory_space<semaphore_mem>>)
      } else {
      }
      %mul3A_308 = arith.constant 5 : i32
      %mul3A_309 = arith.muli %scan3A_136, %mul3A_308 : i32
      %add3A_310 = arith.constant 4 : i32
      %add3A_311 = arith.addi %mul3A_309, %add3A_310 : i32
      %add3A_312 = arith.constant 5 : i32
      %add3A_313 = arith.addi %add3A_311, %add3A_312 : i32
      %lt3A_314 = arith.constant 165 : i32
      %lt3A_315 = arith.cmpi slt, %add3A_313, %lt3A_314 : i32
      %convert_element_type3A_316 = arith.extui %lt3A_315 : i1 to i32
      %cond3A_317 = arith.constant 0 : i32
      %cond3A_318 = arith.cmpi ne, %convert_element_type3A_316, %cond3A_317 : i32
      scf.if %cond3A_318 {
        %dma_wait3A_319 = arith.constant 4 : i32
        %dma_wait3A_320 = arith.constant 0 : i32
        %dma_wait3A_321 = arith.constant 0 : i32
        %dma_wait3A_322 = tpu.memref_slice %arg9[%dma_wait3A_319, %dma_wait3A_320, %dma_wait3A_321] : memref<5x128x64xf32, #tpu.memory_space<vmem>> -> memref<1x128x64xf32, #tpu.memory_space<vmem>>
        %dma_wait3A_323 = tpu.memref_squeeze %dma_wait3A_322 : memref<1x128x64xf32, #tpu.memory_space<vmem>> -> memref<128x64xf32, #tpu.memory_space<vmem>>
        %dma_wait3A_324 = arith.constant 0 : i32
        %dma_wait3A_325 = tpu.memref_slice %arg8[%add3A_311, %dma_wait3A_324] : memref<165x128xi32, #tpu.memory_space<vmem>> -> memref<1x128xi32, #tpu.memory_space<vmem>>
        %dma_wait3A_326 = tpu.memref_squeeze %dma_wait3A_325 : memref<1x128xi32, #tpu.memory_space<vmem>> -> memref<128xi32, #tpu.memory_space<vmem>>
        %dma_wait3A_327 = arith.constant 0 : i32
        %dma_wait3A_328 = arith.constant 0 : i32
        %dma_wait3A_329 = tpu.memref_slice %arg10[%dma_wait3A_327, %dma_wait3A_328] : memref<10240x64xf32, #tpu.memory_space<vmem_shared>> -> memref<10240x64xf32, #tpu.memory_space<vmem_shared>>
        tpu.wait_indirect_dma semaphore(%arg20 : memref<!tpu.dma_semaphore, #tpu.memory_space<semaphore_mem>>) src(%dma_wait3A_323 : memref<128x64xf32, #tpu.memory_space<vmem>>) dst(%dma_wait3A_329 : memref<10240x64xf32, #tpu.memory_space<vmem_shared>>)
        %dma_start3A_330 = arith.constant 4 : i32
        %dma_start3A_331 = arith.constant 0 : i32
        %dma_start3A_332 = arith.constant 0 : i32
        %dma_start3A_333 = tpu.memref_slice %arg9[%dma_start3A_330, %dma_start3A_331, %dma_start3A_332] : memref<5x128x64xf32, #tpu.memory_space<vmem>> -> memref<1x128x64xf32, #tpu.memory_space<vmem>>
        %dma_start3A_334 = tpu.memref_squeeze %dma_start3A_333 : memref<1x128x64xf32, #tpu.memory_space<vmem>> -> memref<128x64xf32, #tpu.memory_space<vmem>>
        %dma_start3A_335 = arith.constant 0 : i32
        %dma_start3A_336 = tpu.memref_slice %arg7[%add3A_313, %dma_start3A_335] : memref<165x128xi32, #tpu.memory_space<vmem>> -> memref<1x128xi32, #tpu.memory_space<vmem>>
        %dma_start3A_337 = tpu.memref_squeeze %dma_start3A_336 : memref<1x128xi32, #tpu.memory_space<vmem>> -> memref<128xi32, #tpu.memory_space<vmem>>
        %dma_start3A_338 = arith.constant 0 : i32
        %dma_start3A_339 = arith.constant 0 : i32
        %dma_start3A_340 = tpu.memref_slice %arg2[%dma_start3A_338, %dma_start3A_339] : memref<20480x64xf32, #tpu.memory_space<hbm>> -> memref<20480x64xf32, #tpu.memory_space<hbm>>
        tpu.enqueue_indirect_dma source(%dma_start3A_340 : memref<20480x64xf32, #tpu.memory_space<hbm>>) target(%dma_start3A_334 : memref<128x64xf32, #tpu.memory_space<vmem>>) offsets(%dma_start3A_337 : memref<128xi32, #tpu.memory_space<vmem>>) semaphore(%arg15 : memref<!tpu.dma_semaphore, #tpu.memory_space<semaphore_mem>>)
      } else {
      }
    }
    %scan3A_70 = arith.constant 33 : i32
    %dma_wait3A = arith.constant 0 : i32
    %dma_wait3A_71 = arith.constant 160 : i32
    %dma_wait3A_72 = arith.constant 0 : i32
    %dma_wait3A_73 = arith.constant 0 : i32
    %dma_wait3A_74 = tpu.memref_slice %arg9[%dma_wait3A, %dma_wait3A_72, %dma_wait3A_73] : memref<5x128x64xf32, #tpu.memory_space<vmem>> -> memref<1x128x64xf32, #tpu.memory_space<vmem>>
    %dma_wait3A_75 = tpu.memref_squeeze %dma_wait3A_74 : memref<1x128x64xf32, #tpu.memory_space<vmem>> -> memref<128x64xf32, #tpu.memory_space<vmem>>
    %dma_wait3A_76 = arith.constant 0 : i32
    %dma_wait3A_77 = tpu.memref_slice %arg8[%dma_wait3A_71, %dma_wait3A_76] : memref<165x128xi32, #tpu.memory_space<vmem>> -> memref<1x128xi32, #tpu.memory_space<vmem>>
    %dma_wait3A_78 = tpu.memref_squeeze %dma_wait3A_77 : memref<1x128xi32, #tpu.memory_space<vmem>> -> memref<128xi32, #tpu.memory_space<vmem>>
    %dma_wait3A_79 = arith.constant 0 : i32
    %dma_wait3A_80 = arith.constant 0 : i32
    %dma_wait3A_81 = tpu.memref_slice %arg10[%dma_wait3A_79, %dma_wait3A_80] : memref<10240x64xf32, #tpu.memory_space<vmem_shared>> -> memref<10240x64xf32, #tpu.memory_space<vmem_shared>>
    tpu.wait_indirect_dma semaphore(%arg16 : memref<!tpu.dma_semaphore, #tpu.memory_space<semaphore_mem>>) src(%dma_wait3A_75 : memref<128x64xf32, #tpu.memory_space<vmem>>) dst(%dma_wait3A_81 : memref<10240x64xf32, #tpu.memory_space<vmem_shared>>)
    %dma_wait3A_82 = arith.constant 1 : i32
    %dma_wait3A_83 = arith.constant 161 : i32
    %dma_wait3A_84 = arith.constant 0 : i32
    %dma_wait3A_85 = arith.constant 0 : i32
    %dma_wait3A_86 = tpu.memref_slice %arg9[%dma_wait3A_82, %dma_wait3A_84, %dma_wait3A_85] : memref<5x128x64xf32, #tpu.memory_space<vmem>> -> memref<1x128x64xf32, #tpu.memory_space<vmem>>
    %dma_wait3A_87 = tpu.memref_squeeze %dma_wait3A_86 : memref<1x128x64xf32, #tpu.memory_space<vmem>> -> memref<128x64xf32, #tpu.memory_space<vmem>>
    %dma_wait3A_88 = arith.constant 0 : i32
    %dma_wait3A_89 = tpu.memref_slice %arg8[%dma_wait3A_83, %dma_wait3A_88] : memref<165x128xi32, #tpu.memory_space<vmem>> -> memref<1x128xi32, #tpu.memory_space<vmem>>
    %dma_wait3A_90 = tpu.memref_squeeze %dma_wait3A_89 : memref<1x128xi32, #tpu.memory_space<vmem>> -> memref<128xi32, #tpu.memory_space<vmem>>
    %dma_wait3A_91 = arith.constant 0 : i32
    %dma_wait3A_92 = arith.constant 0 : i32
    %dma_wait3A_93 = tpu.memref_slice %arg10[%dma_wait3A_91, %dma_wait3A_92] : memref<10240x64xf32, #tpu.memory_space<vmem_shared>> -> memref<10240x64xf32, #tpu.memory_space<vmem_shared>>
    tpu.wait_indirect_dma semaphore(%arg17 : memref<!tpu.dma_semaphore, #tpu.memory_space<semaphore_mem>>) src(%dma_wait3A_87 : memref<128x64xf32, #tpu.memory_space<vmem>>) dst(%dma_wait3A_93 : memref<10240x64xf32, #tpu.memory_space<vmem_shared>>)
    %dma_wait3A_94 = arith.constant 2 : i32
    %dma_wait3A_95 = arith.constant 162 : i32
    %dma_wait3A_96 = arith.constant 0 : i32
    %dma_wait3A_97 = arith.constant 0 : i32
    %dma_wait3A_98 = tpu.memref_slice %arg9[%dma_wait3A_94, %dma_wait3A_96, %dma_wait3A_97] : memref<5x128x64xf32, #tpu.memory_space<vmem>> -> memref<1x128x64xf32, #tpu.memory_space<vmem>>
    %dma_wait3A_99 = tpu.memref_squeeze %dma_wait3A_98 : memref<1x128x64xf32, #tpu.memory_space<vmem>> -> memref<128x64xf32, #tpu.memory_space<vmem>>
    %dma_wait3A_100 = arith.constant 0 : i32
    %dma_wait3A_101 = tpu.memref_slice %arg8[%dma_wait3A_95, %dma_wait3A_100] : memref<165x128xi32, #tpu.memory_space<vmem>> -> memref<1x128xi32, #tpu.memory_space<vmem>>
    %dma_wait3A_102 = tpu.memref_squeeze %dma_wait3A_101 : memref<1x128xi32, #tpu.memory_space<vmem>> -> memref<128xi32, #tpu.memory_space<vmem>>
    %dma_wait3A_103 = arith.constant 0 : i32
    %dma_wait3A_104 = arith.constant 0 : i32
    %dma_wait3A_105 = tpu.memref_slice %arg10[%dma_wait3A_103, %dma_wait3A_104] : memref<10240x64xf32, #tpu.memory_space<vmem_shared>> -> memref<10240x64xf32, #tpu.memory_space<vmem_shared>>
    tpu.wait_indirect_dma semaphore(%arg18 : memref<!tpu.dma_semaphore, #tpu.memory_space<semaphore_mem>>) src(%dma_wait3A_99 : memref<128x64xf32, #tpu.memory_space<vmem>>) dst(%dma_wait3A_105 : memref<10240x64xf32, #tpu.memory_space<vmem_shared>>)
    %dma_wait3A_106 = arith.constant 3 : i32
    %dma_wait3A_107 = arith.constant 163 : i32
    %dma_wait3A_108 = arith.constant 0 : i32
    %dma_wait3A_109 = arith.constant 0 : i32
    %dma_wait3A_110 = tpu.memref_slice %arg9[%dma_wait3A_106, %dma_wait3A_108, %dma_wait3A_109] : memref<5x128x64xf32, #tpu.memory_space<vmem>> -> memref<1x128x64xf32, #tpu.memory_space<vmem>>
    %dma_wait3A_111 = tpu.memref_squeeze %dma_wait3A_110 : memref<1x128x64xf32, #tpu.memory_space<vmem>> -> memref<128x64xf32, #tpu.memory_space<vmem>>
    %dma_wait3A_112 = arith.constant 0 : i32
    %dma_wait3A_113 = tpu.memref_slice %arg8[%dma_wait3A_107, %dma_wait3A_112] : memref<165x128xi32, #tpu.memory_space<vmem>> -> memref<1x128xi32, #tpu.memory_space<vmem>>
    %dma_wait3A_114 = tpu.memref_squeeze %dma_wait3A_113 : memref<1x128xi32, #tpu.memory_space<vmem>> -> memref<128xi32, #tpu.memory_space<vmem>>
    %dma_wait3A_115 = arith.constant 0 : i32
    %dma_wait3A_116 = arith.constant 0 : i32
    %dma_wait3A_117 = tpu.memref_slice %arg10[%dma_wait3A_115, %dma_wait3A_116] : memref<10240x64xf32, #tpu.memory_space<vmem_shared>> -> memref<10240x64xf32, #tpu.memory_space<vmem_shared>>
    tpu.wait_indirect_dma semaphore(%arg19 : memref<!tpu.dma_semaphore, #tpu.memory_space<semaphore_mem>>) src(%dma_wait3A_111 : memref<128x64xf32, #tpu.memory_space<vmem>>) dst(%dma_wait3A_117 : memref<10240x64xf32, #tpu.memory_space<vmem_shared>>)
    %dma_wait3A_118 = arith.constant 4 : i32
    %dma_wait3A_119 = arith.constant 164 : i32
    %dma_wait3A_120 = arith.constant 0 : i32
    %dma_wait3A_121 = arith.constant 0 : i32
    %dma_wait3A_122 = tpu.memref_slice %arg9[%dma_wait3A_118, %dma_wait3A_120, %dma_wait3A_121] : memref<5x128x64xf32, #tpu.memory_space<vmem>> -> memref<1x128x64xf32, #tpu.memory_space<vmem>>
    %dma_wait3A_123 = tpu.memref_squeeze %dma_wait3A_122 : memref<1x128x64xf32, #tpu.memory_space<vmem>> -> memref<128x64xf32, #tpu.memory_space<vmem>>
    %dma_wait3A_124 = arith.constant 0 : i32
    %dma_wait3A_125 = tpu.memref_slice %arg8[%dma_wait3A_119, %dma_wait3A_124] : memref<165x128xi32, #tpu.memory_space<vmem>> -> memref<1x128xi32, #tpu.memory_space<vmem>>
    %dma_wait3A_126 = tpu.memref_squeeze %dma_wait3A_125 : memref<1x128xi32, #tpu.memory_space<vmem>> -> memref<128xi32, #tpu.memory_space<vmem>>
    %dma_wait3A_127 = arith.constant 0 : i32
    %dma_wait3A_128 = arith.constant 0 : i32
    %dma_wait3A_129 = tpu.memref_slice %arg10[%dma_wait3A_127, %dma_wait3A_128] : memref<10240x64xf32, #tpu.memory_space<vmem_shared>> -> memref<10240x64xf32, #tpu.memory_space<vmem_shared>>
    tpu.wait_indirect_dma semaphore(%arg20 : memref<!tpu.dma_semaphore, #tpu.memory_space<semaphore_mem>>) src(%dma_wait3A_123 : memref<128x64xf32, #tpu.memory_space<vmem>>) dst(%dma_wait3A_129 : memref<10240x64xf32, #tpu.memory_space<vmem_shared>>)
    %barrier3A_130 = arith.constant 0 : index
    tpu.barrier barrier_id(%barrier3A_130)
    %eq3A_131 = arith.constant 0 : i32
    %eq3A_132 = arith.cmpi eq, %arg1, %eq3A_131 : i32
    %convert_element_type3A_133 = arith.extui %eq3A_132 : i1 to i32
    %cond3A_134 = arith.constant 0 : i32
    %cond3A_135 = arith.cmpi ne, %convert_element_type3A_133, %cond3A_134 : i32
    scf.if %cond3A_135 {
      "tpu.region"() ({
        %run_scoped3A = tpu.sem_alloc : memref<!tpu.dma_semaphore, #tpu.memory_space<semaphore_mem>>
        %dma_start3A_136 = arith.constant 0 : i32
        %dma_start3A_137 = arith.constant 0 : i32
        %dma_start3A_138 = tpu.memref_slice %arg6[%arg0, %dma_start3A_136, %dma_start3A_137] : memref<2x10240x64xf32, #tpu.memory_space<hbm>> -> memref<1x10240x64xf32, #tpu.memory_space<hbm>>
        %dma_start3A_139 = tpu.memref_squeeze %dma_start3A_138 : memref<1x10240x64xf32, #tpu.memory_space<hbm>> -> memref<10240x64xf32, #tpu.memory_space<hbm>>
        tpu.enqueue_dma source(%arg10 : memref<10240x64xf32, #tpu.memory_space<vmem_shared>>) target(%dma_start3A_139 : memref<10240x64xf32, #tpu.memory_space<hbm>>) target_semaphore(%run_scoped3A : memref<!tpu.dma_semaphore, #tpu.memory_space<semaphore_mem>>)
        %dma_wait3A_140 = arith.constant 0 : i32
        %dma_wait3A_141 = arith.constant 0 : i32
        %dma_wait3A_142 = tpu.memref_slice %arg6[%arg0, %dma_wait3A_140, %dma_wait3A_141] : memref<2x10240x64xf32, #tpu.memory_space<hbm>> -> memref<1x10240x64xf32, #tpu.memory_space<hbm>>
        %dma_wait3A_143 = tpu.memref_squeeze %dma_wait3A_142 : memref<1x10240x64xf32, #tpu.memory_space<hbm>> -> memref<10240x64xf32, #tpu.memory_space<hbm>>
        tpu.wait_dma2 semaphore(%run_scoped3A : memref<!tpu.dma_semaphore, #tpu.memory_space<semaphore_mem>>) src(%arg10 : memref<10240x64xf32, #tpu.memory_space<vmem_shared>>) dst(%dma_wait3A_143 : memref<10240x64xf32, #tpu.memory_space<hbm>>)
        tpu.yield
      }) : () -> ()
    } else {
    }
    return
  }
}

module attributes {stable_mosaic.version = 14 : i64} {
  func.func @_mm_body(%arg0: memref<10000x128xf32, #tpu.memory_space<vmem>>, %arg1: memref<128x128xf32, #tpu.memory_space<vmem>>, %arg2: memref<10240x128xf32, #tpu.memory_space<vmem>>) attributes {dimension_semantics = [], scalar_prefetch = 0 : i64, scratch_operands = 0 : i64, tpu.core_type = #tpu.core_type<tc>} {
    %get3A = arith.constant 0 : index
    %get3A_0 = arith.constant 0 : index
    %get3A_1 = vector.load %arg0[%get3A, %get3A_0] : memref<10000x128xf32, #tpu.memory_space<vmem>>, vector<10000x128xf32>
    %get3A_2 = arith.constant 0 : index
    %get3A_3 = arith.constant 0 : index
    %get3A_4 = vector.load %arg1[%get3A_2, %get3A_3] : memref<128x128xf32, #tpu.memory_space<vmem>>, vector<128x128xf32>
    %dot_general3A = arith.constant dense<0.000000e+00> : vector<10000x128xf32>
    %dot_general3A_5 = tpu.matmul %get3A_1, %get3A_4, %dot_general3A {dimension_numbers = #tpu.dot_dimension_numbers<[1], [0], [0], [1], [0, 0, 1, 1], [], []>, transpose_lhs_hint = false} : vector<10000x128xf32>, vector<128x128xf32>, vector<10000x128xf32> -> vector<10000x128xf32>
    %swap3A = arith.constant 0 : index
    %swap3A_6 = arith.constant 0 : index
    %swap3A_7 = vector.load %arg2[%swap3A, %swap3A_6] : memref<10240x128xf32, #tpu.memory_space<vmem>>, vector<10000x128xf32>
    tpu.vector_store %arg2[%swap3A, %swap3A_6], %dot_general3A_5 {strides = array<i32>} : memref<10240x128xf32, #tpu.memory_space<vmem>>, vector<10000x128xf32>,
    %broadcast_in_dim3A = arith.constant 0.000000e+00 : f32
    %broadcast_in_dim3A_8 = vector.broadcast %broadcast_in_dim3A : f32 to vector<240x128xf32>
    %swap3A_9 = arith.constant 10000 : index
    %swap3A_10 = arith.constant 0 : index
    %swap3A_11 = vector.load %arg2[%swap3A_9, %swap3A_10] : memref<10240x128xf32, #tpu.memory_space<vmem>>, vector<240x128xf32>
    tpu.vector_store %arg2[%swap3A_9, %swap3A_10], %broadcast_in_dim3A_8 {strides = array<i32>} : memref<10240x128xf32, #tpu.memory_space<vmem>>, vector<240x128xf32>,
    return
  }
}

module attributes {stable_mosaic.version = 14 : i64} {
  func.func @_tc1_body(%arg0: memref<10240x128xf32, #tpu.memory_space<vmem>>, %arg1: memref<2x10240xf32, #tpu.memory_space<vmem>>, %arg2: memref<10240x128xf32, #tpu.memory_space<vmem>>) attributes {dimension_semantics = [], scalar_prefetch = 0 : i64, scratch_operands = 0 : i64, tpu.core_type = #tpu.core_type<tc>} {
    %get3A = arith.constant 0 : index
    %get3A_0 = arith.constant 0 : index
    %get3A_1 = vector.load %arg1[%get3A, %get3A_0] : memref<2x10240xf32, #tpu.memory_space<vmem>>, vector<1x10240xf32>
    %get3A_2 = vector.shape_cast %get3A_1 : vector<1x10240xf32> to vector<10240xf32>
    %add3A = arith.constant 1.000000e+00 : f32
    %add3A_3 = vector.broadcast %add3A : f32 to vector<10240xf32>
    %add3A_4 = arith.addf %add3A_3, %get3A_2 : vector<10240xf32>
    %get3A_5 = arith.constant 1 : index
    %get3A_6 = arith.constant 0 : index
    %get3A_7 = vector.load %arg1[%get3A_5, %get3A_6] : memref<2x10240xf32, #tpu.memory_space<vmem>>, vector<1x10240xf32>
    %get3A_8 = vector.shape_cast %get3A_7 : vector<1x10240xf32> to vector<10240xf32>
    %add3A_9 = arith.addf %add3A_4, %get3A_8 : vector<10240xf32>
    %rsqrt3A = math.rsqrt %add3A_9 : vector<10240xf32>
    %get3A_10 = arith.constant 0 : index
    %get3A_11 = arith.constant 0 : index
    %get3A_12 = vector.load %arg0[%get3A_10, %get3A_11] : memref<10240x128xf32, #tpu.memory_space<vmem>>, vector<10240x128xf32>
    %broadcast_in_dim3A = vector.shape_cast %rsqrt3A : vector<10240xf32> to vector<10240x1xf32>
    %mul3A = vector.broadcast %broadcast_in_dim3A : vector<10240x1xf32> to vector<10240x128xf32>
    %mul3A_13 = arith.mulf %get3A_12, %mul3A : vector<10240x128xf32>
    %iota3A = tpu.iota {dimensions = array<i32: 0>} : vector<10240x1xi32>
    %lt3A = arith.constant 10000 : i32
    %lt3A_14 = vector.broadcast %lt3A : i32 to vector<10240x1xi32>
    %lt3A_15 = arith.cmpi slt, %iota3A, %lt3A_14 : vector<10240x1xi32>
    %jit3A = arith.constant 0.000000e+00 : f32
    %broadcast_in_dim3A_16 = vector.shape_cast %lt3A_15 : vector<10240x1xi1> to vector<10240x1xi1>
    %broadcast_in_dim3A_17 = vector.broadcast %broadcast_in_dim3A_16 : vector<10240x1xi1> to vector<10240x128xi1>
    %broadcast_in_dim3A_18 = vector.broadcast %jit3A : f32 to vector<10240x128xf32>
    %select_n3A = arith.select %broadcast_in_dim3A_17, %mul3A_13, %broadcast_in_dim3A_18 : vector<10240x128xi1>, vector<10240x128xf32>
    %swap3A = arith.constant 0 : index
    %swap3A_19 = arith.constant 0 : index
    %swap3A_20 = vector.load %arg2[%swap3A, %swap3A_19] : memref<10240x128xf32, #tpu.memory_space<vmem>>, vector<10240x128xf32>
    tpu.vector_store %arg2[%swap3A, %swap3A_19], %select_n3A {strides = array<i32>} : memref<10240x128xf32, #tpu.memory_space<vmem>>, vector<10240x128xf32>,
    return
  }
}

module attributes {stable_mosaic.version = 14 : i64} {
  func.func @_tc2_body(%arg0: memref<2x10240x64xf32, #tpu.memory_space<vmem>>, %arg1: memref<2x10240xf32, #tpu.memory_space<vmem>>, %arg2: memref<128xf32, #tpu.memory_space<vmem>>, %arg3: memref<128x128xf32, #tpu.memory_space<vmem>>, %arg4: memref<10240x128xf32, #tpu.memory_space<vmem>>) attributes {dimension_semantics = [], scalar_prefetch = 0 : i64, scratch_operands = 0 : i64, tpu.core_type = #tpu.core_type<tc>} {
    %get3A = arith.constant 0 : index
    %get3A_0 = arith.constant 0 : index
    %get3A_1 = vector.load %arg1[%get3A, %get3A_0] : memref<2x10240xf32, #tpu.memory_space<vmem>>, vector<1x10240xf32>
    %get3A_2 = vector.shape_cast %get3A_1 : vector<1x10240xf32> to vector<10240xf32>
    %add3A = arith.constant 1.000000e+00 : f32
    %add3A_3 = vector.broadcast %add3A : f32 to vector<10240xf32>
    %add3A_4 = arith.addf %add3A_3, %get3A_2 : vector<10240xf32>
    %get3A_5 = arith.constant 1 : index
    %get3A_6 = arith.constant 0 : index
    %get3A_7 = vector.load %arg1[%get3A_5, %get3A_6] : memref<2x10240xf32, #tpu.memory_space<vmem>>, vector<1x10240xf32>
    %get3A_8 = vector.shape_cast %get3A_7 : vector<1x10240xf32> to vector<10240xf32>
    %add3A_9 = arith.addf %add3A_4, %get3A_8 : vector<10240xf32>
    %rsqrt3A = math.rsqrt %add3A_9 : vector<10240xf32>
    %get3A_10 = arith.constant 0 : index
    %get3A_11 = arith.constant 0 : index
    %get3A_12 = arith.constant 0 : index
    %get3A_13 = vector.load %arg0[%get3A_10, %get3A_11, %get3A_12] : memref<2x10240x64xf32, #tpu.memory_space<vmem>>, vector<1x10240x64xf32>
    %get3A_14 = vector.shape_cast %get3A_13 : vector<1x10240x64xf32> to vector<10240x64xf32>
    %get3A_15 = arith.constant 1 : index
    %get3A_16 = arith.constant 0 : index
    %get3A_17 = arith.constant 0 : index
    %get3A_18 = vector.load %arg0[%get3A_15, %get3A_16, %get3A_17] : memref<2x10240x64xf32, #tpu.memory_space<vmem>>, vector<1x10240x64xf32>
    %get3A_19 = vector.shape_cast %get3A_18 : vector<1x10240x64xf32> to vector<10240x64xf32>
    %concatenate3A = tpu.concatenate %get3A_14, %get3A_19 in 1 : vector<10240x64xf32>, vector<10240x64xf32> -> vector<10240x128xf32>
    %broadcast_in_dim3A = vector.shape_cast %rsqrt3A : vector<10240xf32> to vector<10240x1xf32>
    %mul3A = vector.broadcast %broadcast_in_dim3A : vector<10240x1xf32> to vector<10240x128xf32>
    %mul3A_20 = arith.mulf %concatenate3A, %mul3A : vector<10240x128xf32>
    %get3A_21 = arith.constant 0 : index
    %get3A_22 = vector.load %arg2[%get3A_21] : memref<128xf32, #tpu.memory_space<vmem>>, vector<128xf32>
    %broadcast_in_dim3A_23 = vector.shape_cast %get3A_22 : vector<128xf32> to vector<1x128xf32>
    %add3A_24 = vector.broadcast %broadcast_in_dim3A_23 : vector<1x128xf32> to vector<10240x128xf32>
    %add3A_25 = arith.addf %mul3A_20, %add3A_24 : vector<10240x128xf32>
    %max3A = arith.constant 0.000000e+00 : f32
    %max3A_26 = vector.broadcast %max3A : f32 to vector<10240x128xf32>
    %max3A_27 = arith.maximumf %add3A_25, %max3A_26 : vector<10240x128xf32>
    %get3A_28 = arith.constant 0 : index
    %get3A_29 = arith.constant 0 : index
    %get3A_30 = vector.load %arg3[%get3A_28, %get3A_29] : memref<128x128xf32, #tpu.memory_space<vmem>>, vector<128x128xf32>
    %dot_general3A = arith.constant dense<0.000000e+00> : vector<10240x128xf32>
    %dot_general3A_31 = tpu.matmul %max3A_27, %get3A_30, %dot_general3A {dimension_numbers = #tpu.dot_dimension_numbers<[1], [0], [0], [1], [0, 0, 1, 1], [], []>, transpose_lhs_hint = false} : vector<10240x128xf32>, vector<128x128xf32>, vector<10240x128xf32> -> vector<10240x128xf32>
    %broadcast_in_dim3A_32 = vector.shape_cast %rsqrt3A : vector<10240xf32> to vector<10240x1xf32>
    %mul3A_33 = vector.broadcast %broadcast_in_dim3A_32 : vector<10240x1xf32> to vector<10240x128xf32>
    %mul3A_34 = arith.mulf %dot_general3A_31, %mul3A_33 : vector<10240x128xf32>
    %swap3A = arith.constant 0 : index
    %swap3A_35 = arith.constant 0 : index
    %swap3A_36 = vector.load %arg4[%swap3A, %swap3A_35] : memref<10240x128xf32, #tpu.memory_space<vmem>>, vector<10240x128xf32>
    tpu.vector_store %arg4[%swap3A, %swap3A_35], %mul3A_34 {strides = array<i32>} : memref<10240x128xf32, #tpu.memory_space<vmem>>, vector<10240x128xf32>,
    return
  }
}

module attributes {stable_mosaic.version = 14 : i64} {
  func.func @_tc3_body(%arg0: memref<2x10240x64xf32, #tpu.memory_space<vmem>>, %arg1: memref<2x10240xf32, #tpu.memory_space<vmem>>, %arg2: memref<128xf32, #tpu.memory_space<vmem>>, %arg3: memref<10000x128xf32, #tpu.memory_space<vmem>>) attributes {dimension_semantics = [], scalar_prefetch = 0 : i64, scratch_operands = 0 : i64, tpu.core_type = #tpu.core_type<tc>} {
    %get3A = arith.constant 0 : index
    %get3A_0 = arith.constant 0 : index
    %get3A_1 = vector.load %arg1[%get3A, %get3A_0] : memref<2x10240xf32, #tpu.memory_space<vmem>>, vector<1x10240xf32>
    %get3A_2 = vector.shape_cast %get3A_1 : vector<1x10240xf32> to vector<10240xf32>
    %add3A = arith.constant 1.000000e+00 : f32
    %add3A_3 = vector.broadcast %add3A : f32 to vector<10240xf32>
    %add3A_4 = arith.addf %add3A_3, %get3A_2 : vector<10240xf32>
    %get3A_5 = arith.constant 1 : index
    %get3A_6 = arith.constant 0 : index
    %get3A_7 = vector.load %arg1[%get3A_5, %get3A_6] : memref<2x10240xf32, #tpu.memory_space<vmem>>, vector<1x10240xf32>
    %get3A_8 = vector.shape_cast %get3A_7 : vector<1x10240xf32> to vector<10240xf32>
    %add3A_9 = arith.addf %add3A_4, %get3A_8 : vector<10240xf32>
    %rsqrt3A = math.rsqrt %add3A_9 : vector<10240xf32>
    %get3A_10 = arith.constant 0 : index
    %get3A_11 = arith.constant 0 : index
    %get3A_12 = arith.constant 0 : index
    %get3A_13 = vector.load %arg0[%get3A_10, %get3A_11, %get3A_12] : memref<2x10240x64xf32, #tpu.memory_space<vmem>>, vector<1x10240x64xf32>
    %get3A_14 = vector.shape_cast %get3A_13 : vector<1x10240x64xf32> to vector<10240x64xf32>
    %get3A_15 = arith.constant 1 : index
    %get3A_16 = arith.constant 0 : index
    %get3A_17 = arith.constant 0 : index
    %get3A_18 = vector.load %arg0[%get3A_15, %get3A_16, %get3A_17] : memref<2x10240x64xf32, #tpu.memory_space<vmem>>, vector<1x10240x64xf32>
    %get3A_19 = vector.shape_cast %get3A_18 : vector<1x10240x64xf32> to vector<10240x64xf32>
    %concatenate3A = tpu.concatenate %get3A_14, %get3A_19 in 1 : vector<10240x64xf32>, vector<10240x64xf32> -> vector<10240x128xf32>
    %broadcast_in_dim3A = vector.shape_cast %rsqrt3A : vector<10240xf32> to vector<10240x1xf32>
    %mul3A = vector.broadcast %broadcast_in_dim3A : vector<10240x1xf32> to vector<10240x128xf32>
    %mul3A_20 = arith.mulf %concatenate3A, %mul3A : vector<10240x128xf32>
    %get3A_21 = arith.constant 0 : index
    %get3A_22 = vector.load %arg2[%get3A_21] : memref<128xf32, #tpu.memory_space<vmem>>, vector<128xf32>
    %broadcast_in_dim3A_23 = vector.shape_cast %get3A_22 : vector<128xf32> to vector<1x128xf32>
    %add3A_24 = vector.broadcast %broadcast_in_dim3A_23 : vector<1x128xf32> to vector<10240x128xf32>
    %add3A_25 = arith.addf %mul3A_20, %add3A_24 : vector<10240x128xf32>
    %max3A = arith.constant 0.000000e+00 : f32
    %max3A_26 = vector.broadcast %max3A : f32 to vector<10240x128xf32>
    %max3A_27 = arith.maximumf %add3A_25, %max3A_26 : vector<10240x128xf32>
    %slice3A = vector.extract_strided_slice %max3A_27 {offsets = [0, 0], sizes = [10000, 128], strides = [1, 1]} : vector<10240x128xf32> to vector<10000x128xf32>
    %swap3A = arith.constant 0 : index
    %swap3A_28 = arith.constant 0 : index
    %swap3A_29 = vector.load %arg3[%swap3A, %swap3A_28] : memref<10000x128xf32, #tpu.memory_space<vmem>>, vector<10000x128xf32>
    tpu.vector_store %arg3[%swap3A, %swap3A_28], %slice3A {strides = array<i32>} : memref<10000x128xf32, #tpu.memory_space<vmem>>, vector<10000x128xf32>,
    return
  }
}

</mosaic_0001>

<sc_bundles>
// kernel: kernel.12.cloned.1.call-start
scs
__scs_entry_jumppad:
0x0: {  	(pc) =	sbr.rel $0x88, $3  }
0x1: {  	(tag) =	ssettag $0x0;
	lr =	simm.s32 $0x1  }
0x2: {  	[smem:$0x3F9B] =	sst lr;
	_ =	strace $0xD0000000  }
0x3: {  	_ = 	snop  }
0x4: {  	_ = 	snop  }
0x5: {  	_ = 	snop  }
0x6: {  	_ = 	snop  }
0x7: {  	_ = 	snop  }
__scs_overlays_trampoline_lowered:
0x8: {  	[smem:$0x3FAA] =	sst s0  }
0x9: {  	[smem:$0x3FAB] =	sst s1  }
0xa: {  	[smem:$0x3FAC] =	sst s2  }
0xb: {  	[smem:$0x3FAD] =	sst s3  }
0xc: {  	[smem:$0x3FAE] =	sst s4  }
0xd: {  	[smem:$0x3FAF] =	sst s5  }
0xe: {  	[smem:$0x3FB0] =	sst s6  }
0xf: {  	[smem:$0x3FB1] =	sst s7  }
0x10: {  	[smem:$0x3FB2] =	sst s8  }
0x11: {  	[smem:$0x3FB3] =	sst s9;
	s0 =	simm.s32 @!p0 $0x0  }
0x12: {  	s1 =	sld [smem:$0x3F99];
	s0 =	simm.s32 @p0 $0x1  }
0x13: {  	[smem:$0x3FB4] =	sst s0;
	s0 =	simm.s32 @!p1 $0x0  }
0x14: {  	s2 =	sld [smem:$0x3F98];
	s0 =	simm.s32 @p1 $0x1  }
0x15: {  	[smem:$0x3FB5] =	sst s0;
	s0 =	simm.s32 @!p2 $0x0  }
0x16: {  	s3 =	sld [smem:$0x3FDB];
	s0 =	simm.s32 @p2 $0x1  }
0x17: {  	s4 =	simm.s32 $0x1BF5;
	[smem:$0x3FB7] =	sst s0  }
0x18: {  	s0 =	sld [smem:$0x3F9A];
	_ =	swait.ge [sflag:s4], $0x0  }
0x19: {  	s7 =	sld [smem:$0x3F9B]  }
0x1a: {  	s8 =	sadd.s32 $0xFFFFE003, lr  }
0x1b: {  	s9 =	sadd.s32 $0xFFFFFEF7, lr;
	s5 =	simm.s32 $0xFFFFFFFF;
	p2 =	slt.u32 s8, $0xFFFFF086  }
0x1c: {  	p1 =	slt.u32 s9, $0xF7A;
	s5 =	simm.s32 @!p2 $0x0  }
0x1d: {  	s5 =	simm.s32 @p1 $0x1;
	p0 =	seq.s32 s7, s2  }
0x1e: {  	s7 =	smul.u32 @!p0 $0xF7A, s2;
	p2 =	seq.s32 @!p0 s5, $0x0  }
0x1f: {  	s9 =	smul.u32 $0xF7A, s1;
	s8 =	simm.s32 @!p0 $0x1BF5;
	p2 =	por !p2, p0  }
0x20: {  	[sflag:s8] =	ssyncset.s32 @!p0 $0xFFFFF086;
	s6 =	sadd.s32 @!p0 s3, s7;
	s7 =	simm.s32 @!p0 $0x108  }
0x21: {  	s3 =	sadd.s32 s3, s9;
	s6 =	sadd.s32 @!p0 $0x88, s6;
	s7 =	simm.s32 @p2 $0x1082  }
0x22: {  	[simem:s7], [sflag:s8] =	dma.local @!p0 [hbm:s6], $0xF7A  }
0x23: {  	s9 =	sor.u32 $0xD0000000, s2;
	s6 =	simm.s32 $0x108;
	_ =	swait.ge @!p0 [sflag:s8], $0x0  }
0x24: {  	s3 =	sadd.s32 $0x88, s3;
	s6 =	simm.s32 @!p1 $0x1082;
	[sflag:s4] =	ssyncset.s32 $0xFFFFF086  }
0x25: {  	[simem:s6], [sflag:s4] =	dma.local [hbm:s3], $0xF7A  }
0x26: {  	[smem:$0x3F9B] =	sst s1;
	(tag) =	ssettag s2;
	_ =	strace s9  }
0x27: {  	s1 =	sld [smem:$0x3FAB]  }
0x28: {  	s2 =	sld [smem:$0x3FAC]  }
0x29: {  	s4 =	sld [smem:$0x3FAE]  }
0x2a: {  	p0 =	seq.s32 s5, $0x0;
	s5 =	sld [smem:$0x3FAF]  }
0x2b: {  	s6 =	sld [smem:$0x3FB0]  }
0x2c: {  	s7 =	sld [smem:$0x3FB1]  }
0x2d: {  	s3 =	simm.s32 $0x108;
	s8 =	sld [smem:$0x3FB2]  }
0x2e: {  	s3 =	simm.s32 @!p0 $0x1082;
	s9 =	sld [smem:$0x3FB3]  }
0x2f: {  	lr =	sadd.s32 s0, s3;
	s0 =	sld [smem:$0x3FAA]  }
0x30: {  	s3 =	sld [smem:$0x3FAD]  }
0x31: {  	[smem:$0x3FB6] =	sst s10  }
0x32: {  	s10 =	sld [smem:$0x3FB4];
	_ =	sdelay $0x3  }
0x33: {  	p0 =	seq.s32 s10, $0x1;
	s10 =	sld [smem:$0x3FB6];
	_ =	sdelay $0x3  }
0x34: {  	[smem:$0x3FB6] =	sst s10  }
0x35: {  	s10 =	sld [smem:$0x3FB5];
	_ =	sdelay $0x3  }
0x36: {  	p1 =	seq.s32 s10, $0x1;
	s10 =	sld [smem:$0x3FB6];
	_ =	sdelay $0x3  }
0x37: {  	[smem:$0x3FB6] =	sst s10  }
0x38: {  	s10 =	sld [smem:$0x3FB7]  }
0x39: {  	_ = 	snop;
	(pc) =	sbr.ind lr, $3  }
0x3a: {  	_ = 	snop  }
0x3b: {  	_ = 	snop  }
0x3c: {  	p2 =	seq.s32 s10, $0x1;
	s10 =	sld [smem:$0x3FB6]  }
0x3d: {  	_ =	shalt  }
0x3e: {  	_ =	shalt  }
0x3f: {  	_ =	shalt  }
0x40: {  	_ =	shalt  }
0x41: {  	_ =	shalt  }
0x42: {  	_ =	shalt  }
0x43: {  	_ =	shalt  }
0x44: {  	_ =	shalt  }
0x45: {  	_ =	shalt  }
0x46: {  	_ =	shalt  }
0x47: {  	_ =	shalt  }
0x48: {  	_ =	shalt  }
0x49: {  	_ =	shalt  }
0x4a: {  	_ =	shalt  }
0x4b: {  	_ =	shalt  }
0x4c: {  	_ =	shalt  }
0x4d: {  	_ =	shalt  }
0x4e: {  	_ =	shalt  }
0x4f: {  	_ =	shalt  }
0x50: {  	_ =	shalt  }
0x51: {  	_ =	shalt  }
0x52: {  	_ =	shalt  }
0x53: {  	_ =	shalt  }
0x54: {  	_ =	shalt  }
0x55: {  	_ =	shalt  }
0x56: {  	_ =	shalt  }
0x57: {  	_ =	shalt  }
0x58: {  	_ =	shalt  }
0x59: {  	_ =	shalt  }
0x5a: {  	_ =	shalt  }
0x5b: {  	_ =	shalt  }
0x5c: {  	_ =	shalt  }
0x5d: {  	_ =	shalt  }
0x5e: {  	_ =	shalt  }
0x5f: {  	_ =	shalt  }
0x60: {  	_ =	shalt  }
0x61: {  	_ =	shalt  }
0x62: {  	_ =	shalt  }
0x63: {  	_ =	shalt  }
0x64: {  	_ =	shalt  }
0x65: {  	_ =	shalt  }
0x66: {  	_ =	shalt  }
0x67: {  	_ =	shalt  }
0x68: {  	_ =	shalt  }
0x69: {  	_ =	shalt  }
0x6a: {  	_ =	shalt  }
0x6b: {  	_ =	shalt  }
0x6c: {  	_ =	shalt  }
0x6d: {  	_ =	shalt  }
0x6e: {  	_ =	shalt  }
0x6f: {  	_ =	shalt  }
0x70: {  	_ =	shalt  }
0x71: {  	_ =	shalt  }
0x72: {  	_ =	shalt  }
0x73: {  	_ =	shalt  }
0x74: {  	_ =	shalt  }
0x75: {  	_ =	shalt  }
0x76: {  	_ =	shalt  }
0x77: {  	_ =	shalt  }
0x78: {  	_ =	shalt  }
0x79: {  	_ =	shalt  }
0x7a: {  	_ =	shalt  }
0x7b: {  	_ =	shalt  }
0x7c: {  	_ =	shalt  }
0x7d: {  	_ =	shalt  }
0x7e: {  	_ =	shalt  }
0x7f: {  	_ =	shalt  }
0x80: {  	_ =	shalt  }
0x81: {  	_ =	shalt  }
0x82: {  	_ =	shalt  }
0x83: {  	_ =	shalt  }
0x84: {  	_ =	shalt  }
0x85: {  	_ =	shalt  }
0x86: {  	_ =	shalt  }
0x87: {  	_ =	shalt  }
.Lfunc_end0:
.L_simem_size_0:
called_computation.1_lowered:
.L_overlay_start_0:
0x88: {  	s2 =	sld [smem:$0x3FD9]  }
0x89: {  	s3 =	sld [smem:$0x3FFE];
	_ =	sdelay $0x1  }
0x8a: {  	s1 =	srdreg.scid  }
0x8b: {  	s0 =	sand.u32 $0x1, s1  }
0x8c: {  	s17 =	sshll.u32 s0, $0xA;
	s2 =	sadd.s32 s3, s2  }
0x8d: {  	s2 =	sadd.s32 s2, s17  }
0x8e: {  	[smem:$0x3FC2] =	sst s2  }
0x8f: {  	_ = 	snop  }
0x90: {  	s2 =	sld [smem:$0x3FD0];
	(tm) =	ssettm $0x1  }
0x91: {  	s18 =	sld [smem:$0x3FFB];
	_ =	sdelay $0x3  }
0x92: {  	_ =	strace s18  }
0x93: {  	s3 =	sld [smem:$0x3FFC];
	_ =	sdelay $0x3  }
0x94: {  	_ =	strace s3  }
0x95: {  	s3 =	sld [smem:$0x3FFD];
	_ =	sdelay $0x3  }
0x96: {  	_ =	strace s3  }
0x97: {  	_ =	strace $0x8FFFFFFF  }
0x98: {  	s19 =	sld [smem:$0x3FDB];
	_ =	sdelay $0x1  }
0x99: {  	s4 =	simm.s32 $_scs_section_size  }
0x9a: {  	s5 =	simm.s32 $_size__tile_overlayer_lowered;
	s6 =	simm.s32 $_tile_overlayer_lowered  }
0x9b: {  	s22 =	simm.s32 $0x1BFF;
	s21 =	sshll.u32 s6, $0x1;
	s3 =	sadd.s32 s4, s19  }
0x9c: {  	s7 =	simm.s32 $0x0;
	s20 =	sshll.u32 s5, $0x1;
	s5 =	sadd.s32 s21, s3  }
0x9d: {  	[timem:s7], [sflag:s22] =	dma.local [hbm:s5], s20  }
0x9e: {  	_ =	swait.ge [sflag:s22], s20  }
0x9f: {  	s4 =	ssub.s32 $0x0, s20;
	[sflag:s22] =	ssyncset.done $0x0  }
0xa0: {  	[sflag:s22] =	ssyncadd.s32 s4;
	_ =	sdelay $0x1  }
0xa1: {  	s23 =	simm.s32 $0x1B8B  }
0xa2: {  	_ =	swait.ge [sflag:s23], $0x1  }
0xa3: {  	[sflag:s23] =	ssyncset.done $0x0  }
0xa4: {  	s25 =	simm.s32 $0x1B8E;
	s24 =	sld [smem:$0x3FFE];
	[sflag:s23] =	ssyncadd.s32 $0xFFFFFFFF  }
0xa5: {  	s26 =	simm.s32 $execute0_lowered;
	[smem:$0x3FD2] =	sst s25  }
0xa6: {  	s5 =	sshll.u32 s26, $0x1;
	_ =	strace $0x80000049;
	[dreg:$0x1] =	wrdreg $0xFFFFFFFF  }
0xa7: {  	s28 =	simm.s32 $_size_execute0_lowered;
	s3 =	sadd.s32 s3, s5;
	[dreg:$0x0] =	wrdreg $0x0  }
0xa8: {  	s5 =	sshll.u32 s28, $0x1;
	[dreg:$0x2] =	wrdreg s3  }
0xa9: {  	[dreg:$0x3] =	wrdreg s5  }
0xaa: {  	[dreg:$0x4] =	wrdreg $0xC0  }
0xab: {  	_ =	task [dreg:s7], $0x5FFFF  }
0xac: {  	[dreg:$0x1] =	wrdreg $0xFFFFFFFF  }
0xad: {  	[dreg:$0x0] =	wrdreg $0x60  }
0xae: {  	[dreg:$0x2] =	wrdreg s24  }
0xaf: {  	[dreg:$0x3] =	wrdreg s2  }
0xb0: {  	[dreg:$0x4] =	wrdreg $0x145000  }
0xb1: {  	[dreg:$0x5] =	wrdreg $0x9  }
0xb2: {  	_ =	task.clear_ibuf [dreg:s7], $0x6FFFF;
	_ =	strace $0x90000049  }
0xb3: {  	s29 =	simm.s32 $0x9;
	_ =	strace $0x8000004B  }
0xb4: {  	_ =	swait.ge [sflag:s29], $0x1  }
0xb5: {  	[sflag:s29] =	ssyncadd.s32 $0xFFFFFFFF  }
0xb6: {  	_ =	strace $0x9000004B  }
0xb7: {  	_ =	sfence  }
0xb8: {  	s30 =	sld [smem:$0x0];
	_ =	sdelay $0x2  }
0xb9: {  	s31 =	sshll.u32 s1, $0xD;
	s1 =	sshrl.u32 s1, $0x2  }
0xba: {  	s3 =	sand.u32 $0x4000, s31;
	s1 =	sadd.s32 s1, s30  }
0xbb: {  	s0 =	sor.u32 s3, s0;
	s1 =	sshll.u32 s1, $0x11  }
0xbc: {  	s0 =	sor.u32 s1, s0  }
0xbd: {  	s0 =	sadd.s32 $0x8F2B, s0  }
0xbe: {  	[sflag:s0] =	ssyncadd.remote.s32 $0x1  }
0xbf: {  	_ =	sfence.sel $0xFFFF  }
0xc0: {  	[dreg:$0x0] =	wrdreg $0xFFFFFFFF;
	(pc) =	sbr.abs _section_cstart, $3  }
0xc1: {  	[dreg:$0x1] =	wrdreg $0xFFFFFFFF  }
0xc2: {  	_ =	task.clear_ibuf [dreg:s7], $0x2FFFF;
	_ =	strace $0x9FFFFFFF  }
0xc3: {  	(tm) =	ssettm $0x7FFFFFFF  }
tec
execute0_lowered:
.L_overlay_start_1:
0x0: {  	(tag) =	ssettag $0x1  }
0x1: {  	s0 =	rddreg [dreg:$0x0]  }
0x2: {  	s2 =	rddreg [dreg:$0x2];
	s3 =	simm.s32 $0x0;
	s1 =	stileid.u32  }
0x3: {  	s4 =	srdreg.scid;
	s12 =	simm.s32 $0x80;
	s13 =	simm.s32 $0xA500  }
0x4: {  	s14 =	simm.s32 $0xC500;
	s16 =	simm.s32 $0xE500;
	s18 =	simm.s32 $0x10500  }
0x5: {  	s20 =	simm.s32 $0x12500;
	s21 =	simm.s32 $0x1;
	s22 =	simm.s32 $0x2  }
0x6: {  	s23 =	simm.s32 $0x3;
	s24 =	simm.s32 $0x4;
	s25 =	simm.s32 $0x5  }
0x7: {  	s28 =	simm.s32 $0x7;
	s29 =	simm.s32 $0x8;
	s30 =	simm.s32 $0x9  }
0x8: {  	s31 =	simm.s32 $0xA;
	s15 =	simm.s32 $0xA400;
	s17 =	simm.s32 $0xA480  }
0x9: {  	s19 =	simm.s32 $0x0;
	[smem:$0x7FF] =	sst s3;
	s5 =	smul.u32 $0xA50, s1  }
0xa: {  	s9 =	sand.u32 $0x1, s4;
	s4 =	sadd.s32 $0x16E00, s0;
	p0 =	sne.s32 s1, $0x0  }
0xb: {  	_ =	strace $0x8000004A;
	s6 =	smul.u32 $0x14000, s9;
	s7 =	ssub.s32 $0x2, s9  }
0xc: {  	p1 =	seq.s32 s9, $0x0;
	s9 =	simm.s32 $0xB;
	s11 =	sshrl.u32 @!p0 s2, $0x3  }
0xd: {  	s8 =	sadd.s32 s5, s0;
	s26 =	sshrl.u32 s7, $0x1;
	s0 =	sadd.s32 s6, s0  }
0xe: {  	s10 =	ssub.s32 s7, s26;
	s5 =	sadd.s32 $0xC800, s8;
	s6 =	sadd.s32 $0x2200, s8  }
0xf: {  	s26 =	simm.s32 $0x6;
	s7 =	sadd.s32 $0x3EE00, s0;
	s8 =	smax.u32 s10, $0x1  }
.LBB2_1:
0x10: {  	[tilespmem:s3], [sflag:$0xB] =	stream.linear.gather [hbm4b:s5+s3], $0x5280, $0x38;
	[tilespmem:$0x1E500] =	vst v63  }
0x11: {  	_ =	swait.ge [sflag:s9], $0x5280  }
0x12: {  	[sflag:s9] =	ssyncset.done $0x0  }
.Ltmp0:
0x13: {  	s0 =	simm.s32 $0x5280;
	[sflag:s9] =	ssyncadd.s32 $0xFFFFAD80;
	(pc) =	sbr.rel @p1 .LBB2_5-.Ltmp0, $4  }
0x14: {  	[tilespmem:s0], [sflag:$0xB] =	stream.linear.gather [hbm4b:s6+s3], $0x5280, $0x38;
	[tilespmem:$0x1E500] =	vst v63  }
0x15: {  	_ =	swait.ge [sflag:s9], $0x5280  }
0x16: {  	[sflag:s9] =	ssyncset.done $0x0  }
0x17: {  	[sflag:s9] =	ssyncadd.s32 $0xFFFFAD80  }
0x18: {  	s0 =	simm.s32 $0x0  }
0x19: {  	v2 =	vld [tilespmem:s0+$0x0]  }
0x1a: {  	v4 =	vld [tilespmem:s0+$0x10]  }
0x1b: {  	v3 =	vld [tilespmem:s0+$0x20]  }
0x1c: {  	v1 =	vld [tilespmem:s0+$0x30]  }
0x1d: {  	v0 =	vld [tilespmem:s0+$0x40]  }
0x1e: {  	v5 =	vadd.s32 $0x1, v2;
	v2 =	vld [tilespmem:s0+$0x50]  }
0x1f: {  	s1 =	simm.s32 $0x200;
	[tilespmem:s0+$0x0] =	vst v5;
	v5 =	vadd.s32 $0x1, v4;
	v4 =	vld [tilespmem:s0+$0x60]  }
.LBB2_3:
0x20: {  	s10 =	sshra.s32 s1, $0x2;
	p2 =	sne.s32 s1, $0x14800;
	[tilespmem:s0+$0x10] =	vst v5;
	v3 =	vadd.s32 $0x1, v3;
	v5 =	vld [tilespmem:s0+$0x70]  }
0x21: {  	v6 =	vld [tilespmem:s10+$0x0];
	[tilespmem:s0+$0x20] =	vst v3;
	v1 =	vadd.s32 $0x1, v1  }
0x22: {  	v7 =	vld [tilespmem:s10+$0x10];
	[tilespmem:s0+$0x30] =	vst v1;
	v0 =	vadd.s32 $0x1, v0  }
.Ltmp1:
0x23: {  	v3 =	vld [tilespmem:s10+$0x20];
	[tilespmem:s0+$0x40] =	vst v0;
	v0 =	vadd.s32 $0x1, v2;
	(pc) =	sbr.rel @p2 .LBB2_3-.Ltmp1, $4  }
0x24: {  	v1 =	vld [tilespmem:s10+$0x30];
	[tilespmem:s0+$0x50] =	vst v0;
	v2 =	vadd.s32 $0x1, v4  }
0x25: {  	v0 =	vld [tilespmem:s10+$0x40];
	[tilespmem:s0+$0x60] =	vst v2;
	v4 =	vadd.s32 $0x1, v5  }
0x26: {  	v5 =	vadd.s32 $0x1, v6;
	v2 =	vld [tilespmem:s10+$0x50];
	[tilespmem:s0+$0x70] =	vst v4;
	s0 =	smov.u32 s10  }
0x27: {  	s1 =	sadd.s32 $0x200, s1;
	[tilespmem:s0+$0x0] =	vst v5;
	v5 =	vadd.s32 $0x1, v7;
	v4 =	vld [tilespmem:s0+$0x60]  }
0x28: {  	[tilespmem:s0+$0x10] =	vst v5;
	v3 =	vadd.s32 $0x1, v3;
	v60 =	vld [tilespmem:s0+$0x70]  }
0x29: {  	[tilespmem:s0+$0x20] =	vst v3;
	v1 =	vadd.s32 $0x1, v1  }
0x2a: {  	[tilespmem:s0+$0x30] =	vst v1;
	v0 =	vadd.s32 $0x1, v0  }
0x2b: {  	[tilespmem:s0+$0x40] =	vst v0;
	v61 =	vadd.s32 $0x1, v2  }
0x2c: {  	[tilespmem:s0+$0x50] =	vst v61;
	v62 =	vadd.s32 $0x1, v4  }
0x2d: {  	[tilespmem:s0+$0x60] =	vst v62;
	v63 =	vadd.s32 $0x1, v60  }
0x2e: {  	[tilespmem:s0+$0x70] =	vst v63  }
.LBB2_5:
0x2f: {  	s0 =	simm.s32 @!p0 $0x1C0B;
	s1 =	rddreg [dreg:$0x1]  }
0x30: {  	[spmem:s11], [sflag:s0] =	dma.local @!p0 [hbm:s1], $0x14000  }
0x31: {  	s0 =	simm.s32 @!p0 $0xB  }
0x32: {  	_ =	swait.ge @!p0 [sflag:s0], $0x14000  }
0x33: {  	[sflag:s0] =	ssyncset.done @!p0 $0x0  }
0x34: {  	[sflag:s0] =	ssyncadd.s32 @!p0 $0xFFFEC000  }
0x35: {  	s10 =	simm.s32 $0x0;
	[bflag:$0x0] =	sbarrier.arrive $0xFFFF  }
0x36: {  	[tilespmem:s13], [sflag:$0x1] =	stream.indirect.gather [hbm4b:s4+s12], $0x40, s10, s12, $0xb8;
	[tilespmem:$0x1E500] =	vst v63  }
0x37: {  	_ = 	snop  }
0x38: {  	[tilespmem:s14], [sflag:$0x2] =	stream.indirect.gather [hbm4b:s4+s12], $0x40, s12, s12, $0xb8;
	[tilespmem:$0x1E500] =	vst v63  }
0x39: {  	s1 =	simm.s32 $0x100  }
0x3a: {  	[tilespmem:s16], [sflag:$0x3] =	stream.indirect.gather [hbm4b:s4+s12], $0x40, s1, s12, $0xb8;
	[tilespmem:$0x1E500] =	vst v63  }
0x3b: {  	s10 =	simm.s32 $0x180  }
0x3c: {  	[tilespmem:s18], [sflag:$0x4] =	stream.indirect.gather [hbm4b:s4+s12], $0x40, s10, s12, $0xb8;
	[tilespmem:$0x1E500] =	vst v63  }
0x3d: {  	s1 =	simm.s32 $0x200  }
0x3e: {  	[tilespmem:s20], [sflag:$0x5] =	stream.indirect.gather [hbm4b:s4+s12], $0x40, s1, s12, $0xb8;
	[tilespmem:$0x1E500] =	vst v63  }
0x3f: {  	_ =	swait.ge [sflag:s21], $0x2000  }
0x40: {  	[sflag:s21] =	ssyncset.done $0x0  }
0x41: {  	s10 =	simm.s32 $0x5280;
	[sflag:s21] =	ssyncadd.s32 $0xFFFFE000  }
0x42: {  	[spmem:s2] =	stream.indirect.scatter.add.f32 [tilespmem:s13], [sflag:$0x6], $0x40, s10, s12, $0xb8;
	[tilespmem:$0x1E500] =	vst v63  }
0x43: {  	_ =	swait.ge [sflag:s22], $0x2000  }
0x44: {  	[sflag:s22] =	ssyncset.done $0x0  }
0x45: {  	s1 =	simm.s32 $0x5300;
	[sflag:s22] =	ssyncadd.s32 $0xFFFFE000  }
0x46: {  	[spmem:s2] =	stream.indirect.scatter.add.f32 [tilespmem:s14], [sflag:$0x7], $0x40, s1, s12, $0xb8;
	[tilespmem:$0x1E500] =	vst v63  }
0x47: {  	_ =	swait.ge [sflag:s23], $0x2000  }
0x48: {  	[sflag:s23] =	ssyncset.done $0x0  }
0x49: {  	s10 =	simm.s32 $0x5380;
	[sflag:s23] =	ssyncadd.s32 $0xFFFFE000  }
0x4a: {  	[spmem:s2] =	stream.indirect.scatter.add.f32 [tilespmem:s16], [sflag:$0x8], $0x40, s10, s12, $0xb8;
	[tilespmem:$0x1E500] =	vst v63  }
0x4b: {  	_ =	swait.ge [sflag:s24], $0x2000  }
0x4c: {  	[sflag:s24] =	ssyncset.done $0x0  }
0x4d: {  	s1 =	simm.s32 $0x5400;
	[sflag:s24] =	ssyncadd.s32 $0xFFFFE000  }
0x4e: {  	[spmem:s2] =	stream.indirect.scatter.add.f32 [tilespmem:s18], [sflag:$0x9], $0x40, s1, s12, $0xb8;
	[tilespmem:$0x1E500] =	vst v63  }
0x4f: {  	_ =	swait.ge [sflag:s25], $0x2000  }
0x50: {  	[sflag:s25] =	ssyncset.done $0x0  }
0x51: {  	s10 =	simm.s32 $0x5480;
	[sflag:s25] =	ssyncadd.s32 $0xFFFFE000  }
0x52: {  	[spmem:s2] =	stream.indirect.scatter.add.f32 [tilespmem:s20], [sflag:$0xA], $0x40, s10, s12, $0xb8;
	[tilespmem:$0x1E500] =	vst v63  }
0x53: {  	_ =	swait.ge [sflag:s26], $0x2000  }
0x54: {  	[sflag:s26] =	ssyncset.done $0x0  }
0x55: {  	s1 =	simm.s32 $0x280;
	[sflag:s26] =	ssyncadd.s32 $0xFFFFE000  }
0x56: {  	[tilespmem:s13], [sflag:$0x1] =	stream.indirect.gather [hbm4b:s4+s12], $0x40, s1, s12, $0xb8;
	[tilespmem:$0x1E500] =	vst v63  }
0x57: {  	_ =	swait.ge [sflag:s28], $0x2000  }
0x58: {  	[sflag:s28] =	ssyncset.done $0x0  }
0x59: {  	s10 =	simm.s32 $0x300;
	[sflag:s28] =	ssyncadd.s32 $0xFFFFE000  }
0x5a: {  	[tilespmem:s14], [sflag:$0x2] =	stream.indirect.gather [hbm4b:s4+s12], $0x40, s10, s12, $0xb8;
	[tilespmem:$0x1E500] =	vst v63  }
0x5b: {  	_ =	swait.ge [sflag:s29], $0x2000  }
0x5c: {  	[sflag:s29] =	ssyncset.done $0x0  }
0x5d: {  	s1 =	simm.s32 $0x380;
	[sflag:s29] =	ssyncadd.s32 $0xFFFFE000  }
0x5e: {  	[tilespmem:s16], [sflag:$0x3] =	stream.indirect.gather [hbm4b:s4+s12], $0x40, s1, s12, $0xb8;
	[tilespmem:$0x1E500] =	vst v63  }
0x5f: {  	_ =	swait.ge [sflag:s30], $0x2000  }
0x60: {  	[sflag:s30] =	ssyncset.done $0x0  }
0x61: {  	s10 =	simm.s32 $0x400;
	[sflag:s30] =	ssyncadd.s32 $0xFFFFE000  }
0x62: {  	[tilespmem:s18], [sflag:$0x4] =	stream.indirect.gather [hbm4b:s4+s12], $0x40, s10, s12, $0xb8;
	[tilespmem:$0x1E500] =	vst v63  }
0x63: {  	_ =	swait.ge [sflag:s31], $0x2000  }
0x64: {  	[sflag:s31] =	ssyncset.done $0x0  }
0x65: {  	s0 =	simm.s32 $0xA00;
	s1 =	simm.s32 $0x480;
	[sflag:s31] =	ssyncadd.s32 $0xFFFFE000  }
.LBB2_6:
0x66: {  	[tilespmem:s20], [sflag:$0x5] =	stream.indirect.gather [hbm4b:s4+s12], $0x40, s1, s12, $0xb8;
	[tilespmem:$0x1E500] =	vst v63  }
0x67: {  	s1 =	smov.u32 s0  }
0x68: {  	p2 =	sne.s32 s0, $0x13600;
	s0 =	sadd.s32 $0xA00, s0;
	_ =	swait.ge [sflag:s21], $0x2000  }
0x69: {  	s1 =	sshra.s32 s1, $0x2;
	[sflag:s21] =	ssyncset.done $0x0  }
0x6a: {  	s10 =	sadd.s32 $0x5280, s1;
	[sflag:s21] =	ssyncadd.s32 $0xFFFFE000  }
0x6b: {  	[spmem:s2] =	stream.indirect.scatter.add.f32 [tilespmem:s13], [sflag:$0x6], $0x40, s10, s12, $0xb8;
	[tilespmem:$0x1E500] =	vst v63  }
0x6c: {  	_ =	swait.ge [sflag:s22], $0x2000  }
0x6d: {  	[sflag:s22] =	ssyncset.done $0x0  }
0x6e: {  	s10 =	sadd.s32 $0x5300, s1;
	[sflag:s22] =	ssyncadd.s32 $0xFFFFE000  }
0x6f: {  	[spmem:s2] =	stream.indirect.scatter.add.f32 [tilespmem:s14], [sflag:$0x7], $0x40, s10, s12, $0xb8;
	[tilespmem:$0x1E500] =	vst v63  }
0x70: {  	_ =	swait.ge [sflag:s23], $0x2000  }
0x71: {  	[sflag:s23] =	ssyncset.done $0x0  }
0x72: {  	s10 =	sadd.s32 $0x5380, s1;
	[sflag:s23] =	ssyncadd.s32 $0xFFFFE000  }
0x73: {  	[spmem:s2] =	stream.indirect.scatter.add.f32 [tilespmem:s16], [sflag:$0x8], $0x40, s10, s12, $0xb8;
	[tilespmem:$0x1E500] =	vst v63  }
0x74: {  	_ =	swait.ge [sflag:s24], $0x2000  }
0x75: {  	[sflag:s24] =	ssyncset.done $0x0  }
0x76: {  	s10 =	sadd.s32 $0x5400, s1;
	[sflag:s24] =	ssyncadd.s32 $0xFFFFE000  }
0x77: {  	[spmem:s2] =	stream.indirect.scatter.add.f32 [tilespmem:s18], [sflag:$0x9], $0x40, s10, s12, $0xb8;
	[tilespmem:$0x1E500] =	vst v63  }
0x78: {  	_ =	swait.ge [sflag:s25], $0x2000  }
0x79: {  	[sflag:s25] =	ssyncset.done $0x0  }
0x7a: {  	s10 =	sadd.s32 $0x5480, s1;
	[sflag:s25] =	ssyncadd.s32 $0xFFFFE000  }
0x7b: {  	[spmem:s2] =	stream.indirect.scatter.add.f32 [tilespmem:s20], [sflag:$0xA], $0x40, s10, s12, $0xb8;
	[tilespmem:$0x1E500] =	vst v63  }
0x7c: {  	_ =	swait.ge [sflag:s26], $0x2000  }
0x7d: {  	[sflag:s26] =	ssyncset.done $0x0  }
0x7e: {  	s10 =	sadd.s32 $0x280, s1;
	[sflag:s26] =	ssyncadd.s32 $0xFFFFE000  }
0x7f: {  	[tilespmem:s13], [sflag:$0x1] =	stream.indirect.gather [hbm4b:s4+s12], $0x40, s10, s12, $0xb8;
	[tilespmem:$0x1E500] =	vst v63  }
0x80: {  	_ =	swait.ge [sflag:s28], $0x2000  }
0x81: {  	[sflag:s28] =	ssyncset.done $0x0  }
0x82: {  	s10 =	sadd.s32 $0x300, s1;
	[sflag:s28] =	ssyncadd.s32 $0xFFFFE000  }
0x83: {  	[tilespmem:s14], [sflag:$0x2] =	stream.indirect.gather [hbm4b:s4+s12], $0x40, s10, s12, $0xb8;
	[tilespmem:$0x1E500] =	vst v63  }
0x84: {  	_ =	swait.ge [sflag:s29], $0x2000  }
0x85: {  	[sflag:s29] =	ssyncset.done $0x0  }
0x86: {  	s10 =	sadd.s32 $0x380, s1;
	[sflag:s29] =	ssyncadd.s32 $0xFFFFE000  }
0x87: {  	[tilespmem:s16], [sflag:$0x3] =	stream.indirect.gather [hbm4b:s4+s12], $0x40, s10, s12, $0xb8;
	[tilespmem:$0x1E500] =	vst v63  }
0x88: {  	_ =	swait.ge [sflag:s30], $0x2000  }
0x89: {  	[sflag:s30] =	ssyncset.done $0x0  }
.Ltmp2:
0x8a: {  	s10 =	sadd.s32 $0x400, s1;
	[sflag:s30] =	ssyncadd.s32 $0xFFFFE000;
	(pc) =	sbr.rel @p2 .LBB2_6-.Ltmp2, $4  }
0x8b: {  	[tilespmem:s18], [sflag:$0x4] =	stream.indirect.gather [hbm4b:s4+s12], $0x40, s10, s12, $0xb8;
	[tilespmem:$0x1E500] =	vst v63  }
0x8c: {  	_ =	swait.ge [sflag:s31], $0x2000  }
0x8d: {  	[sflag:s31] =	ssyncset.done $0x0  }
0x8e: {  	s1 =	sadd.s32 $0x480, s1;
	[sflag:s31] =	ssyncadd.s32 $0xFFFFE000  }
0x8f: {  	[tilespmem:s20], [sflag:$0x5] =	stream.indirect.gather [hbm4b:s4+s12], $0x40, s1, s12, $0xb8;
	[tilespmem:$0x1E500] =	vst v63  }
0x90: {  	_ =	swait.ge [sflag:s21], $0x2000  }
0x91: {  	[sflag:s21] =	ssyncset.done $0x0  }
0x92: {  	s0 =	simm.s32 $0xA280;
	[sflag:s21] =	ssyncadd.s32 $0xFFFFE000  }
0x93: {  	[spmem:s2] =	stream.indirect.scatter.add.f32 [tilespmem:s13], [sflag:$0x6], $0x40, s0, s12, $0xb8;
	[tilespmem:$0x1E500] =	vst v63  }
0x94: {  	_ =	swait.ge [sflag:s22], $0x2000  }
0x95: {  	[sflag:s22] =	ssyncset.done $0x0  }
0x96: {  	s1 =	simm.s32 $0xA300;
	[sflag:s22] =	ssyncadd.s32 $0xFFFFE000  }
0x97: {  	[spmem:s2] =	stream.indirect.scatter.add.f32 [tilespmem:s14], [sflag:$0x7], $0x40, s1, s12, $0xb8;
	[tilespmem:$0x1E500] =	vst v63  }
0x98: {  	_ =	swait.ge [sflag:s23], $0x2000  }
0x99: {  	[sflag:s23] =	ssyncset.done $0x0  }
0x9a: {  	s10 =	simm.s32 $0xA380;
	[sflag:s23] =	ssyncadd.s32 $0xFFFFE000  }
0x9b: {  	[spmem:s2] =	stream.indirect.scatter.add.f32 [tilespmem:s16], [sflag:$0x8], $0x40, s10, s12, $0xb8;
	[tilespmem:$0x1E500] =	vst v63  }
0x9c: {  	_ =	swait.ge [sflag:s24], $0x2000  }
0x9d: {  	[sflag:s24] =	ssyncset.done $0x0  }
0x9e: {  	[sflag:s24] =	ssyncadd.s32 $0xFFFFE000  }
0x9f: {  	[spmem:s2] =	stream.indirect.scatter.add.f32 [tilespmem:s18], [sflag:$0x9], $0x40, s15, s12, $0xb8;
	[tilespmem:$0x1E500] =	vst v63  }
0xa0: {  	_ =	swait.ge [sflag:s25], $0x2000  }
0xa1: {  	[sflag:s25] =	ssyncset.done $0x0  }
0xa2: {  	[sflag:s25] =	ssyncadd.s32 $0xFFFFE000  }
0xa3: {  	[spmem:s2] =	stream.indirect.scatter.add.f32 [tilespmem:s20], [sflag:$0xA], $0x40, s17, s12, $0xb8;
	[tilespmem:$0x1E500] =	vst v63  }
0xa4: {  	_ =	swait.ge [sflag:s26], $0x2000  }
0xa5: {  	[sflag:s26] =	ssyncset.done $0x0  }
0xa6: {  	[sflag:s26] =	ssyncadd.s32 $0xFFFFE000  }
0xa7: {  	_ =	swait.ge [sflag:s28], $0x2000  }
0xa8: {  	[sflag:s28] =	ssyncset.done $0x0  }
0xa9: {  	[sflag:s28] =	ssyncadd.s32 $0xFFFFE000  }
0xaa: {  	_ =	swait.ge [sflag:s29], $0x2000  }
0xab: {  	[sflag:s29] =	ssyncset.done $0x0  }
0xac: {  	[sflag:s29] =	ssyncadd.s32 $0xFFFFE000  }
0xad: {  	_ =	swait.ge [sflag:s30], $0x2000  }
0xae: {  	[sflag:s30] =	ssyncset.done $0x0  }
0xaf: {  	[sflag:s30] =	ssyncadd.s32 $0xFFFFE000  }
0xb0: {  	_ =	swait.ge [sflag:s31], $0x2000  }
0xb1: {  	[sflag:s31] =	ssyncset.done $0x0  }
0xb2: {  	s19 =	sadd.s32 $0x1, s19;
	[sflag:s31] =	ssyncadd.s32 $0xFFFFE000  }
0xb3: {  	p2 =	sne.s32 s19, s8;
	s0 =	simm.s32 @!p0 $0x1C0B;
	[bflag:$0x0] =	sbarrier.arrive $0xFFFF  }
0xb4: {  	[hbm:s7], [sflag:s0] =	dma.local @!p0 [spmem:s11], $0x14000  }
.Ltmp3:
0xb5: {  	_ = 	snop;
	(pc) =	sbr.rel @p2 .LBB2_1-.Ltmp3, $4  }
0xb6: {  	s0 =	simm.s32 @!p0 $0xB  }
0xb7: {  	_ =	swait.ge @!p0 [sflag:s0], $0x14000  }
0xb8: {  	[sflag:s0] =	ssyncset.done @!p0 $0x0  }
0xb9: {  	[sflag:s0] =	ssyncadd.s32 @!p0 $0xFFFEC000  }
0xba: {  	_ =	sfence.sel $0x180000  }
0xbb: {  	[bflag:$0x0] =	sbarrier.arrive $0xFFFF  }
0xbc: {  	_ =	strace $0x9000004A  }
0xbd: {  	[bflag:$0x2] =	sbarrier.arrive $0xFFFF  }
0xbe: {  	s0 =	rddreg [dreg:$0x3]  }
0xbf: {  	s0 =	sadd.s32 @!p0 $0x100000, s0  }
0xc0: {  	[sflag:s0] =	ssyncadd.tile.s32 @!p0 $0x1;
	_ =	shalt  }
.Lfunc_end2:
_tile_overlayer_lowered:
.L_overlay_start_2:
0xc1: {  	(tag) =	ssettag $0x2  }
0xc2: {  	s0 =	rddreg [dreg:$0x0];
	s2 =	stileid.u32  }
0xc3: {  	s1 =	rddreg [dreg:$0x1];
	p0 =	sne.s32 s2, $0x0  }
0xc4: {  	s3 =	rddreg [dreg:$0x2];
	[bflag:$0x3] =	sbarrier.arrive $0xFFFF;
	s2 =	simm.s32 @!p0 $0x1C0B  }
0xc5: {  	[timem:s3], [sflag:s2] =	dma.local @!p0 [hbm:s0], s1  }
0xc6: {  	s0 =	simm.s32 @!p0 $0xB  }
0xc7: {  	_ =	swait.ge @!p0 [sflag:s0], s1  }
0xc8: {  	s1 =	ssub.s32 @!p0 $0x0, s1;
	[sflag:s0] =	ssyncset.done @!p0 $0x0  }
0xc9: {  	[sflag:s0] =	ssyncadd.s32 @!p0 s1  }
0xca: {  	[bflag:$0x3] =	sbarrier.arrive $0xFFFF  }
0xcb: {  	_ =	shalt  }

// kernel: kernel.15.cloned.1.call-start
scs
__scs_entry_jumppad:
0x0: {  	(pc) =	sbr.rel $0x88, $3  }
0x1: {  	(tag) =	ssettag $0x0;
	lr =	simm.s32 $0x1  }
0x2: {  	[smem:$0x3F9B] =	sst lr;
	_ =	strace $0xD0000000  }
0x3: {  	_ = 	snop  }
0x4: {  	_ = 	snop  }
0x5: {  	_ = 	snop  }
0x6: {  	_ = 	snop  }
0x7: {  	_ = 	snop  }
__scs_overlays_trampoline_lowered:
0x8: {  	[smem:$0x3FAA] =	sst s0  }
0x9: {  	[smem:$0x3FAB] =	sst s1  }
0xa: {  	[smem:$0x3FAC] =	sst s2  }
0xb: {  	[smem:$0x3FAD] =	sst s3  }
0xc: {  	[smem:$0x3FAE] =	sst s4  }
0xd: {  	[smem:$0x3FAF] =	sst s5  }
0xe: {  	[smem:$0x3FB0] =	sst s6  }
0xf: {  	[smem:$0x3FB1] =	sst s7  }
0x10: {  	[smem:$0x3FB2] =	sst s8  }
0x11: {  	[smem:$0x3FB3] =	sst s9;
	s0 =	simm.s32 @!p0 $0x0  }
0x12: {  	s1 =	sld [smem:$0x3F99];
	s0 =	simm.s32 @p0 $0x1  }
0x13: {  	[smem:$0x3FB4] =	sst s0;
	s0 =	simm.s32 @!p1 $0x0  }
0x14: {  	s2 =	sld [smem:$0x3F98];
	s0 =	simm.s32 @p1 $0x1  }
0x15: {  	[smem:$0x3FB5] =	sst s0;
	s0 =	simm.s32 @!p2 $0x0  }
0x16: {  	s3 =	sld [smem:$0x3FDB];
	s0 =	simm.s32 @p2 $0x1  }
0x17: {  	s4 =	simm.s32 $0x1BF5;
	[smem:$0x3FB7] =	sst s0  }
0x18: {  	s0 =	sld [smem:$0x3F9A];
	_ =	swait.ge [sflag:s4], $0x0  }
0x19: {  	s7 =	sld [smem:$0x3F9B]  }
0x1a: {  	s8 =	sadd.s32 $0xFFFFE003, lr  }
0x1b: {  	s9 =	sadd.s32 $0xFFFFFEF7, lr;
	s5 =	simm.s32 $0xFFFFFFFF;
	p2 =	slt.u32 s8, $0xFFFFF086  }
0x1c: {  	p1 =	slt.u32 s9, $0xF7A;
	s5 =	simm.s32 @!p2 $0x0  }
0x1d: {  	s5 =	simm.s32 @p1 $0x1;
	p0 =	seq.s32 s7, s2  }
0x1e: {  	s7 =	smul.u32 @!p0 $0xF7A, s2;
	p2 =	seq.s32 @!p0 s5, $0x0  }
0x1f: {  	s9 =	smul.u32 $0xF7A, s1;
	s8 =	simm.s32 @!p0 $0x1BF5;
	p2 =	por !p2, p0  }
0x20: {  	[sflag:s8] =	ssyncset.s32 @!p0 $0xFFFFF086;
	s6 =	sadd.s32 @!p0 s3, s7;
	s7 =	simm.s32 @!p0 $0x108  }
0x21: {  	s3 =	sadd.s32 s3, s9;
	s6 =	sadd.s32 @!p0 $0x88, s6;
	s7 =	simm.s32 @p2 $0x1082  }
0x22: {  	[simem:s7], [sflag:s8] =	dma.local @!p0 [hbm:s6], $0xF7A  }
0x23: {  	s9 =	sor.u32 $0xD0000000, s2;
	s6 =	simm.s32 $0x108;
	_ =	swait.ge @!p0 [sflag:s8], $0x0  }
0x24: {  	s3 =	sadd.s32 $0x88, s3;
	s6 =	simm.s32 @!p1 $0x1082;
	[sflag:s4] =	ssyncset.s32 $0xFFFFF086  }
0x25: {  	[simem:s6], [sflag:s4] =	dma.local [hbm:s3], $0xF7A  }
0x26: {  	[smem:$0x3F9B] =	sst s1;
	(tag) =	ssettag s2;
	_ =	strace s9  }
0x27: {  	s1 =	sld [smem:$0x3FAB]  }
0x28: {  	s2 =	sld [smem:$0x3FAC]  }
0x29: {  	s4 =	sld [smem:$0x3FAE]  }
0x2a: {  	p0 =	seq.s32 s5, $0x0;
	s5 =	sld [smem:$0x3FAF]  }
0x2b: {  	s6 =	sld [smem:$0x3FB0]  }
0x2c: {  	s7 =	sld [smem:$0x3FB1]  }
0x2d: {  	s3 =	simm.s32 $0x108;
	s8 =	sld [smem:$0x3FB2]  }
0x2e: {  	s3 =	simm.s32 @!p0 $0x1082;
	s9 =	sld [smem:$0x3FB3]  }
0x2f: {  	lr =	sadd.s32 s0, s3;
	s0 =	sld [smem:$0x3FAA]  }
0x30: {  	s3 =	sld [smem:$0x3FAD]  }
0x31: {  	[smem:$0x3FB6] =	sst s10  }
0x32: {  	s10 =	sld [smem:$0x3FB4];
	_ =	sdelay $0x3  }
0x33: {  	p0 =	seq.s32 s10, $0x1;
	s10 =	sld [smem:$0x3FB6];
	_ =	sdelay $0x3  }
0x34: {  	[smem:$0x3FB6] =	sst s10  }
0x35: {  	s10 =	sld [smem:$0x3FB5];
	_ =	sdelay $0x3  }
0x36: {  	p1 =	seq.s32 s10, $0x1;
	s10 =	sld [smem:$0x3FB6];
	_ =	sdelay $0x3  }
0x37: {  	[smem:$0x3FB6] =	sst s10  }
0x38: {  	s10 =	sld [smem:$0x3FB7]  }
0x39: {  	_ = 	snop;
	(pc) =	sbr.ind lr, $3  }
0x3a: {  	_ = 	snop  }
0x3b: {  	_ = 	snop  }
0x3c: {  	p2 =	seq.s32 s10, $0x1;
	s10 =	sld [smem:$0x3FB6]  }
0x3d: {  	_ =	shalt  }
0x3e: {  	_ =	shalt  }
0x3f: {  	_ =	shalt  }
0x40: {  	_ =	shalt  }
0x41: {  	_ =	shalt  }
0x42: {  	_ =	shalt  }
0x43: {  	_ =	shalt  }
0x44: {  	_ =	shalt  }
0x45: {  	_ =	shalt  }
0x46: {  	_ =	shalt  }
0x47: {  	_ =	shalt  }
0x48: {  	_ =	shalt  }
0x49: {  	_ =	shalt  }
0x4a: {  	_ =	shalt  }
0x4b: {  	_ =	shalt  }
0x4c: {  	_ =	shalt  }
0x4d: {  	_ =	shalt  }
0x4e: {  	_ =	shalt  }
0x4f: {  	_ =	shalt  }
0x50: {  	_ =	shalt  }
0x51: {  	_ =	shalt  }
0x52: {  	_ =	shalt  }
0x53: {  	_ =	shalt  }
0x54: {  	_ =	shalt  }
0x55: {  	_ =	shalt  }
0x56: {  	_ =	shalt  }
0x57: {  	_ =	shalt  }
0x58: {  	_ =	shalt  }
0x59: {  	_ =	shalt  }
0x5a: {  	_ =	shalt  }
0x5b: {  	_ =	shalt  }
0x5c: {  	_ =	shalt  }
0x5d: {  	_ =	shalt  }
0x5e: {  	_ =	shalt  }
0x5f: {  	_ =	shalt  }
0x60: {  	_ =	shalt  }
0x61: {  	_ =	shalt  }
0x62: {  	_ =	shalt  }
0x63: {  	_ =	shalt  }
0x64: {  	_ =	shalt  }
0x65: {  	_ =	shalt  }
0x66: {  	_ =	shalt  }
0x67: {  	_ =	shalt  }
0x68: {  	_ =	shalt  }
0x69: {  	_ =	shalt  }
0x6a: {  	_ =	shalt  }
0x6b: {  	_ =	shalt  }
0x6c: {  	_ =	shalt  }
0x6d: {  	_ =	shalt  }
0x6e: {  	_ =	shalt  }
0x6f: {  	_ =	shalt  }
0x70: {  	_ =	shalt  }
0x71: {  	_ =	shalt  }
0x72: {  	_ =	shalt  }
0x73: {  	_ =	shalt  }
0x74: {  	_ =	shalt  }
0x75: {  	_ =	shalt  }
0x76: {  	_ =	shalt  }
0x77: {  	_ =	shalt  }
0x78: {  	_ =	shalt  }
0x79: {  	_ =	shalt  }
0x7a: {  	_ =	shalt  }
0x7b: {  	_ =	shalt  }
0x7c: {  	_ =	shalt  }
0x7d: {  	_ =	shalt  }
0x7e: {  	_ =	shalt  }
0x7f: {  	_ =	shalt  }
0x80: {  	_ =	shalt  }
0x81: {  	_ =	shalt  }
0x82: {  	_ =	shalt  }
0x83: {  	_ =	shalt  }
0x84: {  	_ =	shalt  }
0x85: {  	_ =	shalt  }
0x86: {  	_ =	shalt  }
0x87: {  	_ =	shalt  }
.Lfunc_end0:
.L_simem_size_0:
called_computation.2_lowered:
.L_overlay_start_0:
0x88: {  	s2 =	sld [smem:$0x3FD9]  }
0x89: {  	s3 =	sld [smem:$0x3FFE];
	_ =	sdelay $0x1  }
0x8a: {  	s1 =	srdreg.scid  }
0x8b: {  	s0 =	sand.u32 $0x1, s1  }
0x8c: {  	s17 =	sshll.u32 s0, $0xA;
	s2 =	sadd.s32 s3, s2  }
0x8d: {  	s2 =	sadd.s32 s2, s17  }
0x8e: {  	[smem:$0x3FC2] =	sst s2  }
0x8f: {  	_ = 	snop  }
0x90: {  	s2 =	sld [smem:$0x3FD0];
	(tm) =	ssettm $0x1  }
0x91: {  	s18 =	sld [smem:$0x3FFB];
	_ =	sdelay $0x3  }
0x92: {  	_ =	strace s18  }
0x93: {  	s3 =	sld [smem:$0x3FFC];
	_ =	sdelay $0x3  }
0x94: {  	_ =	strace s3  }
0x95: {  	s3 =	sld [smem:$0x3FFD];
	_ =	sdelay $0x3  }
0x96: {  	_ =	strace s3  }
0x97: {  	_ =	strace $0x8FFFFFFF  }
0x98: {  	s19 =	sld [smem:$0x3FDB];
	_ =	sdelay $0x1  }
0x99: {  	s4 =	simm.s32 $_scs_section_size  }
0x9a: {  	s5 =	simm.s32 $_size__tile_overlayer_lowered;
	s6 =	simm.s32 $_tile_overlayer_lowered  }
0x9b: {  	s22 =	simm.s32 $0x1BFF;
	s21 =	sshll.u32 s6, $0x1;
	s3 =	sadd.s32 s4, s19  }
0x9c: {  	s7 =	simm.s32 $0x0;
	s20 =	sshll.u32 s5, $0x1;
	s5 =	sadd.s32 s21, s3  }
0x9d: {  	[timem:s7], [sflag:s22] =	dma.local [hbm:s5], s20  }
0x9e: {  	_ =	swait.ge [sflag:s22], s20  }
0x9f: {  	s4 =	ssub.s32 $0x0, s20;
	[sflag:s22] =	ssyncset.done $0x0  }
0xa0: {  	[sflag:s22] =	ssyncadd.s32 s4;
	_ =	sdelay $0x1  }
0xa1: {  	s23 =	simm.s32 $0x1B8B  }
0xa2: {  	_ =	swait.ge [sflag:s23], $0x1  }
0xa3: {  	[sflag:s23] =	ssyncset.done $0x0  }
0xa4: {  	s25 =	simm.s32 $0x1B8E;
	s24 =	sld [smem:$0x3FFE];
	[sflag:s23] =	ssyncadd.s32 $0xFFFFFFFF  }
0xa5: {  	s26 =	simm.s32 $execute0_lowered;
	[smem:$0x3FD2] =	sst s25  }
0xa6: {  	s5 =	sshll.u32 s26, $0x1;
	_ =	strace $0x8000004C;
	[dreg:$0x1] =	wrdreg $0xFFFFFFFF  }
0xa7: {  	s28 =	simm.s32 $_size_execute0_lowered;
	s3 =	sadd.s32 s3, s5;
	[dreg:$0x0] =	wrdreg $0x0  }
0xa8: {  	s5 =	sshll.u32 s28, $0x1;
	[dreg:$0x2] =	wrdreg s3  }
0xa9: {  	[dreg:$0x3] =	wrdreg s5  }
0xaa: {  	[dreg:$0x4] =	wrdreg $0xC0  }
0xab: {  	_ =	task [dreg:s7], $0x5FFFF  }
0xac: {  	[dreg:$0x1] =	wrdreg $0xFFFFFFFF  }
0xad: {  	[dreg:$0x0] =	wrdreg $0x60  }
0xae: {  	[dreg:$0x2] =	wrdreg s24  }
0xaf: {  	[dreg:$0x3] =	wrdreg s2  }
0xb0: {  	[dreg:$0x4] =	wrdreg $0x145000  }
0xb1: {  	[dreg:$0x5] =	wrdreg $0x9  }
0xb2: {  	_ =	task.clear_ibuf [dreg:s7], $0x6FFFF;
	_ =	strace $0x9000004C  }
0xb3: {  	s29 =	simm.s32 $0x9;
	_ =	strace $0x8000004E  }
0xb4: {  	_ =	swait.ge [sflag:s29], $0x1  }
0xb5: {  	[sflag:s29] =	ssyncadd.s32 $0xFFFFFFFF  }
0xb6: {  	_ =	strace $0x9000004E  }
0xb7: {  	_ =	sfence  }
0xb8: {  	s30 =	sld [smem:$0x0];
	_ =	sdelay $0x2  }
0xb9: {  	s31 =	sshll.u32 s1, $0xD;
	s1 =	sshrl.u32 s1, $0x2  }
0xba: {  	s3 =	sand.u32 $0x4000, s31;
	s1 =	sadd.s32 s1, s30  }
0xbb: {  	s0 =	sor.u32 s3, s0;
	s1 =	sshll.u32 s1, $0x11  }
0xbc: {  	s0 =	sor.u32 s1, s0  }
0xbd: {  	s0 =	sadd.s32 $0x8F2B, s0  }
0xbe: {  	[sflag:s0] =	ssyncadd.remote.s32 $0x1  }
0xbf: {  	_ =	sfence.sel $0xFFFF  }
0xc0: {  	[dreg:$0x0] =	wrdreg $0xFFFFFFFF;
	(pc) =	sbr.abs _section_cstart, $3  }
0xc1: {  	[dreg:$0x1] =	wrdreg $0xFFFFFFFF  }
0xc2: {  	_ =	task.clear_ibuf [dreg:s7], $0x2FFFF;
	_ =	strace $0x9FFFFFFF  }
0xc3: {  	(tm) =	ssettm $0x7FFFFFFF  }
tec
execute0_lowered:
.L_overlay_start_1:
0x0: {  	(tag) =	ssettag $0x1  }
0x1: {  	s0 =	rddreg [dreg:$0x0]  }
0x2: {  	s2 =	rddreg [dreg:$0x2];
	s3 =	simm.s32 $0x0;
	s1 =	stileid.u32  }
0x3: {  	s4 =	srdreg.scid;
	s12 =	simm.s32 $0x80;
	s13 =	simm.s32 $0xA500  }
0x4: {  	s14 =	simm.s32 $0xC500;
	s16 =	simm.s32 $0xE500;
	s18 =	simm.s32 $0x10500  }
0x5: {  	s20 =	simm.s32 $0x12500;
	s21 =	simm.s32 $0x1;
	s22 =	simm.s32 $0x2  }
0x6: {  	s23 =	simm.s32 $0x3;
	s24 =	simm.s32 $0x4;
	s25 =	simm.s32 $0x5  }
0x7: {  	s28 =	simm.s32 $0x7;
	s29 =	simm.s32 $0x8;
	s30 =	simm.s32 $0x9  }
0x8: {  	s31 =	simm.s32 $0xA;
	s15 =	simm.s32 $0xA400;
	s17 =	simm.s32 $0xA480  }
0x9: {  	s19 =	simm.s32 $0x0;
	[smem:$0x7FF] =	sst s3;
	s5 =	smul.u32 $0xA50, s1  }
0xa: {  	s9 =	sand.u32 $0x1, s4;
	s4 =	sadd.s32 $0x16E00, s0;
	p0 =	sne.s32 s1, $0x0  }
0xb: {  	_ =	strace $0x8000004D;
	s6 =	smul.u32 $0x14000, s9;
	s7 =	ssub.s32 $0x2, s9  }
0xc: {  	p1 =	seq.s32 s9, $0x0;
	s9 =	simm.s32 $0xB;
	s11 =	sshrl.u32 @!p0 s2, $0x3  }
0xd: {  	s8 =	sadd.s32 s5, s0;
	s26 =	sshrl.u32 s7, $0x1;
	s0 =	sadd.s32 s6, s0  }
0xe: {  	s10 =	ssub.s32 s7, s26;
	s5 =	sadd.s32 $0xC800, s8;
	s6 =	sadd.s32 $0x2200, s8  }
0xf: {  	s26 =	simm.s32 $0x6;
	s7 =	sadd.s32 $0x3EE00, s0;
	s8 =	smax.u32 s10, $0x1  }
.LBB2_1:
0x10: {  	[tilespmem:s3], [sflag:$0xB] =	stream.linear.gather [hbm4b:s5+s3], $0x5280, $0x38;
	[tilespmem:$0x1E500] =	vst v63  }
0x11: {  	_ =	swait.ge [sflag:s9], $0x5280  }
0x12: {  	[sflag:s9] =	ssyncset.done $0x0  }
.Ltmp0:
0x13: {  	s0 =	simm.s32 $0x5280;
	[sflag:s9] =	ssyncadd.s32 $0xFFFFAD80;
	(pc) =	sbr.rel @p1 .LBB2_5-.Ltmp0, $4  }
0x14: {  	[tilespmem:s0], [sflag:$0xB] =	stream.linear.gather [hbm4b:s6+s3], $0x5280, $0x38;
	[tilespmem:$0x1E500] =	vst v63  }
0x15: {  	_ =	swait.ge [sflag:s9], $0x5280  }
0x16: {  	[sflag:s9] =	ssyncset.done $0x0  }
0x17: {  	[sflag:s9] =	ssyncadd.s32 $0xFFFFAD80  }
0x18: {  	s0 =	simm.s32 $0x0  }
0x19: {  	v2 =	vld [tilespmem:s0+$0x0]  }
0x1a: {  	v4 =	vld [tilespmem:s0+$0x10]  }
0x1b: {  	v3 =	vld [tilespmem:s0+$0x20]  }
0x1c: {  	v1 =	vld [tilespmem:s0+$0x30]  }
0x1d: {  	v0 =	vld [tilespmem:s0+$0x40]  }
0x1e: {  	v5 =	vadd.s32 $0x1, v2;
	v2 =	vld [tilespmem:s0+$0x50]  }
0x1f: {  	s1 =	simm.s32 $0x200;
	[tilespmem:s0+$0x0] =	vst v5;
	v5 =	vadd.s32 $0x1, v4;
	v4 =	vld [tilespmem:s0+$0x60]  }
.LBB2_3:
0x20: {  	s10 =	sshra.s32 s1, $0x2;
	p2 =	sne.s32 s1, $0x14800;
	[tilespmem:s0+$0x10] =	vst v5;
	v3 =	vadd.s32 $0x1, v3;
	v5 =	vld [tilespmem:s0+$0x70]  }
0x21: {  	v6 =	vld [tilespmem:s10+$0x0];
	[tilespmem:s0+$0x20] =	vst v3;
	v1 =	vadd.s32 $0x1, v1  }
0x22: {  	v7 =	vld [tilespmem:s10+$0x10];
	[tilespmem:s0+$0x30] =	vst v1;
	v0 =	vadd.s32 $0x1, v0  }
.Ltmp1:
0x23: {  	v3 =	vld [tilespmem:s10+$0x20];
	[tilespmem:s0+$0x40] =	vst v0;
	v0 =	vadd.s32 $0x1, v2;
	(pc) =	sbr.rel @p2 .LBB2_3-.Ltmp1, $4  }
0x24: {  	v1 =	vld [tilespmem:s10+$0x30];
	[tilespmem:s0+$0x50] =	vst v0;
	v2 =	vadd.s32 $0x1, v4  }
0x25: {  	v0 =	vld [tilespmem:s10+$0x40];
	[tilespmem:s0+$0x60] =	vst v2;
	v4 =	vadd.s32 $0x1, v5  }
0x26: {  	v5 =	vadd.s32 $0x1, v6;
	v2 =	vld [tilespmem:s10+$0x50];
	[tilespmem:s0+$0x70] =	vst v4;
	s0 =	smov.u32 s10  }
0x27: {  	s1 =	sadd.s32 $0x200, s1;
	[tilespmem:s0+$0x0] =	vst v5;
	v5 =	vadd.s32 $0x1, v7;
	v4 =	vld [tilespmem:s0+$0x60]  }
0x28: {  	[tilespmem:s0+$0x10] =	vst v5;
	v3 =	vadd.s32 $0x1, v3;
	v60 =	vld [tilespmem:s0+$0x70]  }
0x29: {  	[tilespmem:s0+$0x20] =	vst v3;
	v1 =	vadd.s32 $0x1, v1  }
0x2a: {  	[tilespmem:s0+$0x30] =	vst v1;
	v0 =	vadd.s32 $0x1, v0  }
0x2b: {  	[tilespmem:s0+$0x40] =	vst v0;
	v61 =	vadd.s32 $0x1, v2  }
0x2c: {  	[tilespmem:s0+$0x50] =	vst v61;
	v62 =	vadd.s32 $0x1, v4  }
0x2d: {  	[tilespmem:s0+$0x60] =	vst v62;
	v63 =	vadd.s32 $0x1, v60  }
0x2e: {  	[tilespmem:s0+$0x70] =	vst v63  }
.LBB2_5:
0x2f: {  	s0 =	simm.s32 @!p0 $0x1C0B;
	s1 =	rddreg [dreg:$0x1]  }
0x30: {  	[spmem:s11], [sflag:s0] =	dma.local @!p0 [hbm:s1], $0x14000  }
0x31: {  	s0 =	simm.s32 @!p0 $0xB  }
0x32: {  	_ =	swait.ge @!p0 [sflag:s0], $0x14000  }
0x33: {  	[sflag:s0] =	ssyncset.done @!p0 $0x0  }
0x34: {  	[sflag:s0] =	ssyncadd.s32 @!p0 $0xFFFEC000  }
0x35: {  	s10 =	simm.s32 $0x0;
	[bflag:$0x0] =	sbarrier.arrive $0xFFFF  }
0x36: {  	[tilespmem:s13], [sflag:$0x1] =	stream.indirect.gather [hbm4b:s4+s12], $0x40, s10, s12, $0xb8;
	[tilespmem:$0x1E500] =	vst v63  }
0x37: {  	_ = 	snop  }
0x38: {  	[tilespmem:s14], [sflag:$0x2] =	stream.indirect.gather [hbm4b:s4+s12], $0x40, s12, s12, $0xb8;
	[tilespmem:$0x1E500] =	vst v63  }
0x39: {  	s1 =	simm.s32 $0x100  }
0x3a: {  	[tilespmem:s16], [sflag:$0x3] =	stream.indirect.gather [hbm4b:s4+s12], $0x40, s1, s12, $0xb8;
	[tilespmem:$0x1E500] =	vst v63  }
0x3b: {  	s10 =	simm.s32 $0x180  }
0x3c: {  	[tilespmem:s18], [sflag:$0x4] =	stream.indirect.gather [hbm4b:s4+s12], $0x40, s10, s12, $0xb8;
	[tilespmem:$0x1E500] =	vst v63  }
0x3d: {  	s1 =	simm.s32 $0x200  }
0x3e: {  	[tilespmem:s20], [sflag:$0x5] =	stream.indirect.gather [hbm4b:s4+s12], $0x40, s1, s12, $0xb8;
	[tilespmem:$0x1E500] =	vst v63  }
0x3f: {  	_ =	swait.ge [sflag:s21], $0x2000  }
0x40: {  	[sflag:s21] =	ssyncset.done $0x0  }
0x41: {  	s10 =	simm.s32 $0x5280;
	[sflag:s21] =	ssyncadd.s32 $0xFFFFE000  }
0x42: {  	[spmem:s2] =	stream.indirect.scatter.add.f32 [tilespmem:s13], [sflag:$0x6], $0x40, s10, s12, $0xb8;
	[tilespmem:$0x1E500] =	vst v63  }
0x43: {  	_ =	swait.ge [sflag:s22], $0x2000  }
0x44: {  	[sflag:s22] =	ssyncset.done $0x0  }
0x45: {  	s1 =	simm.s32 $0x5300;
	[sflag:s22] =	ssyncadd.s32 $0xFFFFE000  }
0x46: {  	[spmem:s2] =	stream.indirect.scatter.add.f32 [tilespmem:s14], [sflag:$0x7], $0x40, s1, s12, $0xb8;
	[tilespmem:$0x1E500] =	vst v63  }
0x47: {  	_ =	swait.ge [sflag:s23], $0x2000  }
0x48: {  	[sflag:s23] =	ssyncset.done $0x0  }
0x49: {  	s10 =	simm.s32 $0x5380;
	[sflag:s23] =	ssyncadd.s32 $0xFFFFE000  }
0x4a: {  	[spmem:s2] =	stream.indirect.scatter.add.f32 [tilespmem:s16], [sflag:$0x8], $0x40, s10, s12, $0xb8;
	[tilespmem:$0x1E500] =	vst v63  }
0x4b: {  	_ =	swait.ge [sflag:s24], $0x2000  }
0x4c: {  	[sflag:s24] =	ssyncset.done $0x0  }
0x4d: {  	s1 =	simm.s32 $0x5400;
	[sflag:s24] =	ssyncadd.s32 $0xFFFFE000  }
0x4e: {  	[spmem:s2] =	stream.indirect.scatter.add.f32 [tilespmem:s18], [sflag:$0x9], $0x40, s1, s12, $0xb8;
	[tilespmem:$0x1E500] =	vst v63  }
0x4f: {  	_ =	swait.ge [sflag:s25], $0x2000  }
0x50: {  	[sflag:s25] =	ssyncset.done $0x0  }
0x51: {  	s10 =	simm.s32 $0x5480;
	[sflag:s25] =	ssyncadd.s32 $0xFFFFE000  }
0x52: {  	[spmem:s2] =	stream.indirect.scatter.add.f32 [tilespmem:s20], [sflag:$0xA], $0x40, s10, s12, $0xb8;
	[tilespmem:$0x1E500] =	vst v63  }
0x53: {  	_ =	swait.ge [sflag:s26], $0x2000  }
0x54: {  	[sflag:s26] =	ssyncset.done $0x0  }
0x55: {  	s1 =	simm.s32 $0x280;
	[sflag:s26] =	ssyncadd.s32 $0xFFFFE000  }
0x56: {  	[tilespmem:s13], [sflag:$0x1] =	stream.indirect.gather [hbm4b:s4+s12], $0x40, s1, s12, $0xb8;
	[tilespmem:$0x1E500] =	vst v63  }
0x57: {  	_ =	swait.ge [sflag:s28], $0x2000  }
0x58: {  	[sflag:s28] =	ssyncset.done $0x0  }
0x59: {  	s10 =	simm.s32 $0x300;
	[sflag:s28] =	ssyncadd.s32 $0xFFFFE000  }
0x5a: {  	[tilespmem:s14], [sflag:$0x2] =	stream.indirect.gather [hbm4b:s4+s12], $0x40, s10, s12, $0xb8;
	[tilespmem:$0x1E500] =	vst v63  }
0x5b: {  	_ =	swait.ge [sflag:s29], $0x2000  }
0x5c: {  	[sflag:s29] =	ssyncset.done $0x0  }
0x5d: {  	s1 =	simm.s32 $0x380;
	[sflag:s29] =	ssyncadd.s32 $0xFFFFE000  }
0x5e: {  	[tilespmem:s16], [sflag:$0x3] =	stream.indirect.gather [hbm4b:s4+s12], $0x40, s1, s12, $0xb8;
	[tilespmem:$0x1E500] =	vst v63  }
0x5f: {  	_ =	swait.ge [sflag:s30], $0x2000  }
0x60: {  	[sflag:s30] =	ssyncset.done $0x0  }
0x61: {  	s10 =	simm.s32 $0x400;
	[sflag:s30] =	ssyncadd.s32 $0xFFFFE000  }
0x62: {  	[tilespmem:s18], [sflag:$0x4] =	stream.indirect.gather [hbm4b:s4+s12], $0x40, s10, s12, $0xb8;
	[tilespmem:$0x1E500] =	vst v63  }
0x63: {  	_ =	swait.ge [sflag:s31], $0x2000  }
0x64: {  	[sflag:s31] =	ssyncset.done $0x0  }
0x65: {  	s0 =	simm.s32 $0xA00;
	s1 =	simm.s32 $0x480;
	[sflag:s31] =	ssyncadd.s32 $0xFFFFE000  }
.LBB2_6:
0x66: {  	[tilespmem:s20], [sflag:$0x5] =	stream.indirect.gather [hbm4b:s4+s12], $0x40, s1, s12, $0xb8;
	[tilespmem:$0x1E500] =	vst v63  }
0x67: {  	s1 =	smov.u32 s0  }
0x68: {  	p2 =	sne.s32 s0, $0x13600;
	s0 =	sadd.s32 $0xA00, s0;
	_ =	swait.ge [sflag:s21], $0x2000  }
0x69: {  	s1 =	sshra.s32 s1, $0x2;
	[sflag:s21] =	ssyncset.done $0x0  }
0x6a: {  	s10 =	sadd.s32 $0x5280, s1;
	[sflag:s21] =	ssyncadd.s32 $0xFFFFE000  }
0x6b: {  	[spmem:s2] =	stream.indirect.scatter.add.f32 [tilespmem:s13], [sflag:$0x6], $0x40, s10, s12, $0xb8;
	[tilespmem:$0x1E500] =	vst v63  }
0x6c: {  	_ =	swait.ge [sflag:s22], $0x2000  }
0x6d: {  	[sflag:s22] =	ssyncset.done $0x0  }
0x6e: {  	s10 =	sadd.s32 $0x5300, s1;
	[sflag:s22] =	ssyncadd.s32 $0xFFFFE000  }
0x6f: {  	[spmem:s2] =	stream.indirect.scatter.add.f32 [tilespmem:s14], [sflag:$0x7], $0x40, s10, s12, $0xb8;
	[tilespmem:$0x1E500] =	vst v63  }
0x70: {  	_ =	swait.ge [sflag:s23], $0x2000  }
0x71: {  	[sflag:s23] =	ssyncset.done $0x0  }
0x72: {  	s10 =	sadd.s32 $0x5380, s1;
	[sflag:s23] =	ssyncadd.s32 $0xFFFFE000  }
0x73: {  	[spmem:s2] =	stream.indirect.scatter.add.f32 [tilespmem:s16], [sflag:$0x8], $0x40, s10, s12, $0xb8;
	[tilespmem:$0x1E500] =	vst v63  }
0x74: {  	_ =	swait.ge [sflag:s24], $0x2000  }
0x75: {  	[sflag:s24] =	ssyncset.done $0x0  }
0x76: {  	s10 =	sadd.s32 $0x5400, s1;
	[sflag:s24] =	ssyncadd.s32 $0xFFFFE000  }
0x77: {  	[spmem:s2] =	stream.indirect.scatter.add.f32 [tilespmem:s18], [sflag:$0x9], $0x40, s10, s12, $0xb8;
	[tilespmem:$0x1E500] =	vst v63  }
0x78: {  	_ =	swait.ge [sflag:s25], $0x2000  }
0x79: {  	[sflag:s25] =	ssyncset.done $0x0  }
0x7a: {  	s10 =	sadd.s32 $0x5480, s1;
	[sflag:s25] =	ssyncadd.s32 $0xFFFFE000  }
0x7b: {  	[spmem:s2] =	stream.indirect.scatter.add.f32 [tilespmem:s20], [sflag:$0xA], $0x40, s10, s12, $0xb8;
	[tilespmem:$0x1E500] =	vst v63  }
0x7c: {  	_ =	swait.ge [sflag:s26], $0x2000  }
0x7d: {  	[sflag:s26] =	ssyncset.done $0x0  }
0x7e: {  	s10 =	sadd.s32 $0x280, s1;
	[sflag:s26] =	ssyncadd.s32 $0xFFFFE000  }
0x7f: {  	[tilespmem:s13], [sflag:$0x1] =	stream.indirect.gather [hbm4b:s4+s12], $0x40, s10, s12, $0xb8;
	[tilespmem:$0x1E500] =	vst v63  }
0x80: {  	_ =	swait.ge [sflag:s28], $0x2000  }
0x81: {  	[sflag:s28] =	ssyncset.done $0x0  }
0x82: {  	s10 =	sadd.s32 $0x300, s1;
	[sflag:s28] =	ssyncadd.s32 $0xFFFFE000  }
0x83: {  	[tilespmem:s14], [sflag:$0x2] =	stream.indirect.gather [hbm4b:s4+s12], $0x40, s10, s12, $0xb8;
	[tilespmem:$0x1E500] =	vst v63  }
0x84: {  	_ =	swait.ge [sflag:s29], $0x2000  }
0x85: {  	[sflag:s29] =	ssyncset.done $0x0  }
0x86: {  	s10 =	sadd.s32 $0x380, s1;
	[sflag:s29] =	ssyncadd.s32 $0xFFFFE000  }
0x87: {  	[tilespmem:s16], [sflag:$0x3] =	stream.indirect.gather [hbm4b:s4+s12], $0x40, s10, s12, $0xb8;
	[tilespmem:$0x1E500] =	vst v63  }
0x88: {  	_ =	swait.ge [sflag:s30], $0x2000  }
0x89: {  	[sflag:s30] =	ssyncset.done $0x0  }
.Ltmp2:
0x8a: {  	s10 =	sadd.s32 $0x400, s1;
	[sflag:s30] =	ssyncadd.s32 $0xFFFFE000;
	(pc) =	sbr.rel @p2 .LBB2_6-.Ltmp2, $4  }
0x8b: {  	[tilespmem:s18], [sflag:$0x4] =	stream.indirect.gather [hbm4b:s4+s12], $0x40, s10, s12, $0xb8;
	[tilespmem:$0x1E500] =	vst v63  }
0x8c: {  	_ =	swait.ge [sflag:s31], $0x2000  }
0x8d: {  	[sflag:s31] =	ssyncset.done $0x0  }
0x8e: {  	s1 =	sadd.s32 $0x480, s1;
	[sflag:s31] =	ssyncadd.s32 $0xFFFFE000  }
0x8f: {  	[tilespmem:s20], [sflag:$0x5] =	stream.indirect.gather [hbm4b:s4+s12], $0x40, s1, s12, $0xb8;
	[tilespmem:$0x1E500] =	vst v63  }
0x90: {  	_ =	swait.ge [sflag:s21], $0x2000  }
0x91: {  	[sflag:s21] =	ssyncset.done $0x0  }
0x92: {  	s0 =	simm.s32 $0xA280;
	[sflag:s21] =	ssyncadd.s32 $0xFFFFE000  }
0x93: {  	[spmem:s2] =	stream.indirect.scatter.add.f32 [tilespmem:s13], [sflag:$0x6], $0x40, s0, s12, $0xb8;
	[tilespmem:$0x1E500] =	vst v63  }
0x94: {  	_ =	swait.ge [sflag:s22], $0x2000  }
0x95: {  	[sflag:s22] =	ssyncset.done $0x0  }
0x96: {  	s1 =	simm.s32 $0xA300;
	[sflag:s22] =	ssyncadd.s32 $0xFFFFE000  }
0x97: {  	[spmem:s2] =	stream.indirect.scatter.add.f32 [tilespmem:s14], [sflag:$0x7], $0x40, s1, s12, $0xb8;
	[tilespmem:$0x1E500] =	vst v63  }
0x98: {  	_ =	swait.ge [sflag:s23], $0x2000  }
0x99: {  	[sflag:s23] =	ssyncset.done $0x0  }
0x9a: {  	s10 =	simm.s32 $0xA380;
	[sflag:s23] =	ssyncadd.s32 $0xFFFFE000  }
0x9b: {  	[spmem:s2] =	stream.indirect.scatter.add.f32 [tilespmem:s16], [sflag:$0x8], $0x40, s10, s12, $0xb8;
	[tilespmem:$0x1E500] =	vst v63  }
0x9c: {  	_ =	swait.ge [sflag:s24], $0x2000  }
0x9d: {  	[sflag:s24] =	ssyncset.done $0x0  }
0x9e: {  	[sflag:s24] =	ssyncadd.s32 $0xFFFFE000  }
0x9f: {  	[spmem:s2] =	stream.indirect.scatter.add.f32 [tilespmem:s18], [sflag:$0x9], $0x40, s15, s12, $0xb8;
	[tilespmem:$0x1E500] =	vst v63  }
0xa0: {  	_ =	swait.ge [sflag:s25], $0x2000  }
0xa1: {  	[sflag:s25] =	ssyncset.done $0x0  }
0xa2: {  	[sflag:s25] =	ssyncadd.s32 $0xFFFFE000  }
0xa3: {  	[spmem:s2] =	stream.indirect.scatter.add.f32 [tilespmem:s20], [sflag:$0xA], $0x40, s17, s12, $0xb8;
	[tilespmem:$0x1E500] =	vst v63  }
0xa4: {  	_ =	swait.ge [sflag:s26], $0x2000  }
0xa5: {  	[sflag:s26] =	ssyncset.done $0x0  }
0xa6: {  	[sflag:s26] =	ssyncadd.s32 $0xFFFFE000  }
0xa7: {  	_ =	swait.ge [sflag:s28], $0x2000  }
0xa8: {  	[sflag:s28] =	ssyncset.done $0x0  }
0xa9: {  	[sflag:s28] =	ssyncadd.s32 $0xFFFFE000  }
0xaa: {  	_ =	swait.ge [sflag:s29], $0x2000  }
0xab: {  	[sflag:s29] =	ssyncset.done $0x0  }
0xac: {  	[sflag:s29] =	ssyncadd.s32 $0xFFFFE000  }
0xad: {  	_ =	swait.ge [sflag:s30], $0x2000  }
0xae: {  	[sflag:s30] =	ssyncset.done $0x0  }
0xaf: {  	[sflag:s30] =	ssyncadd.s32 $0xFFFFE000  }
0xb0: {  	_ =	swait.ge [sflag:s31], $0x2000  }
0xb1: {  	[sflag:s31] =	ssyncset.done $0x0  }
0xb2: {  	s19 =	sadd.s32 $0x1, s19;
	[sflag:s31] =	ssyncadd.s32 $0xFFFFE000  }
0xb3: {  	p2 =	sne.s32 s19, s8;
	s0 =	simm.s32 @!p0 $0x1C0B;
	[bflag:$0x0] =	sbarrier.arrive $0xFFFF  }
0xb4: {  	[hbm:s7], [sflag:s0] =	dma.local @!p0 [spmem:s11], $0x14000  }
.Ltmp3:
0xb5: {  	_ = 	snop;
	(pc) =	sbr.rel @p2 .LBB2_1-.Ltmp3, $4  }
0xb6: {  	s0 =	simm.s32 @!p0 $0xB  }
0xb7: {  	_ =	swait.ge @!p0 [sflag:s0], $0x14000  }
0xb8: {  	[sflag:s0] =	ssyncset.done @!p0 $0x0  }
0xb9: {  	[sflag:s0] =	ssyncadd.s32 @!p0 $0xFFFEC000  }
0xba: {  	_ =	sfence.sel $0x180000  }
0xbb: {  	[bflag:$0x0] =	sbarrier.arrive $0xFFFF  }
0xbc: {  	_ =	strace $0x9000004D  }
0xbd: {  	[bflag:$0x2] =	sbarrier.arrive $0xFFFF  }
0xbe: {  	s0 =	rddreg [dreg:$0x3]  }
0xbf: {  	s0 =	sadd.s32 @!p0 $0x100000, s0  }
0xc0: {  	[sflag:s0] =	ssyncadd.tile.s32 @!p0 $0x1;
	_ =	shalt  }
.Lfunc_end2:
_tile_overlayer_lowered:
.L_overlay_start_2:
0xc1: {  	(tag) =	ssettag $0x2  }
0xc2: {  	s0 =	rddreg [dreg:$0x0];
	s2 =	stileid.u32  }
0xc3: {  	s1 =	rddreg [dreg:$0x1];
	p0 =	sne.s32 s2, $0x0  }
0xc4: {  	s3 =	rddreg [dreg:$0x2];
	[bflag:$0x3] =	sbarrier.arrive $0xFFFF;
	s2 =	simm.s32 @!p0 $0x1C0B  }
0xc5: {  	[timem:s3], [sflag:s2] =	dma.local @!p0 [hbm:s0], s1  }
0xc6: {  	s0 =	simm.s32 @!p0 $0xB  }
0xc7: {  	_ =	swait.ge @!p0 [sflag:s0], s1  }
0xc8: {  	s1 =	ssub.s32 @!p0 $0x0, s1;
	[sflag:s0] =	ssyncset.done @!p0 $0x0  }
0xc9: {  	[sflag:s0] =	ssyncadd.s32 @!p0 s1  }
0xca: {  	[bflag:$0x3] =	sbarrier.arrive $0xFFFF  }
0xcb: {  	_ =	shalt  }

// kernel: kernel.9.cloned.1.call-start
scs
__scs_entry_jumppad:
0x0: {  	(pc) =	sbr.rel $0x88, $3  }
0x1: {  	(tag) =	ssettag $0x0;
	lr =	simm.s32 $0x1  }
0x2: {  	[smem:$0x3F9B] =	sst lr;
	_ =	strace $0xD0000000  }
0x3: {  	_ = 	snop  }
0x4: {  	_ = 	snop  }
0x5: {  	_ = 	snop  }
0x6: {  	_ = 	snop  }
0x7: {  	_ = 	snop  }
__scs_overlays_trampoline_lowered:
0x8: {  	[smem:$0x3FAA] =	sst s0  }
0x9: {  	[smem:$0x3FAB] =	sst s1  }
0xa: {  	[smem:$0x3FAC] =	sst s2  }
0xb: {  	[smem:$0x3FAD] =	sst s3  }
0xc: {  	[smem:$0x3FAE] =	sst s4  }
0xd: {  	[smem:$0x3FAF] =	sst s5  }
0xe: {  	[smem:$0x3FB0] =	sst s6  }
0xf: {  	[smem:$0x3FB1] =	sst s7  }
0x10: {  	[smem:$0x3FB2] =	sst s8  }
0x11: {  	[smem:$0x3FB3] =	sst s9;
	s0 =	simm.s32 @!p0 $0x0  }
0x12: {  	s1 =	sld [smem:$0x3F99];
	s0 =	simm.s32 @p0 $0x1  }
0x13: {  	[smem:$0x3FB4] =	sst s0;
	s0 =	simm.s32 @!p1 $0x0  }
0x14: {  	s2 =	sld [smem:$0x3F98];
	s0 =	simm.s32 @p1 $0x1  }
0x15: {  	[smem:$0x3FB5] =	sst s0;
	s0 =	simm.s32 @!p2 $0x0  }
0x16: {  	s3 =	sld [smem:$0x3FDB];
	s0 =	simm.s32 @p2 $0x1  }
0x17: {  	s4 =	simm.s32 $0x1BF5;
	[smem:$0x3FB7] =	sst s0  }
0x18: {  	s0 =	sld [smem:$0x3F9A];
	_ =	swait.ge [sflag:s4], $0x0  }
0x19: {  	s7 =	sld [smem:$0x3F9B]  }
0x1a: {  	s8 =	sadd.s32 $0xFFFFE003, lr  }
0x1b: {  	s9 =	sadd.s32 $0xFFFFFEF7, lr;
	s5 =	simm.s32 $0xFFFFFFFF;
	p2 =	slt.u32 s8, $0xFFFFF086  }
0x1c: {  	p1 =	slt.u32 s9, $0xF7A;
	s5 =	simm.s32 @!p2 $0x0  }
0x1d: {  	s5 =	simm.s32 @p1 $0x1;
	p0 =	seq.s32 s7, s2  }
0x1e: {  	s7 =	smul.u32 @!p0 $0xF7A, s2;
	p2 =	seq.s32 @!p0 s5, $0x0  }
0x1f: {  	s9 =	smul.u32 $0xF7A, s1;
	s8 =	simm.s32 @!p0 $0x1BF5;
	p2 =	por !p2, p0  }
0x20: {  	[sflag:s8] =	ssyncset.s32 @!p0 $0xFFFFF086;
	s6 =	sadd.s32 @!p0 s3, s7;
	s7 =	simm.s32 @!p0 $0x108  }
0x21: {  	s3 =	sadd.s32 s3, s9;
	s6 =	sadd.s32 @!p0 $0x88, s6;
	s7 =	simm.s32 @p2 $0x1082  }
0x22: {  	[simem:s7], [sflag:s8] =	dma.local @!p0 [hbm:s6], $0xF7A  }
0x23: {  	s9 =	sor.u32 $0xD0000000, s2;
	s6 =	simm.s32 $0x108;
	_ =	swait.ge @!p0 [sflag:s8], $0x0  }
0x24: {  	s3 =	sadd.s32 $0x88, s3;
	s6 =	simm.s32 @!p1 $0x1082;
	[sflag:s4] =	ssyncset.s32 $0xFFFFF086  }
0x25: {  	[simem:s6], [sflag:s4] =	dma.local [hbm:s3], $0xF7A  }
0x26: {  	[smem:$0x3F9B] =	sst s1;
	(tag) =	ssettag s2;
	_ =	strace s9  }
0x27: {  	s1 =	sld [smem:$0x3FAB]  }
0x28: {  	s2 =	sld [smem:$0x3FAC]  }
0x29: {  	s4 =	sld [smem:$0x3FAE]  }
0x2a: {  	p0 =	seq.s32 s5, $0x0;
	s5 =	sld [smem:$0x3FAF]  }
0x2b: {  	s6 =	sld [smem:$0x3FB0]  }
0x2c: {  	s7 =	sld [smem:$0x3FB1]  }
0x2d: {  	s3 =	simm.s32 $0x108;
	s8 =	sld [smem:$0x3FB2]  }
0x2e: {  	s3 =	simm.s32 @!p0 $0x1082;
	s9 =	sld [smem:$0x3FB3]  }
0x2f: {  	lr =	sadd.s32 s0, s3;
	s0 =	sld [smem:$0x3FAA]  }
0x30: {  	s3 =	sld [smem:$0x3FAD]  }
0x31: {  	[smem:$0x3FB6] =	sst s10  }
0x32: {  	s10 =	sld [smem:$0x3FB4];
	_ =	sdelay $0x3  }
0x33: {  	p0 =	seq.s32 s10, $0x1;
	s10 =	sld [smem:$0x3FB6];
	_ =	sdelay $0x3  }
0x34: {  	[smem:$0x3FB6] =	sst s10  }
0x35: {  	s10 =	sld [smem:$0x3FB5];
	_ =	sdelay $0x3  }
0x36: {  	p1 =	seq.s32 s10, $0x1;
	s10 =	sld [smem:$0x3FB6];
	_ =	sdelay $0x3  }
0x37: {  	[smem:$0x3FB6] =	sst s10  }
0x38: {  	s10 =	sld [smem:$0x3FB7]  }
0x39: {  	_ = 	snop;
	(pc) =	sbr.ind lr, $3  }
0x3a: {  	_ = 	snop  }
0x3b: {  	_ = 	snop  }
0x3c: {  	p2 =	seq.s32 s10, $0x1;
	s10 =	sld [smem:$0x3FB6]  }
0x3d: {  	_ =	shalt  }
0x3e: {  	_ =	shalt  }
0x3f: {  	_ =	shalt  }
0x40: {  	_ =	shalt  }
0x41: {  	_ =	shalt  }
0x42: {  	_ =	shalt  }
0x43: {  	_ =	shalt  }
0x44: {  	_ =	shalt  }
0x45: {  	_ =	shalt  }
0x46: {  	_ =	shalt  }
0x47: {  	_ =	shalt  }
0x48: {  	_ =	shalt  }
0x49: {  	_ =	shalt  }
0x4a: {  	_ =	shalt  }
0x4b: {  	_ =	shalt  }
0x4c: {  	_ =	shalt  }
0x4d: {  	_ =	shalt  }
0x4e: {  	_ =	shalt  }
0x4f: {  	_ =	shalt  }
0x50: {  	_ =	shalt  }
0x51: {  	_ =	shalt  }
0x52: {  	_ =	shalt  }
0x53: {  	_ =	shalt  }
0x54: {  	_ =	shalt  }
0x55: {  	_ =	shalt  }
0x56: {  	_ =	shalt  }
0x57: {  	_ =	shalt  }
0x58: {  	_ =	shalt  }
0x59: {  	_ =	shalt  }
0x5a: {  	_ =	shalt  }
0x5b: {  	_ =	shalt  }
0x5c: {  	_ =	shalt  }
0x5d: {  	_ =	shalt  }
0x5e: {  	_ =	shalt  }
0x5f: {  	_ =	shalt  }
0x60: {  	_ =	shalt  }
0x61: {  	_ =	shalt  }
0x62: {  	_ =	shalt  }
0x63: {  	_ =	shalt  }
0x64: {  	_ =	shalt  }
0x65: {  	_ =	shalt  }
0x66: {  	_ =	shalt  }
0x67: {  	_ =	shalt  }
0x68: {  	_ =	shalt  }
0x69: {  	_ =	shalt  }
0x6a: {  	_ =	shalt  }
0x6b: {  	_ =	shalt  }
0x6c: {  	_ =	shalt  }
0x6d: {  	_ =	shalt  }
0x6e: {  	_ =	shalt  }
0x6f: {  	_ =	shalt  }
0x70: {  	_ =	shalt  }
0x71: {  	_ =	shalt  }
0x72: {  	_ =	shalt  }
0x73: {  	_ =	shalt  }
0x74: {  	_ =	shalt  }
0x75: {  	_ =	shalt  }
0x76: {  	_ =	shalt  }
0x77: {  	_ =	shalt  }
0x78: {  	_ =	shalt  }
0x79: {  	_ =	shalt  }
0x7a: {  	_ =	shalt  }
0x7b: {  	_ =	shalt  }
0x7c: {  	_ =	shalt  }
0x7d: {  	_ =	shalt  }
0x7e: {  	_ =	shalt  }
0x7f: {  	_ =	shalt  }
0x80: {  	_ =	shalt  }
0x81: {  	_ =	shalt  }
0x82: {  	_ =	shalt  }
0x83: {  	_ =	shalt  }
0x84: {  	_ =	shalt  }
0x85: {  	_ =	shalt  }
0x86: {  	_ =	shalt  }
0x87: {  	_ =	shalt  }
.Lfunc_end0:
.L_simem_size_0:
called_computation_lowered:
.L_overlay_start_0:
0x88: {  	s2 =	sld [smem:$0x3FD9]  }
0x89: {  	s3 =	sld [smem:$0x3FFE];
	_ =	sdelay $0x1  }
0x8a: {  	s1 =	srdreg.scid  }
0x8b: {  	s0 =	sand.u32 $0x1, s1  }
0x8c: {  	s17 =	sshll.u32 s0, $0xA;
	s2 =	sadd.s32 s3, s2  }
0x8d: {  	s2 =	sadd.s32 s2, s17  }
0x8e: {  	[smem:$0x3FC2] =	sst s2  }
0x8f: {  	_ = 	snop  }
0x90: {  	s2 =	sld [smem:$0x3FD0];
	(tm) =	ssettm $0x1  }
0x91: {  	s18 =	sld [smem:$0x3FFB];
	_ =	sdelay $0x3  }
0x92: {  	_ =	strace s18  }
0x93: {  	s3 =	sld [smem:$0x3FFC];
	_ =	sdelay $0x3  }
0x94: {  	_ =	strace s3  }
0x95: {  	s3 =	sld [smem:$0x3FFD];
	_ =	sdelay $0x3  }
0x96: {  	_ =	strace s3  }
0x97: {  	_ =	strace $0x8FFFFFFF  }
0x98: {  	s19 =	sld [smem:$0x3FDB];
	_ =	sdelay $0x1  }
0x99: {  	s4 =	simm.s32 $_scs_section_size  }
0x9a: {  	s5 =	simm.s32 $_size__tile_overlayer_lowered;
	s6 =	simm.s32 $_tile_overlayer_lowered  }
0x9b: {  	s22 =	simm.s32 $0x1BFF;
	s21 =	sshll.u32 s6, $0x1;
	s3 =	sadd.s32 s4, s19  }
0x9c: {  	s7 =	simm.s32 $0x0;
	s20 =	sshll.u32 s5, $0x1;
	s5 =	sadd.s32 s21, s3  }
0x9d: {  	[timem:s7], [sflag:s22] =	dma.local [hbm:s5], s20  }
0x9e: {  	_ =	swait.ge [sflag:s22], s20  }
0x9f: {  	s4 =	ssub.s32 $0x0, s20;
	[sflag:s22] =	ssyncset.done $0x0  }
0xa0: {  	[sflag:s22] =	ssyncadd.s32 s4;
	_ =	sdelay $0x1  }
0xa1: {  	s23 =	simm.s32 $0x1B8B  }
0xa2: {  	_ =	swait.ge [sflag:s23], $0x1  }
0xa3: {  	[sflag:s23] =	ssyncset.done $0x0  }
0xa4: {  	s25 =	simm.s32 $0x1B8E;
	s24 =	sld [smem:$0x3FFE];
	[sflag:s23] =	ssyncadd.s32 $0xFFFFFFFF  }
0xa5: {  	s26 =	simm.s32 $execute0_lowered;
	[smem:$0x3FD2] =	sst s25  }
0xa6: {  	s5 =	sshll.u32 s26, $0x1;
	_ =	strace $0x80000046;
	[dreg:$0x1] =	wrdreg $0xFFFFFFFF  }
0xa7: {  	s28 =	simm.s32 $_size_execute0_lowered;
	s3 =	sadd.s32 s3, s5;
	[dreg:$0x0] =	wrdreg $0x0  }
0xa8: {  	s5 =	sshll.u32 s28, $0x1;
	[dreg:$0x2] =	wrdreg s3  }
0xa9: {  	[dreg:$0x3] =	wrdreg s5  }
0xaa: {  	[dreg:$0x4] =	wrdreg $0xC0  }
0xab: {  	_ =	task [dreg:s7], $0x5FFFF  }
0xac: {  	[dreg:$0x1] =	wrdreg $0xFFFFFFFF  }
0xad: {  	[dreg:$0x0] =	wrdreg $0x60  }
0xae: {  	[dreg:$0x2] =	wrdreg s2  }
0xaf: {  	[dreg:$0x3] =	wrdreg s24  }
0xb0: {  	[dreg:$0x4] =	wrdreg $0x2B000  }
0xb1: {  	[dreg:$0x5] =	wrdreg $0x9  }
0xb2: {  	_ =	task.clear_ibuf [dreg:s7], $0x6FFFF;
	_ =	strace $0x90000046  }
0xb3: {  	s29 =	simm.s32 $0x9;
	_ =	strace $0x80000048  }
0xb4: {  	_ =	swait.ge [sflag:s29], $0x1  }
0xb5: {  	[sflag:s29] =	ssyncadd.s32 $0xFFFFFFFF  }
0xb6: {  	_ =	strace $0x90000048  }
0xb7: {  	_ =	sfence  }
0xb8: {  	s30 =	sld [smem:$0x0];
	_ =	sdelay $0x2  }
0xb9: {  	s31 =	sshll.u32 s1, $0xD;
	s1 =	sshrl.u32 s1, $0x2  }
0xba: {  	s3 =	sand.u32 $0x4000, s31;
	s1 =	sadd.s32 s1, s30  }
0xbb: {  	s0 =	sor.u32 s3, s0;
	s1 =	sshll.u32 s1, $0x11  }
0xbc: {  	s0 =	sor.u32 s1, s0  }
0xbd: {  	s0 =	sadd.s32 $0x8F2B, s0  }
0xbe: {  	[sflag:s0] =	ssyncadd.remote.s32 $0x1  }
0xbf: {  	_ =	sfence.sel $0xFFFF  }
0xc0: {  	[dreg:$0x0] =	wrdreg $0xFFFFFFFF;
	(pc) =	sbr.abs _section_cstart, $3  }
0xc1: {  	[dreg:$0x1] =	wrdreg $0xFFFFFFFF  }
0xc2: {  	_ =	task.clear_ibuf [dreg:s7], $0x2FFFF;
	_ =	strace $0x9FFFFFFF  }
0xc3: {  	(tm) =	ssettm $0x7FFFFFFF  }
tec
execute0_lowered:
.L_overlay_start_1:
0x0: {  	(tag) =	ssettag $0x1  }
0x1: {  	s4 =	rddreg [dreg:$0x0]  }
0x2: {  	s5 =	rddreg [dreg:$0x1];
	s1 =	srdreg.scid  }
0x3: {  	s0 =	stileid.u32;
	s2 =	rddreg [dreg:$0x2];
	s3 =	simm.s32 $0x0  }
0x4: {  	s11 =	simm.s32 $0x2800;
	s6 =	sand.u32 $0x1, s1;
	s1 =	rddreg [dreg:$0x3]  }
0x5: {  	s14 =	simm.s32 $0x0;
	s7 =	smul.u32 $0x280, s0;
	[smem:$0x7FF] =	sst s3  }
0x6: {  	s9 =	sshll.u32 s0, $0x1;
	s12 =	sshll.u32 s0, $0x6;
	s8 =	smul.u32 $0x2800, s6  }
0x7: {  	s10 =	ssub.s32 $0x2, s6;
	s6 =	sor.u32 s6, s9;
	_ =	strace $0x80000047  }
0x8: {  	s31 =	sshrl.u32 s10, $0x1;
	s6 =	smul.u32 $0x500, s6;
	s8 =	sadd.s32 s7, s8  }
0x9: {  	s12 =	sor.u32 $0x1C01, s12;
	s9 =	ssub.s32 s10, s31;
	s8 =	sshrl.u32 s8, $0x3  }
0xa: {  	s10 =	simm.s32 $0x80;
	s4 =	sadd.s32 s4, s6;
	s8 =	sadd.s32 s8, s5  }
0xb: {  	s5 =	sadd.s32 s7, s2;
	s7 =	smax.u32 s9, $0x1;
	s9 =	simm.s32 $0x2880  }
0xc: {  	v0 =	vimm.f32 $1.000000000e+00;
	v1 =	vimm.f32 $0.0e+00;
	s6 =	sadd.s32 $0x1800, s8;
	s8 =	simm.s32 $0x1;
	s13 =	sshrl.u32 s5, $0x3  }
.LBB2_1:
0xd: {  	[tilespmem:s3], [sflag:$0x1] =	stream.linear.gather [hbm4b:s4+s3], $0x2800, $0x38;
	[tilespmem:$0x2D80] =	vst v63  }
0xe: {  	_ =	swait.ge [sflag:s8], $0x2800  }
0xf: {  	[sflag:s8] =	ssyncset.done $0x0  }
0x10: {  	[sflag:s8] =	ssyncadd.s32 $0xFFFFD800  }
0x11: {  	[tilespmem:$0x2800] =	vst v0  }
0x12: {  	[tilespmem:$0x2810] =	vst v0  }
0x13: {  	[tilespmem:$0x2820] =	vst v0  }
0x14: {  	[tilespmem:$0x2830] =	vst v0  }
0x15: {  	[tilespmem:$0x2840] =	vst v0  }
0x16: {  	[tilespmem:$0x2850] =	vst v0  }
0x17: {  	[tilespmem:$0x2860] =	vst v0  }
0x18: {  	[tilespmem:$0x2870] =	vst v0  }
0x19: {  	[tilespmem:$0x2880] =	vst v1  }
0x1a: {  	[tilespmem:$0x2890] =	vst v1  }
0x1b: {  	[tilespmem:$0x28A0] =	vst v1  }
0x1c: {  	[tilespmem:$0x28B0] =	vst v1  }
0x1d: {  	[tilespmem:$0x28C0] =	vst v1  }
0x1e: {  	[tilespmem:$0x28D0] =	vst v1  }
0x1f: {  	[tilespmem:$0x28E0] =	vst v1  }
0x20: {  	[tilespmem:$0x28F0] =	vst v1  }
0x21: {  	[tilespmem:$0x2900] =	vst v1  }
0x22: {  	[tilespmem:$0x2910] =	vst v1  }
0x23: {  	[tilespmem:$0x2920] =	vst v1  }
0x24: {  	[tilespmem:$0x2930] =	vst v1  }
0x25: {  	[tilespmem:$0x2940] =	vst v1  }
0x26: {  	[tilespmem:$0x2950] =	vst v1  }
0x27: {  	[tilespmem:$0x2960] =	vst v1  }
0x28: {  	[tilespmem:$0x2970] =	vst v1  }
0x29: {  	[tilespmem:$0x2980] =	vst v1  }
0x2a: {  	[tilespmem:$0x2990] =	vst v1  }
0x2b: {  	[tilespmem:$0x29A0] =	vst v1  }
0x2c: {  	[tilespmem:$0x29B0] =	vst v1  }
0x2d: {  	[tilespmem:$0x29C0] =	vst v1  }
0x2e: {  	[tilespmem:$0x29D0] =	vst v1  }
0x2f: {  	[tilespmem:$0x29E0] =	vst v1  }
0x30: {  	[tilespmem:$0x29F0] =	vst v1  }
0x31: {  	[tilespmem:$0x2A00] =	vst v1  }
0x32: {  	[tilespmem:$0x2A10] =	vst v1  }
0x33: {  	[tilespmem:$0x2A20] =	vst v1  }
0x34: {  	[tilespmem:$0x2A30] =	vst v1  }
0x35: {  	[tilespmem:$0x2A40] =	vst v1  }
0x36: {  	[tilespmem:$0x2A50] =	vst v1  }
0x37: {  	[tilespmem:$0x2A60] =	vst v1  }
0x38: {  	[tilespmem:$0x2A70] =	vst v1  }
0x39: {  	[tilespmem:$0x2A80] =	vst v1  }
0x3a: {  	[tilespmem:$0x2A90] =	vst v1  }
0x3b: {  	[tilespmem:$0x2AA0] =	vst v1  }
0x3c: {  	[tilespmem:$0x2AB0] =	vst v1  }
0x3d: {  	[tilespmem:$0x2AC0] =	vst v1  }
0x3e: {  	[tilespmem:$0x2AD0] =	vst v1  }
0x3f: {  	[tilespmem:$0x2AE0] =	vst v1  }
0x40: {  	[tilespmem:$0x2AF0] =	vst v1  }
0x41: {  	[spmem:s5] =	stream.linear.scatter [tilespmem:s9], [sflag:$0x1], $0x280, $0x38;
	[tilespmem:$0x2D80] =	vst v63  }
0x42: {  	_ =	swait.ge [sflag:s8], $0x280  }
0x43: {  	[sflag:s8] =	ssyncset.done $0x0  }
0x44: {  	[sflag:s8] =	ssyncadd.s32 $0xFFFFFD80  }
0x45: {  	s15 =	simm.s32 $0x0;
	[bflag:$0x0] =	sbarrier.arrive $0xFFFF  }
0x46: {  	[spmem:s2] =	stream.indirect.scatter.add.f32 [tilespmem:s11], [sflag:$0x1], $0x1, s15, s10, $0xb8;
	[tilespmem:$0x2D80] =	vst v63  }
0x47: {  	_ =	swait.ge [sflag:s8], $0x80  }
0x48: {  	s15 =	simm.s32 $0x200;
	[sflag:s8] =	ssyncset.done $0x0  }
.LBB2_2:
0x49: {  	s16 =	sshra.s32 s15, $0x2;
	[sflag:s8] =	ssyncadd.s32 $0xFFFFFF80;
	p0 =	sne.s32 s15, $0x9E00  }
0x4a: {  	[spmem:s2] =	stream.indirect.scatter.add.f32 [tilespmem:s11], [sflag:$0x1], $0x1, s16, s10, $0xb8;
	[tilespmem:$0x2D80] =	vst v63  }
.Ltmp0:
0x4b: {  	_ = 	snop;
	(pc) =	sbr.rel @p0 .LBB2_2-.Ltmp0, $4  }
0x4c: {  	_ = 	snop  }
0x4d: {  	s15 =	sadd.s32 $0x200, s15  }
0x4e: {  	_ =	swait.ge [sflag:s8], $0x80  }
0x4f: {  	[sflag:s8] =	ssyncset.done $0x0  }
0x50: {  	s14 =	sadd.s32 $0x1, s14  }
0x51: {  	[sflag:s8] =	ssyncadd.s32 $0xFFFFFF80;
	p0 =	sne.s32 s14, s7  }
.Ltmp1:
0x52: {  	[bflag:$0x0] =	sbarrier.arrive $0xFFFF;
	(pc) =	sbr.rel @p0 .LBB2_1-.Ltmp1, $4  }
0x53: {  	[hbm:s6], [sflag:s12] =	dma.local [spmem:s13], $0x50  }
0x54: {  	_ =	swait.ge [sflag:s8], $0x50  }
0x55: {  	[sflag:s8] =	ssyncset.done $0x0  }
0x56: {  	[sflag:s8] =	ssyncadd.s32 $0xFFFFFFB0  }
0x57: {  	_ =	sfence.sel $0x180000  }
0x58: {  	[bflag:$0x0] =	sbarrier.arrive $0xFFFF  }
0x59: {  	p0 =	sne.s32 s0, $0x0;
	_ =	strace $0x90000047  }
0x5a: {  	s0 =	sadd.s32 @!p0 $0x100000, s1;
	[bflag:$0x2] =	sbarrier.arrive $0xFFFF  }
0x5b: {  	[sflag:s0] =	ssyncadd.tile.s32 @!p0 $0x1;
	_ =	shalt  }
.Lfunc_end2:
_tile_overlayer_lowered:
.L_overlay_start_2:
0x5c: {  	(tag) =	ssettag $0x2  }
0x5d: {  	s0 =	rddreg [dreg:$0x0];
	s2 =	stileid.u32  }
0x5e: {  	s1 =	rddreg [dreg:$0x1];
	p0 =	sne.s32 s2, $0x0  }
0x5f: {  	s3 =	rddreg [dreg:$0x2];
	[bflag:$0x3] =	sbarrier.arrive $0xFFFF;
	s2 =	simm.s32 @!p0 $0x1C01  }
0x60: {  	[timem:s3], [sflag:s2] =	dma.local @!p0 [hbm:s0], s1  }
0x61: {  	s0 =	simm.s32 @!p0 $0x1  }
0x62: {  	_ =	swait.ge @!p0 [sflag:s0], s1  }
0x63: {  	s1 =	ssub.s32 @!p0 $0x0, s1;
	[sflag:s0] =	ssyncset.done @!p0 $0x0  }
0x64: {  	[sflag:s0] =	ssyncadd.s32 @!p0 s1  }
0x65: {  	[bflag:$0x3] =	sbarrier.arrive $0xFFFF  }
0x66: {  	_ =	shalt  }

</sc_bundles>
